<compile_context>
chip_gen: v7x
topology: tpu7x:2x2x1
jax: 0.10.2.dev20260603
libtpu: 0.0.44.dev20260713+nightly
codegen_flags: <defaults>
</compile_context>

<pallas_src>
import functools

import jax
import jax.numpy as jnp
from jax import lax
from jax.experimental import pallas as pl
from jax.experimental.pallas import tpu as pltpu
from jax.experimental.pallas import tpu_sc as plsc

_NUM_CHARS = 256
_D = 128
_B_ROWS = 4096
_SEQ = 200
_TOTAL = _B_ROWS * _SEQ

_NC = 2
_NS = 16
_NW = _NC * _NS
_B_PER_W = _TOTAL // _NW
_CHUNK = 64
_NCHUNK = _B_PER_W // _CHUNK
_GPB = 1
_NBUF = 12
_NGROUP = _NCHUNK // (_NBUF * _GPB)
_NREM = _NCHUNK - _NGROUP * _NBUF * _GPB
_IPR = 128 // _CHUNK

_mesh = plsc.VectorSubcoreMesh(core_axis_name="c", subcore_axis_name="s")


@functools.partial(
    pl.kernel,
    out_type=jax.ShapeDtypeStruct((_TOTAL, _D), jnp.float32),
    mesh=_mesh,
    scratch_types=[
        pltpu.VMEM_SHARED((_NUM_CHARS + 3, _D), jnp.float32),
        pltpu.VMEM((_NCHUNK // _IPR, 128), jnp.int32),
        *[pltpu.VMEM((_GPB * _CHUNK, _D), jnp.float32) for _ in range(_NBUF)],
        *[pltpu.SemaphoreType.DMA for _ in range(_NBUF)],
        *[pltpu.SemaphoreType.DMA for _ in range(_NBUF)],
    ],
)
def _embed_sc(table_hbm, x_hbm, out_hbm, table_sp, idx_v, *rest):
    bufs = rest[:_NBUF]
    gsems = rest[_NBUF:2 * _NBUF]
    ssems = rest[2 * _NBUF:]

    sid = lax.axis_index("s")
    wid = sid * _NC + lax.axis_index("c")
    base = wid * _B_PER_W

    @pl.when(sid == 0)
    def _():
        pltpu.sync_copy(table_hbm, table_sp)

    pltpu.sync_copy(x_hbm.at[wid], idx_v)
    plsc.subcore_barrier()

    def wait_scatter(b):
        pltpu.make_async_copy(
            bufs[b], out_hbm.at[pl.ds(0, _GPB * _CHUNK)], ssems[b]
        ).wait()

    def group(g, first):
        descs = []
        for b in range(_NBUF):
            if not first:
                wait_scatter(b)
            for p in range(_GPB):
                j = (g * _NBUF + b) * _GPB + p
                descs.append(
                    pltpu.async_copy(
                        table_sp.at[
                            idx_v.at[j // _IPR, pl.ds((j % _IPR) * _CHUNK, _CHUNK)]
                        ],
                        bufs[b].at[pl.ds(p * _CHUNK, _CHUNK)],
                        gsems[b],
                    )
                )
        for b in range(_NBUF):
            j = (g * _NBUF + b) * _GPB
            for p in range(_GPB):
                descs[b * _GPB + p].wait()
            pltpu.async_copy(
                bufs[b],
                out_hbm.at[pl.ds(base + j * _CHUNK, _GPB * _CHUNK)],
                ssems[b],
            )

    group(0, True)

    def body(g, carry):
        group(g, False)
        return carry

    lax.fori_loop(1, _NGROUP, body, 0)

    rem_descs = []
    for b in range(_NREM):
        wait_scatter(b)
        j = _NGROUP * _NBUF + b
        rem_descs.append(
            pltpu.async_copy(
                table_sp.at[
                    idx_v.at[j // _IPR, pl.ds((j % _IPR) * _CHUNK, _CHUNK)]
                ],
                bufs[b].at[pl.ds(0, _CHUNK)],
                gsems[b],
            )
        )
    for b in range(_NREM):
        j = _NGROUP * _NBUF + b
        rem_descs[b].wait()
        pltpu.async_copy(
            bufs[b].at[pl.ds(0, _CHUNK)],
            out_hbm.at[pl.ds(base + j * _CHUNK, _CHUNK)],
            ssems[b],
        )
    for b in range(_NREM):
        pltpu.make_async_copy(
            bufs[b].at[pl.ds(0, _CHUNK)], out_hbm.at[pl.ds(0, _CHUNK)], ssems[b]
        ).wait()
    for b in range(_NREM, _NBUF):
        wait_scatter(b)


@jax.jit
def kernel(x, table):
    x32 = x.astype(jnp.int32).reshape(_NW, _NCHUNK // _IPR, 128)
    out = _embed_sc(table, x32)
    return out.reshape(_B_ROWS, _SEQ, _D)

# --- scband reference (transcript-rebuilt; emitter-appended) ---
"""Pipeline reference for scband-char-embedder-10926396801585 (READ-ONLY COPY).

The authoritative reference and input builder live on the scoring server;
editing this copy changes nothing except your own understanding.
"""

import jax, jax.numpy as jnp
import numpy as np

NUM_CHARS = 256
HIDDEN_DIM = 128


def setup_inputs(seed: int = 0) -> dict:
    key = jax.random.key(seed)
    k1, k2 = jax.random.split(key)
    # char indices in [0, NUM_CHARS + 3)
    x = jax.random.randint(k1, (4096, 200), 0, NUM_CHARS + 3)
    # embedding table (NUM_CHARS + 3, HIDDEN_DIM); padding_idx=0 row zeroed
    table = jax.random.normal(k2, (NUM_CHARS + 3, HIDDEN_DIM), dtype=jnp.float32)
    table = table.at[0].set(0.0)
    return {"x": x, "table": table}


def reference(x, table):
    # CharEmbedder.embed: nn.Embedding(padding_idx=0) lookup, then dropout.
    # Dropout is identity in eval mode.
    emb = jnp.take(table, x, axis=0)
    return emb

if __name__ == "__main__":
    import jax
    _d = setup_inputs()
    print(jax.jit(kernel)(*tuple(_d.values())))

</pallas_src>

<mosaic_0001>
#map = affine_map<(d0, d1) -> (0, 0)>
#map1 = affine_map<(d0, d1) -> (0, 0, 0)>
module attributes {stable_mosaic.version = 14 : i64} {
  func.func @_embed_sc(%arg0: i32, %arg1: i32, %arg2: memref<259x128xf32, #tpu.memory_space<hbm>>, %arg3: memref<32x200x128xi32, #tpu.memory_space<hbm>>, %arg4: memref<819200x128xf32, #tpu.memory_space<hbm>>, %arg5: memref<259x128xf32, #tpu.memory_space<vmem_shared>>, %arg6: memref<200x128xi32, #tpu.memory_space<vmem>>, %arg7: memref<64x128xf32, #tpu.memory_space<vmem>>, %arg8: memref<64x128xf32, #tpu.memory_space<vmem>>, %arg9: memref<64x128xf32, #tpu.memory_space<vmem>>, %arg10: memref<64x128xf32, #tpu.memory_space<vmem>>, %arg11: memref<64x128xf32, #tpu.memory_space<vmem>>, %arg12: memref<64x128xf32, #tpu.memory_space<vmem>>, %arg13: memref<64x128xf32, #tpu.memory_space<vmem>>, %arg14: memref<64x128xf32, #tpu.memory_space<vmem>>, %arg15: memref<64x128xf32, #tpu.memory_space<vmem>>, %arg16: memref<64x128xf32, #tpu.memory_space<vmem>>, %arg17: memref<64x128xf32, #tpu.memory_space<vmem>>, %arg18: memref<64x128xf32, #tpu.memory_space<vmem>>, %arg19: memref<!tpu.dma_semaphore, #tpu.memory_space<semaphore_mem>>, %arg20: memref<!tpu.dma_semaphore, #tpu.memory_space<semaphore_mem>>, %arg21: memref<!tpu.dma_semaphore, #tpu.memory_space<semaphore_mem>>, %arg22: memref<!tpu.dma_semaphore, #tpu.memory_space<semaphore_mem>>, %arg23: memref<!tpu.dma_semaphore, #tpu.memory_space<semaphore_mem>>, %arg24: memref<!tpu.dma_semaphore, #tpu.memory_space<semaphore_mem>>, %arg25: memref<!tpu.dma_semaphore, #tpu.memory_space<semaphore_mem>>, %arg26: memref<!tpu.dma_semaphore, #tpu.memory_space<semaphore_mem>>, %arg27: memref<!tpu.dma_semaphore, #tpu.memory_space<semaphore_mem>>, %arg28: memref<!tpu.dma_semaphore, #tpu.memory_space<semaphore_mem>>, %arg29: memref<!tpu.dma_semaphore, #tpu.memory_space<semaphore_mem>>, %arg30: memref<!tpu.dma_semaphore, #tpu.memory_space<semaphore_mem>>, %arg31: memref<!tpu.dma_semaphore, #tpu.memory_space<semaphore_mem>>, %arg32: memref<!tpu.dma_semaphore, #tpu.memory_space<semaphore_mem>>, %arg33: memref<!tpu.dma_semaphore, #tpu.memory_space<semaphore_mem>>, %arg34: memref<!tpu.dma_semaphore, #tpu.memory_space<semaphore_mem>>, %arg35: memref<!tpu.dma_semaphore, #tpu.memory_space<semaphore_mem>>, %arg36: memref<!tpu.dma_semaphore, #tpu.memory_space<semaphore_mem>>, %arg37: memref<!tpu.dma_semaphore, #tpu.memory_space<semaphore_mem>>, %arg38: memref<!tpu.dma_semaphore, #tpu.memory_space<semaphore_mem>>, %arg39: memref<!tpu.dma_semaphore, #tpu.memory_space<semaphore_mem>>, %arg40: memref<!tpu.dma_semaphore, #tpu.memory_space<semaphore_mem>>, %arg41: memref<!tpu.dma_semaphore, #tpu.memory_space<semaphore_mem>>, %arg42: memref<!tpu.dma_semaphore, #tpu.memory_space<semaphore_mem>>) attributes {dimension_semantics = [#tpu.dimension_semantics<core_parallel>, #tpu.dimension_semantics<subcore_parallel>], iteration_bounds = array<i64: 2, 16>, scalar_prefetch = 0 : i64, scratch_operands = 38 : i64, tpu.core_type = #tpu.core_type<sc_vector_subcore>, window_params = [{transform_indices = #map}, {transform_indices = #map1}, {transform_indices = #map}]} {
    %mul3A = arith.constant 2 : i32
    %mul3A_0 = arith.muli %arg1, %mul3A : i32
    %add3A = arith.addi %mul3A_0, %arg0 : i32
    %mul3A_1 = arith.constant 25600 : i32
    %mul3A_2 = arith.muli %add3A, %mul3A_1 : i32
    %eq3A = arith.constant 0 : i32
    %eq3A_3 = arith.cmpi eq, %arg1, %eq3A : i32
    %convert_element_type3A = arith.extui %eq3A_3 : i1 to i32
    %cond3A = arith.constant 0 : i32
    %cond3A_4 = arith.cmpi ne, %convert_element_type3A, %cond3A : i32
    scf.if %cond3A_4 {
      "tpu.region"() ({
        %run_scoped3A = tpu.sem_alloc : memref<!tpu.dma_semaphore, #tpu.memory_space<semaphore_mem>>
        tpu.enqueue_dma source(%arg2 : memref<259x128xf32, #tpu.memory_space<hbm>>) target(%arg5 : memref<259x128xf32, #tpu.memory_space<vmem_shared>>) target_semaphore(%run_scoped3A : memref<!tpu.dma_semaphore, #tpu.memory_space<semaphore_mem>>)
        tpu.wait_dma2 semaphore(%run_scoped3A : memref<!tpu.dma_semaphore, #tpu.memory_space<semaphore_mem>>) src(%arg2 : memref<259x128xf32, #tpu.memory_space<hbm>>) dst(%arg5 : memref<259x128xf32, #tpu.memory_space<vmem_shared>>)
        tpu.yield
      }) : () -> ()
    } else {
    }
    "tpu.region"() ({
      %run_scoped3A = tpu.sem_alloc : memref<!tpu.dma_semaphore, #tpu.memory_space<semaphore_mem>>
      %dma_start3A_568 = arith.constant 0 : i32
      %dma_start3A_569 = arith.constant 0 : i32
      %dma_start3A_570 = tpu.memref_slice %arg3[%add3A, %dma_start3A_568, %dma_start3A_569] : memref<32x200x128xi32, #tpu.memory_space<hbm>> -> memref<1x200x128xi32, #tpu.memory_space<hbm>>
      %dma_start3A_571 = tpu.memref_squeeze %dma_start3A_570 : memref<1x200x128xi32, #tpu.memory_space<hbm>> -> memref<200x128xi32, #tpu.memory_space<hbm>>
      %dma_start3A_572 = arith.constant 0 : i32
      %dma_start3A_573 = arith.constant 0 : i32
      %dma_start3A_574 = tpu.memref_slice %arg3[%add3A, %dma_start3A_572, %dma_start3A_573] : memref<32x200x128xi32, #tpu.memory_space<hbm>> -> memref<1x200x128xi32, #tpu.memory_space<hbm>>
      %dma_start3A_575 = tpu.memref_squeeze %dma_start3A_574 : memref<1x200x128xi32, #tpu.memory_space<hbm>> -> memref<200x128xi32, #tpu.memory_space<hbm>>
      tpu.enqueue_dma source(%dma_start3A_575 : memref<200x128xi32, #tpu.memory_space<hbm>>) target(%arg6 : memref<200x128xi32, #tpu.memory_space<vmem>>) target_semaphore(%run_scoped3A : memref<!tpu.dma_semaphore, #tpu.memory_space<semaphore_mem>>)
      %dma_wait3A_576 = arith.constant 0 : i32
      %dma_wait3A_577 = arith.constant 0 : i32
      %dma_wait3A_578 = tpu.memref_slice %arg3[%add3A, %dma_wait3A_576, %dma_wait3A_577] : memref<32x200x128xi32, #tpu.memory_space<hbm>> -> memref<1x200x128xi32, #tpu.memory_space<hbm>>
      %dma_wait3A_579 = tpu.memref_squeeze %dma_wait3A_578 : memref<1x200x128xi32, #tpu.memory_space<hbm>> -> memref<200x128xi32, #tpu.memory_space<hbm>>
      %dma_wait3A_580 = arith.constant 0 : i32
      %dma_wait3A_581 = arith.constant 0 : i32
      %dma_wait3A_582 = tpu.memref_slice %arg3[%add3A, %dma_wait3A_580, %dma_wait3A_581] : memref<32x200x128xi32, #tpu.memory_space<hbm>> -> memref<1x200x128xi32, #tpu.memory_space<hbm>>
      %dma_wait3A_583 = tpu.memref_squeeze %dma_wait3A_582 : memref<1x200x128xi32, #tpu.memory_space<hbm>> -> memref<200x128xi32, #tpu.memory_space<hbm>>
      tpu.wait_dma2 semaphore(%run_scoped3A : memref<!tpu.dma_semaphore, #tpu.memory_space<semaphore_mem>>) src(%dma_wait3A_583 : memref<200x128xi32, #tpu.memory_space<hbm>>) dst(%arg6 : memref<200x128xi32, #tpu.memory_space<vmem>>)
      tpu.yield
    }) : () -> ()
    %barrier3A = arith.constant 0 : index
    tpu.barrier barrier_id(%barrier3A)
    %dma_start3A = arith.constant 0 : i32
    %dma_start3A_5 = arith.constant 0 : i32
    %dma_start3A_6 = arith.constant 0 : i32
    %dma_start3A_7 = tpu.memref_slice %arg7[%dma_start3A_5, %dma_start3A_6] : memref<64x128xf32, #tpu.memory_space<vmem>> -> memref<64x128xf32, #tpu.memory_space<vmem>>
    %dma_start3A_8 = arith.constant 0 : i32
    %dma_start3A_9 = tpu.memref_slice %arg6[%dma_start3A, %dma_start3A_8] : memref<200x128xi32, #tpu.memory_space<vmem>> -> memref<1x64xi32, #tpu.memory_space<vmem>>
    %dma_start3A_10 = tpu.memref_squeeze %dma_start3A_9 : memref<1x64xi32, #tpu.memory_space<vmem>> -> memref<64xi32, #tpu.memory_space<vmem>>
    %dma_start3A_11 = arith.constant 0 : i32
    %dma_start3A_12 = arith.constant 0 : i32
    %dma_start3A_13 = tpu.memref_slice %arg5[%dma_start3A_11, %dma_start3A_12] : memref<259x128xf32, #tpu.memory_space<vmem_shared>> -> memref<259x128xf32, #tpu.memory_space<vmem_shared>>
    tpu.enqueue_indirect_dma source(%dma_start3A_13 : memref<259x128xf32, #tpu.memory_space<vmem_shared>>) target(%dma_start3A_7 : memref<64x128xf32, #tpu.memory_space<vmem>>) offsets(%dma_start3A_10 : memref<64xi32, #tpu.memory_space<vmem>>) semaphore(%arg19 : memref<!tpu.dma_semaphore, #tpu.memory_space<semaphore_mem>>)
    %dma_start3A_14 = arith.constant 0 : i32
    %dma_start3A_15 = arith.constant 0 : i32
    %dma_start3A_16 = arith.constant 0 : i32
    %dma_start3A_17 = tpu.memref_slice %arg8[%dma_start3A_15, %dma_start3A_16] : memref<64x128xf32, #tpu.memory_space<vmem>> -> memref<64x128xf32, #tpu.memory_space<vmem>>
    %dma_start3A_18 = arith.constant 64 : i32
    %dma_start3A_19 = tpu.memref_slice %arg6[%dma_start3A_14, %dma_start3A_18] : memref<200x128xi32, #tpu.memory_space<vmem>> -> memref<1x64xi32, #tpu.memory_space<vmem>>
    %dma_start3A_20 = tpu.memref_squeeze %dma_start3A_19 : memref<1x64xi32, #tpu.memory_space<vmem>> -> memref<64xi32, #tpu.memory_space<vmem>>
    %dma_start3A_21 = arith.constant 0 : i32
    %dma_start3A_22 = arith.constant 0 : i32
    %dma_start3A_23 = tpu.memref_slice %arg5[%dma_start3A_21, %dma_start3A_22] : memref<259x128xf32, #tpu.memory_space<vmem_shared>> -> memref<259x128xf32, #tpu.memory_space<vmem_shared>>
    tpu.enqueue_indirect_dma source(%dma_start3A_23 : memref<259x128xf32, #tpu.memory_space<vmem_shared>>) target(%dma_start3A_17 : memref<64x128xf32, #tpu.memory_space<vmem>>) offsets(%dma_start3A_20 : memref<64xi32, #tpu.memory_space<vmem>>) semaphore(%arg20 : memref<!tpu.dma_semaphore, #tpu.memory_space<semaphore_mem>>)
    %dma_start3A_24 = arith.constant 1 : i32
    %dma_start3A_25 = arith.constant 0 : i32
    %dma_start3A_26 = arith.constant 0 : i32
    %dma_start3A_27 = tpu.memref_slice %arg9[%dma_start3A_25, %dma_start3A_26] : memref<64x128xf32, #tpu.memory_space<vmem>> -> memref<64x128xf32, #tpu.memory_space<vmem>>
    %dma_start3A_28 = arith.constant 0 : i32
    %dma_start3A_29 = tpu.memref_slice %arg6[%dma_start3A_24, %dma_start3A_28] : memref<200x128xi32, #tpu.memory_space<vmem>> -> memref<1x64xi32, #tpu.memory_space<vmem>>
    %dma_start3A_30 = tpu.memref_squeeze %dma_start3A_29 : memref<1x64xi32, #tpu.memory_space<vmem>> -> memref<64xi32, #tpu.memory_space<vmem>>
    %dma_start3A_31 = arith.constant 0 : i32
    %dma_start3A_32 = arith.constant 0 : i32
    %dma_start3A_33 = tpu.memref_slice %arg5[%dma_start3A_31, %dma_start3A_32] : memref<259x128xf32, #tpu.memory_space<vmem_shared>> -> memref<259x128xf32, #tpu.memory_space<vmem_shared>>
    tpu.enqueue_indirect_dma source(%dma_start3A_33 : memref<259x128xf32, #tpu.memory_space<vmem_shared>>) target(%dma_start3A_27 : memref<64x128xf32, #tpu.memory_space<vmem>>) offsets(%dma_start3A_30 : memref<64xi32, #tpu.memory_space<vmem>>) semaphore(%arg21 : memref<!tpu.dma_semaphore, #tpu.memory_space<semaphore_mem>>)
    %dma_start3A_34 = arith.constant 1 : i32
    %dma_start3A_35 = arith.constant 0 : i32
    %dma_start3A_36 = arith.constant 0 : i32
    %dma_start3A_37 = tpu.memref_slice %arg10[%dma_start3A_35, %dma_start3A_36] : memref<64x128xf32, #tpu.memory_space<vmem>> -> memref<64x128xf32, #tpu.memory_space<vmem>>
    %dma_start3A_38 = arith.constant 64 : i32
    %dma_start3A_39 = tpu.memref_slice %arg6[%dma_start3A_34, %dma_start3A_38] : memref<200x128xi32, #tpu.memory_space<vmem>> -> memref<1x64xi32, #tpu.memory_space<vmem>>
    %dma_start3A_40 = tpu.memref_squeeze %dma_start3A_39 : memref<1x64xi32, #tpu.memory_space<vmem>> -> memref<64xi32, #tpu.memory_space<vmem>>
    %dma_start3A_41 = arith.constant 0 : i32
    %dma_start3A_42 = arith.constant 0 : i32
    %dma_start3A_43 = tpu.memref_slice %arg5[%dma_start3A_41, %dma_start3A_42] : memref<259x128xf32, #tpu.memory_space<vmem_shared>> -> memref<259x128xf32, #tpu.memory_space<vmem_shared>>
    tpu.enqueue_indirect_dma source(%dma_start3A_43 : memref<259x128xf32, #tpu.memory_space<vmem_shared>>) target(%dma_start3A_37 : memref<64x128xf32, #tpu.memory_space<vmem>>) offsets(%dma_start3A_40 : memref<64xi32, #tpu.memory_space<vmem>>) semaphore(%arg22 : memref<!tpu.dma_semaphore, #tpu.memory_space<semaphore_mem>>)
    %dma_start3A_44 = arith.constant 2 : i32
    %dma_start3A_45 = arith.constant 0 : i32
    %dma_start3A_46 = arith.constant 0 : i32
    %dma_start3A_47 = tpu.memref_slice %arg11[%dma_start3A_45, %dma_start3A_46] : memref<64x128xf32, #tpu.memory_space<vmem>> -> memref<64x128xf32, #tpu.memory_space<vmem>>
    %dma_start3A_48 = arith.constant 0 : i32
    %dma_start3A_49 = tpu.memref_slice %arg6[%dma_start3A_44, %dma_start3A_48] : memref<200x128xi32, #tpu.memory_space<vmem>> -> memref<1x64xi32, #tpu.memory_space<vmem>>
    %dma_start3A_50 = tpu.memref_squeeze %dma_start3A_49 : memref<1x64xi32, #tpu.memory_space<vmem>> -> memref<64xi32, #tpu.memory_space<vmem>>
    %dma_start3A_51 = arith.constant 0 : i32
    %dma_start3A_52 = arith.constant 0 : i32
    %dma_start3A_53 = tpu.memref_slice %arg5[%dma_start3A_51, %dma_start3A_52] : memref<259x128xf32, #tpu.memory_space<vmem_shared>> -> memref<259x128xf32, #tpu.memory_space<vmem_shared>>
    tpu.enqueue_indirect_dma source(%dma_start3A_53 : memref<259x128xf32, #tpu.memory_space<vmem_shared>>) target(%dma_start3A_47 : memref<64x128xf32, #tpu.memory_space<vmem>>) offsets(%dma_start3A_50 : memref<64xi32, #tpu.memory_space<vmem>>) semaphore(%arg23 : memref<!tpu.dma_semaphore, #tpu.memory_space<semaphore_mem>>)
    %dma_start3A_54 = arith.constant 2 : i32
    %dma_start3A_55 = arith.constant 0 : i32
    %dma_start3A_56 = arith.constant 0 : i32
    %dma_start3A_57 = tpu.memref_slice %arg12[%dma_start3A_55, %dma_start3A_56] : memref<64x128xf32, #tpu.memory_space<vmem>> -> memref<64x128xf32, #tpu.memory_space<vmem>>
    %dma_start3A_58 = arith.constant 64 : i32
    %dma_start3A_59 = tpu.memref_slice %arg6[%dma_start3A_54, %dma_start3A_58] : memref<200x128xi32, #tpu.memory_space<vmem>> -> memref<1x64xi32, #tpu.memory_space<vmem>>
    %dma_start3A_60 = tpu.memref_squeeze %dma_start3A_59 : memref<1x64xi32, #tpu.memory_space<vmem>> -> memref<64xi32, #tpu.memory_space<vmem>>
    %dma_start3A_61 = arith.constant 0 : i32
    %dma_start3A_62 = arith.constant 0 : i32
    %dma_start3A_63 = tpu.memref_slice %arg5[%dma_start3A_61, %dma_start3A_62] : memref<259x128xf32, #tpu.memory_space<vmem_shared>> -> memref<259x128xf32, #tpu.memory_space<vmem_shared>>
    tpu.enqueue_indirect_dma source(%dma_start3A_63 : memref<259x128xf32, #tpu.memory_space<vmem_shared>>) target(%dma_start3A_57 : memref<64x128xf32, #tpu.memory_space<vmem>>) offsets(%dma_start3A_60 : memref<64xi32, #tpu.memory_space<vmem>>) semaphore(%arg24 : memref<!tpu.dma_semaphore, #tpu.memory_space<semaphore_mem>>)
    %dma_start3A_64 = arith.constant 3 : i32
    %dma_start3A_65 = arith.constant 0 : i32
    %dma_start3A_66 = arith.constant 0 : i32
    %dma_start3A_67 = tpu.memref_slice %arg13[%dma_start3A_65, %dma_start3A_66] : memref<64x128xf32, #tpu.memory_space<vmem>> -> memref<64x128xf32, #tpu.memory_space<vmem>>
    %dma_start3A_68 = arith.constant 0 : i32
    %dma_start3A_69 = tpu.memref_slice %arg6[%dma_start3A_64, %dma_start3A_68] : memref<200x128xi32, #tpu.memory_space<vmem>> -> memref<1x64xi32, #tpu.memory_space<vmem>>
    %dma_start3A_70 = tpu.memref_squeeze %dma_start3A_69 : memref<1x64xi32, #tpu.memory_space<vmem>> -> memref<64xi32, #tpu.memory_space<vmem>>
    %dma_start3A_71 = arith.constant 0 : i32
    %dma_start3A_72 = arith.constant 0 : i32
    %dma_start3A_73 = tpu.memref_slice %arg5[%dma_start3A_71, %dma_start3A_72] : memref<259x128xf32, #tpu.memory_space<vmem_shared>> -> memref<259x128xf32, #tpu.memory_space<vmem_shared>>
    tpu.enqueue_indirect_dma source(%dma_start3A_73 : memref<259x128xf32, #tpu.memory_space<vmem_shared>>) target(%dma_start3A_67 : memref<64x128xf32, #tpu.memory_space<vmem>>) offsets(%dma_start3A_70 : memref<64xi32, #tpu.memory_space<vmem>>) semaphore(%arg25 : memref<!tpu.dma_semaphore, #tpu.memory_space<semaphore_mem>>)
    %dma_start3A_74 = arith.constant 3 : i32
    %dma_start3A_75 = arith.constant 0 : i32
    %dma_start3A_76 = arith.constant 0 : i32
    %dma_start3A_77 = tpu.memref_slice %arg14[%dma_start3A_75, %dma_start3A_76] : memref<64x128xf32, #tpu.memory_space<vmem>> -> memref<64x128xf32, #tpu.memory_space<vmem>>
    %dma_start3A_78 = arith.constant 64 : i32
    %dma_start3A_79 = tpu.memref_slice %arg6[%dma_start3A_74, %dma_start3A_78] : memref<200x128xi32, #tpu.memory_space<vmem>> -> memref<1x64xi32, #tpu.memory_space<vmem>>
    %dma_start3A_80 = tpu.memref_squeeze %dma_start3A_79 : memref<1x64xi32, #tpu.memory_space<vmem>> -> memref<64xi32, #tpu.memory_space<vmem>>
    %dma_start3A_81 = arith.constant 0 : i32
    %dma_start3A_82 = arith.constant 0 : i32
    %dma_start3A_83 = tpu.memref_slice %arg5[%dma_start3A_81, %dma_start3A_82] : memref<259x128xf32, #tpu.memory_space<vmem_shared>> -> memref<259x128xf32, #tpu.memory_space<vmem_shared>>
    tpu.enqueue_indirect_dma source(%dma_start3A_83 : memref<259x128xf32, #tpu.memory_space<vmem_shared>>) target(%dma_start3A_77 : memref<64x128xf32, #tpu.memory_space<vmem>>) offsets(%dma_start3A_80 : memref<64xi32, #tpu.memory_space<vmem>>) semaphore(%arg26 : memref<!tpu.dma_semaphore, #tpu.memory_space<semaphore_mem>>)
    %dma_start3A_84 = arith.constant 4 : i32
    %dma_start3A_85 = arith.constant 0 : i32
    %dma_start3A_86 = arith.constant 0 : i32
    %dma_start3A_87 = tpu.memref_slice %arg15[%dma_start3A_85, %dma_start3A_86] : memref<64x128xf32, #tpu.memory_space<vmem>> -> memref<64x128xf32, #tpu.memory_space<vmem>>
    %dma_start3A_88 = arith.constant 0 : i32
    %dma_start3A_89 = tpu.memref_slice %arg6[%dma_start3A_84, %dma_start3A_88] : memref<200x128xi32, #tpu.memory_space<vmem>> -> memref<1x64xi32, #tpu.memory_space<vmem>>
    %dma_start3A_90 = tpu.memref_squeeze %dma_start3A_89 : memref<1x64xi32, #tpu.memory_space<vmem>> -> memref<64xi32, #tpu.memory_space<vmem>>
    %dma_start3A_91 = arith.constant 0 : i32
    %dma_start3A_92 = arith.constant 0 : i32
    %dma_start3A_93 = tpu.memref_slice %arg5[%dma_start3A_91, %dma_start3A_92] : memref<259x128xf32, #tpu.memory_space<vmem_shared>> -> memref<259x128xf32, #tpu.memory_space<vmem_shared>>
    tpu.enqueue_indirect_dma source(%dma_start3A_93 : memref<259x128xf32, #tpu.memory_space<vmem_shared>>) target(%dma_start3A_87 : memref<64x128xf32, #tpu.memory_space<vmem>>) offsets(%dma_start3A_90 : memref<64xi32, #tpu.memory_space<vmem>>) semaphore(%arg27 : memref<!tpu.dma_semaphore, #tpu.memory_space<semaphore_mem>>)
    %dma_start3A_94 = arith.constant 4 : i32
    %dma_start3A_95 = arith.constant 0 : i32
    %dma_start3A_96 = arith.constant 0 : i32
    %dma_start3A_97 = tpu.memref_slice %arg16[%dma_start3A_95, %dma_start3A_96] : memref<64x128xf32, #tpu.memory_space<vmem>> -> memref<64x128xf32, #tpu.memory_space<vmem>>
    %dma_start3A_98 = arith.constant 64 : i32
    %dma_start3A_99 = tpu.memref_slice %arg6[%dma_start3A_94, %dma_start3A_98] : memref<200x128xi32, #tpu.memory_space<vmem>> -> memref<1x64xi32, #tpu.memory_space<vmem>>
    %dma_start3A_100 = tpu.memref_squeeze %dma_start3A_99 : memref<1x64xi32, #tpu.memory_space<vmem>> -> memref<64xi32, #tpu.memory_space<vmem>>
    %dma_start3A_101 = arith.constant 0 : i32
    %dma_start3A_102 = arith.constant 0 : i32
    %dma_start3A_103 = tpu.memref_slice %arg5[%dma_start3A_101, %dma_start3A_102] : memref<259x128xf32, #tpu.memory_space<vmem_shared>> -> memref<259x128xf32, #tpu.memory_space<vmem_shared>>
    tpu.enqueue_indirect_dma source(%dma_start3A_103 : memref<259x128xf32, #tpu.memory_space<vmem_shared>>) target(%dma_start3A_97 : memref<64x128xf32, #tpu.memory_space<vmem>>) offsets(%dma_start3A_100 : memref<64xi32, #tpu.memory_space<vmem>>) semaphore(%arg28 : memref<!tpu.dma_semaphore, #tpu.memory_space<semaphore_mem>>)
    %dma_start3A_104 = arith.constant 5 : i32
    %dma_start3A_105 = arith.constant 0 : i32
    %dma_start3A_106 = arith.constant 0 : i32
    %dma_start3A_107 = tpu.memref_slice %arg17[%dma_start3A_105, %dma_start3A_106] : memref<64x128xf32, #tpu.memory_space<vmem>> -> memref<64x128xf32, #tpu.memory_space<vmem>>
    %dma_start3A_108 = arith.constant 0 : i32
    %dma_start3A_109 = tpu.memref_slice %arg6[%dma_start3A_104, %dma_start3A_108] : memref<200x128xi32, #tpu.memory_space<vmem>> -> memref<1x64xi32, #tpu.memory_space<vmem>>
    %dma_start3A_110 = tpu.memref_squeeze %dma_start3A_109 : memref<1x64xi32, #tpu.memory_space<vmem>> -> memref<64xi32, #tpu.memory_space<vmem>>
    %dma_start3A_111 = arith.constant 0 : i32
    %dma_start3A_112 = arith.constant 0 : i32
    %dma_start3A_113 = tpu.memref_slice %arg5[%dma_start3A_111, %dma_start3A_112] : memref<259x128xf32, #tpu.memory_space<vmem_shared>> -> memref<259x128xf32, #tpu.memory_space<vmem_shared>>
    tpu.enqueue_indirect_dma source(%dma_start3A_113 : memref<259x128xf32, #tpu.memory_space<vmem_shared>>) target(%dma_start3A_107 : memref<64x128xf32, #tpu.memory_space<vmem>>) offsets(%dma_start3A_110 : memref<64xi32, #tpu.memory_space<vmem>>) semaphore(%arg29 : memref<!tpu.dma_semaphore, #tpu.memory_space<semaphore_mem>>)
    %dma_start3A_114 = arith.constant 5 : i32
    %dma_start3A_115 = arith.constant 0 : i32
    %dma_start3A_116 = arith.constant 0 : i32
    %dma_start3A_117 = tpu.memref_slice %arg18[%dma_start3A_115, %dma_start3A_116] : memref<64x128xf32, #tpu.memory_space<vmem>> -> memref<64x128xf32, #tpu.memory_space<vmem>>
    %dma_start3A_118 = arith.constant 64 : i32
    %dma_start3A_119 = tpu.memref_slice %arg6[%dma_start3A_114, %dma_start3A_118] : memref<200x128xi32, #tpu.memory_space<vmem>> -> memref<1x64xi32, #tpu.memory_space<vmem>>
    %dma_start3A_120 = tpu.memref_squeeze %dma_start3A_119 : memref<1x64xi32, #tpu.memory_space<vmem>> -> memref<64xi32, #tpu.memory_space<vmem>>
    %dma_start3A_121 = arith.constant 0 : i32
    %dma_start3A_122 = arith.constant 0 : i32
    %dma_start3A_123 = tpu.memref_slice %arg5[%dma_start3A_121, %dma_start3A_122] : memref<259x128xf32, #tpu.memory_space<vmem_shared>> -> memref<259x128xf32, #tpu.memory_space<vmem_shared>>
    tpu.enqueue_indirect_dma source(%dma_start3A_123 : memref<259x128xf32, #tpu.memory_space<vmem_shared>>) target(%dma_start3A_117 : memref<64x128xf32, #tpu.memory_space<vmem>>) offsets(%dma_start3A_120 : memref<64xi32, #tpu.memory_space<vmem>>) semaphore(%arg30 : memref<!tpu.dma_semaphore, #tpu.memory_space<semaphore_mem>>)
    %dma_wait3A = arith.constant 0 : i32
    %dma_wait3A_124 = arith.constant 0 : i32
    %dma_wait3A_125 = arith.constant 0 : i32
    %dma_wait3A_126 = tpu.memref_slice %arg7[%dma_wait3A_124, %dma_wait3A_125] : memref<64x128xf32, #tpu.memory_space<vmem>> -> memref<64x128xf32, #tpu.memory_space<vmem>>
    %dma_wait3A_127 = arith.constant 0 : i32
    %dma_wait3A_128 = tpu.memref_slice %arg6[%dma_wait3A, %dma_wait3A_127] : memref<200x128xi32, #tpu.memory_space<vmem>> -> memref<1x64xi32, #tpu.memory_space<vmem>>
    %dma_wait3A_129 = tpu.memref_squeeze %dma_wait3A_128 : memref<1x64xi32, #tpu.memory_space<vmem>> -> memref<64xi32, #tpu.memory_space<vmem>>
    %dma_wait3A_130 = arith.constant 0 : i32
    %dma_wait3A_131 = arith.constant 0 : i32
    %dma_wait3A_132 = tpu.memref_slice %arg5[%dma_wait3A_130, %dma_wait3A_131] : memref<259x128xf32, #tpu.memory_space<vmem_shared>> -> memref<259x128xf32, #tpu.memory_space<vmem_shared>>
    tpu.wait_indirect_dma semaphore(%arg19 : memref<!tpu.dma_semaphore, #tpu.memory_space<semaphore_mem>>) src(%dma_wait3A_132 : memref<259x128xf32, #tpu.memory_space<vmem_shared>>) dst(%dma_wait3A_126 : memref<64x128xf32, #tpu.memory_space<vmem>>)
    %add3A_133 = arith.constant 0 : i32
    %add3A_134 = arith.addi %mul3A_2, %add3A_133 : i32
    %dma_start3A_135 = arith.constant 0 : i32
    %dma_start3A_136 = tpu.memref_slice %arg4[%add3A_134, %dma_start3A_135] : memref<819200x128xf32, #tpu.memory_space<hbm>> -> memref<64x128xf32, #tpu.memory_space<hbm>>
    %dma_start3A_137 = arith.constant 0 : i32
    %dma_start3A_138 = tpu.memref_slice %arg4[%add3A_134, %dma_start3A_137] : memref<819200x128xf32, #tpu.memory_space<hbm>> -> memref<64x128xf32, #tpu.memory_space<hbm>>
    tpu.enqueue_dma source(%arg7 : memref<64x128xf32, #tpu.memory_space<vmem>>) target(%dma_start3A_138 : memref<64x128xf32, #tpu.memory_space<hbm>>) target_semaphore(%arg31 : memref<!tpu.dma_semaphore, #tpu.memory_space<semaphore_mem>>)
    %dma_wait3A_139 = arith.constant 0 : i32
    %dma_wait3A_140 = arith.constant 0 : i32
    %dma_wait3A_141 = arith.constant 0 : i32
    %dma_wait3A_142 = tpu.memref_slice %arg8[%dma_wait3A_140, %dma_wait3A_141] : memref<64x128xf32, #tpu.memory_space<vmem>> -> memref<64x128xf32, #tpu.memory_space<vmem>>
    %dma_wait3A_143 = arith.constant 64 : i32
    %dma_wait3A_144 = tpu.memref_slice %arg6[%dma_wait3A_139, %dma_wait3A_143] : memref<200x128xi32, #tpu.memory_space<vmem>> -> memref<1x64xi32, #tpu.memory_space<vmem>>
    %dma_wait3A_145 = tpu.memref_squeeze %dma_wait3A_144 : memref<1x64xi32, #tpu.memory_space<vmem>> -> memref<64xi32, #tpu.memory_space<vmem>>
    %dma_wait3A_146 = arith.constant 0 : i32
    %dma_wait3A_147 = arith.constant 0 : i32
    %dma_wait3A_148 = tpu.memref_slice %arg5[%dma_wait3A_146, %dma_wait3A_147] : memref<259x128xf32, #tpu.memory_space<vmem_shared>> -> memref<259x128xf32, #tpu.memory_space<vmem_shared>>
    tpu.wait_indirect_dma semaphore(%arg20 : memref<!tpu.dma_semaphore, #tpu.memory_space<semaphore_mem>>) src(%dma_wait3A_148 : memref<259x128xf32, #tpu.memory_space<vmem_shared>>) dst(%dma_wait3A_142 : memref<64x128xf32, #tpu.memory_space<vmem>>)
    %add3A_149 = arith.constant 64 : i32
    %add3A_150 = arith.addi %mul3A_2, %add3A_149 : i32
    %dma_start3A_151 = arith.constant 0 : i32
    %dma_start3A_152 = tpu.memref_slice %arg4[%add3A_150, %dma_start3A_151] : memref<819200x128xf32, #tpu.memory_space<hbm>> -> memref<64x128xf32, #tpu.memory_space<hbm>>
    %dma_start3A_153 = arith.constant 0 : i32
    %dma_start3A_154 = tpu.memref_slice %arg4[%add3A_150, %dma_start3A_153] : memref<819200x128xf32, #tpu.memory_space<hbm>> -> memref<64x128xf32, #tpu.memory_space<hbm>>
    tpu.enqueue_dma source(%arg8 : memref<64x128xf32, #tpu.memory_space<vmem>>) target(%dma_start3A_154 : memref<64x128xf32, #tpu.memory_space<hbm>>) target_semaphore(%arg32 : memref<!tpu.dma_semaphore, #tpu.memory_space<semaphore_mem>>)
    %dma_wait3A_155 = arith.constant 1 : i32
    %dma_wait3A_156 = arith.constant 0 : i32
    %dma_wait3A_157 = arith.constant 0 : i32
    %dma_wait3A_158 = tpu.memref_slice %arg9[%dma_wait3A_156, %dma_wait3A_157] : memref<64x128xf32, #tpu.memory_space<vmem>> -> memref<64x128xf32, #tpu.memory_space<vmem>>
    %dma_wait3A_159 = arith.constant 0 : i32
    %dma_wait3A_160 = tpu.memref_slice %arg6[%dma_wait3A_155, %dma_wait3A_159] : memref<200x128xi32, #tpu.memory_space<vmem>> -> memref<1x64xi32, #tpu.memory_space<vmem>>
    %dma_wait3A_161 = tpu.memref_squeeze %dma_wait3A_160 : memref<1x64xi32, #tpu.memory_space<vmem>> -> memref<64xi32, #tpu.memory_space<vmem>>
    %dma_wait3A_162 = arith.constant 0 : i32
    %dma_wait3A_163 = arith.constant 0 : i32
    %dma_wait3A_164 = tpu.memref_slice %arg5[%dma_wait3A_162, %dma_wait3A_163] : memref<259x128xf32, #tpu.memory_space<vmem_shared>> -> memref<259x128xf32, #tpu.memory_space<vmem_shared>>
    tpu.wait_indirect_dma semaphore(%arg21 : memref<!tpu.dma_semaphore, #tpu.memory_space<semaphore_mem>>) src(%dma_wait3A_164 : memref<259x128xf32, #tpu.memory_space<vmem_shared>>) dst(%dma_wait3A_158 : memref<64x128xf32, #tpu.memory_space<vmem>>)
    %add3A_165 = arith.constant 128 : i32
    %add3A_166 = arith.addi %mul3A_2, %add3A_165 : i32
    %dma_start3A_167 = arith.constant 0 : i32
    %dma_start3A_168 = tpu.memref_slice %arg4[%add3A_166, %dma_start3A_167] : memref<819200x128xf32, #tpu.memory_space<hbm>> -> memref<64x128xf32, #tpu.memory_space<hbm>>
    %dma_start3A_169 = arith.constant 0 : i32
    %dma_start3A_170 = tpu.memref_slice %arg4[%add3A_166, %dma_start3A_169] : memref<819200x128xf32, #tpu.memory_space<hbm>> -> memref<64x128xf32, #tpu.memory_space<hbm>>
    tpu.enqueue_dma source(%arg9 : memref<64x128xf32, #tpu.memory_space<vmem>>) target(%dma_start3A_170 : memref<64x128xf32, #tpu.memory_space<hbm>>) target_semaphore(%arg33 : memref<!tpu.dma_semaphore, #tpu.memory_space<semaphore_mem>>)
    %dma_wait3A_171 = arith.constant 1 : i32
    %dma_wait3A_172 = arith.constant 0 : i32
    %dma_wait3A_173 = arith.constant 0 : i32
    %dma_wait3A_174 = tpu.memref_slice %arg10[%dma_wait3A_172, %dma_wait3A_173] : memref<64x128xf32, #tpu.memory_space<vmem>> -> memref<64x128xf32, #tpu.memory_space<vmem>>
    %dma_wait3A_175 = arith.constant 64 : i32
    %dma_wait3A_176 = tpu.memref_slice %arg6[%dma_wait3A_171, %dma_wait3A_175] : memref<200x128xi32, #tpu.memory_space<vmem>> -> memref<1x64xi32, #tpu.memory_space<vmem>>
    %dma_wait3A_177 = tpu.memref_squeeze %dma_wait3A_176 : memref<1x64xi32, #tpu.memory_space<vmem>> -> memref<64xi32, #tpu.memory_space<vmem>>
    %dma_wait3A_178 = arith.constant 0 : i32
    %dma_wait3A_179 = arith.constant 0 : i32
    %dma_wait3A_180 = tpu.memref_slice %arg5[%dma_wait3A_178, %dma_wait3A_179] : memref<259x128xf32, #tpu.memory_space<vmem_shared>> -> memref<259x128xf32, #tpu.memory_space<vmem_shared>>
    tpu.wait_indirect_dma semaphore(%arg22 : memref<!tpu.dma_semaphore, #tpu.memory_space<semaphore_mem>>) src(%dma_wait3A_180 : memref<259x128xf32, #tpu.memory_space<vmem_shared>>) dst(%dma_wait3A_174 : memref<64x128xf32, #tpu.memory_space<vmem>>)
    %add3A_181 = arith.constant 192 : i32
    %add3A_182 = arith.addi %mul3A_2, %add3A_181 : i32
    %dma_start3A_183 = arith.constant 0 : i32
    %dma_start3A_184 = tpu.memref_slice %arg4[%add3A_182, %dma_start3A_183] : memref<819200x128xf32, #tpu.memory_space<hbm>> -> memref<64x128xf32, #tpu.memory_space<hbm>>
    %dma_start3A_185 = arith.constant 0 : i32
    %dma_start3A_186 = tpu.memref_slice %arg4[%add3A_182, %dma_start3A_185] : memref<819200x128xf32, #tpu.memory_space<hbm>> -> memref<64x128xf32, #tpu.memory_space<hbm>>
    tpu.enqueue_dma source(%arg10 : memref<64x128xf32, #tpu.memory_space<vmem>>) target(%dma_start3A_186 : memref<64x128xf32, #tpu.memory_space<hbm>>) target_semaphore(%arg34 : memref<!tpu.dma_semaphore, #tpu.memory_space<semaphore_mem>>)
    %dma_wait3A_187 = arith.constant 2 : i32
    %dma_wait3A_188 = arith.constant 0 : i32
    %dma_wait3A_189 = arith.constant 0 : i32
    %dma_wait3A_190 = tpu.memref_slice %arg11[%dma_wait3A_188, %dma_wait3A_189] : memref<64x128xf32, #tpu.memory_space<vmem>> -> memref<64x128xf32, #tpu.memory_space<vmem>>
    %dma_wait3A_191 = arith.constant 0 : i32
    %dma_wait3A_192 = tpu.memref_slice %arg6[%dma_wait3A_187, %dma_wait3A_191] : memref<200x128xi32, #tpu.memory_space<vmem>> -> memref<1x64xi32, #tpu.memory_space<vmem>>
    %dma_wait3A_193 = tpu.memref_squeeze %dma_wait3A_192 : memref<1x64xi32, #tpu.memory_space<vmem>> -> memref<64xi32, #tpu.memory_space<vmem>>
    %dma_wait3A_194 = arith.constant 0 : i32
    %dma_wait3A_195 = arith.constant 0 : i32
    %dma_wait3A_196 = tpu.memref_slice %arg5[%dma_wait3A_194, %dma_wait3A_195] : memref<259x128xf32, #tpu.memory_space<vmem_shared>> -> memref<259x128xf32, #tpu.memory_space<vmem_shared>>
    tpu.wait_indirect_dma semaphore(%arg23 : memref<!tpu.dma_semaphore, #tpu.memory_space<semaphore_mem>>) src(%dma_wait3A_196 : memref<259x128xf32, #tpu.memory_space<vmem_shared>>) dst(%dma_wait3A_190 : memref<64x128xf32, #tpu.memory_space<vmem>>)
    %add3A_197 = arith.constant 256 : i32
    %add3A_198 = arith.addi %mul3A_2, %add3A_197 : i32
    %dma_start3A_199 = arith.constant 0 : i32
    %dma_start3A_200 = tpu.memref_slice %arg4[%add3A_198, %dma_start3A_199] : memref<819200x128xf32, #tpu.memory_space<hbm>> -> memref<64x128xf32, #tpu.memory_space<hbm>>
    %dma_start3A_201 = arith.constant 0 : i32
    %dma_start3A_202 = tpu.memref_slice %arg4[%add3A_198, %dma_start3A_201] : memref<819200x128xf32, #tpu.memory_space<hbm>> -> memref<64x128xf32, #tpu.memory_space<hbm>>
    tpu.enqueue_dma source(%arg11 : memref<64x128xf32, #tpu.memory_space<vmem>>) target(%dma_start3A_202 : memref<64x128xf32, #tpu.memory_space<hbm>>) target_semaphore(%arg35 : memref<!tpu.dma_semaphore, #tpu.memory_space<semaphore_mem>>)
    %dma_wait3A_203 = arith.constant 2 : i32
    %dma_wait3A_204 = arith.constant 0 : i32
    %dma_wait3A_205 = arith.constant 0 : i32
    %dma_wait3A_206 = tpu.memref_slice %arg12[%dma_wait3A_204, %dma_wait3A_205] : memref<64x128xf32, #tpu.memory_space<vmem>> -> memref<64x128xf32, #tpu.memory_space<vmem>>
    %dma_wait3A_207 = arith.constant 64 : i32
    %dma_wait3A_208 = tpu.memref_slice %arg6[%dma_wait3A_203, %dma_wait3A_207] : memref<200x128xi32, #tpu.memory_space<vmem>> -> memref<1x64xi32, #tpu.memory_space<vmem>>
    %dma_wait3A_209 = tpu.memref_squeeze %dma_wait3A_208 : memref<1x64xi32, #tpu.memory_space<vmem>> -> memref<64xi32, #tpu.memory_space<vmem>>
    %dma_wait3A_210 = arith.constant 0 : i32
    %dma_wait3A_211 = arith.constant 0 : i32
    %dma_wait3A_212 = tpu.memref_slice %arg5[%dma_wait3A_210, %dma_wait3A_211] : memref<259x128xf32, #tpu.memory_space<vmem_shared>> -> memref<259x128xf32, #tpu.memory_space<vmem_shared>>
    tpu.wait_indirect_dma semaphore(%arg24 : memref<!tpu.dma_semaphore, #tpu.memory_space<semaphore_mem>>) src(%dma_wait3A_212 : memref<259x128xf32, #tpu.memory_space<vmem_shared>>) dst(%dma_wait3A_206 : memref<64x128xf32, #tpu.memory_space<vmem>>)
    %add3A_213 = arith.constant 320 : i32
    %add3A_214 = arith.addi %mul3A_2, %add3A_213 : i32
    %dma_start3A_215 = arith.constant 0 : i32
    %dma_start3A_216 = tpu.memref_slice %arg4[%add3A_214, %dma_start3A_215] : memref<819200x128xf32, #tpu.memory_space<hbm>> -> memref<64x128xf32, #tpu.memory_space<hbm>>
    %dma_start3A_217 = arith.constant 0 : i32
    %dma_start3A_218 = tpu.memref_slice %arg4[%add3A_214, %dma_start3A_217] : memref<819200x128xf32, #tpu.memory_space<hbm>> -> memref<64x128xf32, #tpu.memory_space<hbm>>
    tpu.enqueue_dma source(%arg12 : memref<64x128xf32, #tpu.memory_space<vmem>>) target(%dma_start3A_218 : memref<64x128xf32, #tpu.memory_space<hbm>>) target_semaphore(%arg36 : memref<!tpu.dma_semaphore, #tpu.memory_space<semaphore_mem>>)
    %dma_wait3A_219 = arith.constant 3 : i32
    %dma_wait3A_220 = arith.constant 0 : i32
    %dma_wait3A_221 = arith.constant 0 : i32
    %dma_wait3A_222 = tpu.memref_slice %arg13[%dma_wait3A_220, %dma_wait3A_221] : memref<64x128xf32, #tpu.memory_space<vmem>> -> memref<64x128xf32, #tpu.memory_space<vmem>>
    %dma_wait3A_223 = arith.constant 0 : i32
    %dma_wait3A_224 = tpu.memref_slice %arg6[%dma_wait3A_219, %dma_wait3A_223] : memref<200x128xi32, #tpu.memory_space<vmem>> -> memref<1x64xi32, #tpu.memory_space<vmem>>
    %dma_wait3A_225 = tpu.memref_squeeze %dma_wait3A_224 : memref<1x64xi32, #tpu.memory_space<vmem>> -> memref<64xi32, #tpu.memory_space<vmem>>
    %dma_wait3A_226 = arith.constant 0 : i32
    %dma_wait3A_227 = arith.constant 0 : i32
    %dma_wait3A_228 = tpu.memref_slice %arg5[%dma_wait3A_226, %dma_wait3A_227] : memref<259x128xf32, #tpu.memory_space<vmem_shared>> -> memref<259x128xf32, #tpu.memory_space<vmem_shared>>
    tpu.wait_indirect_dma semaphore(%arg25 : memref<!tpu.dma_semaphore, #tpu.memory_space<semaphore_mem>>) src(%dma_wait3A_228 : memref<259x128xf32, #tpu.memory_space<vmem_shared>>) dst(%dma_wait3A_222 : memref<64x128xf32, #tpu.memory_space<vmem>>)
    %add3A_229 = arith.constant 384 : i32
    %add3A_230 = arith.addi %mul3A_2, %add3A_229 : i32
    %dma_start3A_231 = arith.constant 0 : i32
    %dma_start3A_232 = tpu.memref_slice %arg4[%add3A_230, %dma_start3A_231] : memref<819200x128xf32, #tpu.memory_space<hbm>> -> memref<64x128xf32, #tpu.memory_space<hbm>>
    %dma_start3A_233 = arith.constant 0 : i32
    %dma_start3A_234 = tpu.memref_slice %arg4[%add3A_230, %dma_start3A_233] : memref<819200x128xf32, #tpu.memory_space<hbm>> -> memref<64x128xf32, #tpu.memory_space<hbm>>
    tpu.enqueue_dma source(%arg13 : memref<64x128xf32, #tpu.memory_space<vmem>>) target(%dma_start3A_234 : memref<64x128xf32, #tpu.memory_space<hbm>>) target_semaphore(%arg37 : memref<!tpu.dma_semaphore, #tpu.memory_space<semaphore_mem>>)
    %dma_wait3A_235 = arith.constant 3 : i32
    %dma_wait3A_236 = arith.constant 0 : i32
    %dma_wait3A_237 = arith.constant 0 : i32
    %dma_wait3A_238 = tpu.memref_slice %arg14[%dma_wait3A_236, %dma_wait3A_237] : memref<64x128xf32, #tpu.memory_space<vmem>> -> memref<64x128xf32, #tpu.memory_space<vmem>>
    %dma_wait3A_239 = arith.constant 64 : i32
    %dma_wait3A_240 = tpu.memref_slice %arg6[%dma_wait3A_235, %dma_wait3A_239] : memref<200x128xi32, #tpu.memory_space<vmem>> -> memref<1x64xi32, #tpu.memory_space<vmem>>
    %dma_wait3A_241 = tpu.memref_squeeze %dma_wait3A_240 : memref<1x64xi32, #tpu.memory_space<vmem>> -> memref<64xi32, #tpu.memory_space<vmem>>
    %dma_wait3A_242 = arith.constant 0 : i32
    %dma_wait3A_243 = arith.constant 0 : i32
    %dma_wait3A_244 = tpu.memref_slice %arg5[%dma_wait3A_242, %dma_wait3A_243] : memref<259x128xf32, #tpu.memory_space<vmem_shared>> -> memref<259x128xf32, #tpu.memory_space<vmem_shared>>
    tpu.wait_indirect_dma semaphore(%arg26 : memref<!tpu.dma_semaphore, #tpu.memory_space<semaphore_mem>>) src(%dma_wait3A_244 : memref<259x128xf32, #tpu.memory_space<vmem_shared>>) dst(%dma_wait3A_238 : memref<64x128xf32, #tpu.memory_space<vmem>>)
    %add3A_245 = arith.constant 448 : i32
    %add3A_246 = arith.addi %mul3A_2, %add3A_245 : i32
    %dma_start3A_247 = arith.constant 0 : i32
    %dma_start3A_248 = tpu.memref_slice %arg4[%add3A_246, %dma_start3A_247] : memref<819200x128xf32, #tpu.memory_space<hbm>> -> memref<64x128xf32, #tpu.memory_space<hbm>>
    %dma_start3A_249 = arith.constant 0 : i32
    %dma_start3A_250 = tpu.memref_slice %arg4[%add3A_246, %dma_start3A_249] : memref<819200x128xf32, #tpu.memory_space<hbm>> -> memref<64x128xf32, #tpu.memory_space<hbm>>
    tpu.enqueue_dma source(%arg14 : memref<64x128xf32, #tpu.memory_space<vmem>>) target(%dma_start3A_250 : memref<64x128xf32, #tpu.memory_space<hbm>>) target_semaphore(%arg38 : memref<!tpu.dma_semaphore, #tpu.memory_space<semaphore_mem>>)
    %dma_wait3A_251 = arith.constant 4 : i32
    %dma_wait3A_252 = arith.constant 0 : i32
    %dma_wait3A_253 = arith.constant 0 : i32
    %dma_wait3A_254 = tpu.memref_slice %arg15[%dma_wait3A_252, %dma_wait3A_253] : memref<64x128xf32, #tpu.memory_space<vmem>> -> memref<64x128xf32, #tpu.memory_space<vmem>>
    %dma_wait3A_255 = arith.constant 0 : i32
    %dma_wait3A_256 = tpu.memref_slice %arg6[%dma_wait3A_251, %dma_wait3A_255] : memref<200x128xi32, #tpu.memory_space<vmem>> -> memref<1x64xi32, #tpu.memory_space<vmem>>
    %dma_wait3A_257 = tpu.memref_squeeze %dma_wait3A_256 : memref<1x64xi32, #tpu.memory_space<vmem>> -> memref<64xi32, #tpu.memory_space<vmem>>
    %dma_wait3A_258 = arith.constant 0 : i32
    %dma_wait3A_259 = arith.constant 0 : i32
    %dma_wait3A_260 = tpu.memref_slice %arg5[%dma_wait3A_258, %dma_wait3A_259] : memref<259x128xf32, #tpu.memory_space<vmem_shared>> -> memref<259x128xf32, #tpu.memory_space<vmem_shared>>
    tpu.wait_indirect_dma semaphore(%arg27 : memref<!tpu.dma_semaphore, #tpu.memory_space<semaphore_mem>>) src(%dma_wait3A_260 : memref<259x128xf32, #tpu.memory_space<vmem_shared>>) dst(%dma_wait3A_254 : memref<64x128xf32, #tpu.memory_space<vmem>>)
    %add3A_261 = arith.constant 512 : i32
    %add3A_262 = arith.addi %mul3A_2, %add3A_261 : i32
    %dma_start3A_263 = arith.constant 0 : i32
    %dma_start3A_264 = tpu.memref_slice %arg4[%add3A_262, %dma_start3A_263] : memref<819200x128xf32, #tpu.memory_space<hbm>> -> memref<64x128xf32, #tpu.memory_space<hbm>>
    %dma_start3A_265 = arith.constant 0 : i32
    %dma_start3A_266 = tpu.memref_slice %arg4[%add3A_262, %dma_start3A_265] : memref<819200x128xf32, #tpu.memory_space<hbm>> -> memref<64x128xf32, #tpu.memory_space<hbm>>
    tpu.enqueue_dma source(%arg15 : memref<64x128xf32, #tpu.memory_space<vmem>>) target(%dma_start3A_266 : memref<64x128xf32, #tpu.memory_space<hbm>>) target_semaphore(%arg39 : memref<!tpu.dma_semaphore, #tpu.memory_space<semaphore_mem>>)
    %dma_wait3A_267 = arith.constant 4 : i32
    %dma_wait3A_268 = arith.constant 0 : i32
    %dma_wait3A_269 = arith.constant 0 : i32
    %dma_wait3A_270 = tpu.memref_slice %arg16[%dma_wait3A_268, %dma_wait3A_269] : memref<64x128xf32, #tpu.memory_space<vmem>> -> memref<64x128xf32, #tpu.memory_space<vmem>>
    %dma_wait3A_271 = arith.constant 64 : i32
    %dma_wait3A_272 = tpu.memref_slice %arg6[%dma_wait3A_267, %dma_wait3A_271] : memref<200x128xi32, #tpu.memory_space<vmem>> -> memref<1x64xi32, #tpu.memory_space<vmem>>
    %dma_wait3A_273 = tpu.memref_squeeze %dma_wait3A_272 : memref<1x64xi32, #tpu.memory_space<vmem>> -> memref<64xi32, #tpu.memory_space<vmem>>
    %dma_wait3A_274 = arith.constant 0 : i32
    %dma_wait3A_275 = arith.constant 0 : i32
    %dma_wait3A_276 = tpu.memref_slice %arg5[%dma_wait3A_274, %dma_wait3A_275] : memref<259x128xf32, #tpu.memory_space<vmem_shared>> -> memref<259x128xf32, #tpu.memory_space<vmem_shared>>
    tpu.wait_indirect_dma semaphore(%arg28 : memref<!tpu.dma_semaphore, #tpu.memory_space<semaphore_mem>>) src(%dma_wait3A_276 : memref<259x128xf32, #tpu.memory_space<vmem_shared>>) dst(%dma_wait3A_270 : memref<64x128xf32, #tpu.memory_space<vmem>>)
    %add3A_277 = arith.constant 576 : i32
    %add3A_278 = arith.addi %mul3A_2, %add3A_277 : i32
    %dma_start3A_279 = arith.constant 0 : i32
    %dma_start3A_280 = tpu.memref_slice %arg4[%add3A_278, %dma_start3A_279] : memref<819200x128xf32, #tpu.memory_space<hbm>> -> memref<64x128xf32, #tpu.memory_space<hbm>>
    %dma_start3A_281 = arith.constant 0 : i32
    %dma_start3A_282 = tpu.memref_slice %arg4[%add3A_278, %dma_start3A_281] : memref<819200x128xf32, #tpu.memory_space<hbm>> -> memref<64x128xf32, #tpu.memory_space<hbm>>
    tpu.enqueue_dma source(%arg16 : memref<64x128xf32, #tpu.memory_space<vmem>>) target(%dma_start3A_282 : memref<64x128xf32, #tpu.memory_space<hbm>>) target_semaphore(%arg40 : memref<!tpu.dma_semaphore, #tpu.memory_space<semaphore_mem>>)
    %dma_wait3A_283 = arith.constant 5 : i32
    %dma_wait3A_284 = arith.constant 0 : i32
    %dma_wait3A_285 = arith.constant 0 : i32
    %dma_wait3A_286 = tpu.memref_slice %arg17[%dma_wait3A_284, %dma_wait3A_285] : memref<64x128xf32, #tpu.memory_space<vmem>> -> memref<64x128xf32, #tpu.memory_space<vmem>>
    %dma_wait3A_287 = arith.constant 0 : i32
    %dma_wait3A_288 = tpu.memref_slice %arg6[%dma_wait3A_283, %dma_wait3A_287] : memref<200x128xi32, #tpu.memory_space<vmem>> -> memref<1x64xi32, #tpu.memory_space<vmem>>
    %dma_wait3A_289 = tpu.memref_squeeze %dma_wait3A_288 : memref<1x64xi32, #tpu.memory_space<vmem>> -> memref<64xi32, #tpu.memory_space<vmem>>
    %dma_wait3A_290 = arith.constant 0 : i32
    %dma_wait3A_291 = arith.constant 0 : i32
    %dma_wait3A_292 = tpu.memref_slice %arg5[%dma_wait3A_290, %dma_wait3A_291] : memref<259x128xf32, #tpu.memory_space<vmem_shared>> -> memref<259x128xf32, #tpu.memory_space<vmem_shared>>
    tpu.wait_indirect_dma semaphore(%arg29 : memref<!tpu.dma_semaphore, #tpu.memory_space<semaphore_mem>>) src(%dma_wait3A_292 : memref<259x128xf32, #tpu.memory_space<vmem_shared>>) dst(%dma_wait3A_286 : memref<64x128xf32, #tpu.memory_space<vmem>>)
    %add3A_293 = arith.constant 640 : i32
    %add3A_294 = arith.addi %mul3A_2, %add3A_293 : i32
    %dma_start3A_295 = arith.constant 0 : i32
    %dma_start3A_296 = tpu.memref_slice %arg4[%add3A_294, %dma_start3A_295] : memref<819200x128xf32, #tpu.memory_space<hbm>> -> memref<64x128xf32, #tpu.memory_space<hbm>>
    %dma_start3A_297 = arith.constant 0 : i32
    %dma_start3A_298 = tpu.memref_slice %arg4[%add3A_294, %dma_start3A_297] : memref<819200x128xf32, #tpu.memory_space<hbm>> -> memref<64x128xf32, #tpu.memory_space<hbm>>
    tpu.enqueue_dma source(%arg17 : memref<64x128xf32, #tpu.memory_space<vmem>>) target(%dma_start3A_298 : memref<64x128xf32, #tpu.memory_space<hbm>>) target_semaphore(%arg41 : memref<!tpu.dma_semaphore, #tpu.memory_space<semaphore_mem>>)
    %dma_wait3A_299 = arith.constant 5 : i32
    %dma_wait3A_300 = arith.constant 0 : i32
    %dma_wait3A_301 = arith.constant 0 : i32
    %dma_wait3A_302 = tpu.memref_slice %arg18[%dma_wait3A_300, %dma_wait3A_301] : memref<64x128xf32, #tpu.memory_space<vmem>> -> memref<64x128xf32, #tpu.memory_space<vmem>>
    %dma_wait3A_303 = arith.constant 64 : i32
    %dma_wait3A_304 = tpu.memref_slice %arg6[%dma_wait3A_299, %dma_wait3A_303] : memref<200x128xi32, #tpu.memory_space<vmem>> -> memref<1x64xi32, #tpu.memory_space<vmem>>
    %dma_wait3A_305 = tpu.memref_squeeze %dma_wait3A_304 : memref<1x64xi32, #tpu.memory_space<vmem>> -> memref<64xi32, #tpu.memory_space<vmem>>
    %dma_wait3A_306 = arith.constant 0 : i32
    %dma_wait3A_307 = arith.constant 0 : i32
    %dma_wait3A_308 = tpu.memref_slice %arg5[%dma_wait3A_306, %dma_wait3A_307] : memref<259x128xf32, #tpu.memory_space<vmem_shared>> -> memref<259x128xf32, #tpu.memory_space<vmem_shared>>
    tpu.wait_indirect_dma semaphore(%arg30 : memref<!tpu.dma_semaphore, #tpu.memory_space<semaphore_mem>>) src(%dma_wait3A_308 : memref<259x128xf32, #tpu.memory_space<vmem_shared>>) dst(%dma_wait3A_302 : memref<64x128xf32, #tpu.memory_space<vmem>>)
    %add3A_309 = arith.constant 704 : i32
    %add3A_310 = arith.addi %mul3A_2, %add3A_309 : i32
    %dma_start3A_311 = arith.constant 0 : i32
    %dma_start3A_312 = tpu.memref_slice %arg4[%add3A_310, %dma_start3A_311] : memref<819200x128xf32, #tpu.memory_space<hbm>> -> memref<64x128xf32, #tpu.memory_space<hbm>>
    %dma_start3A_313 = arith.constant 0 : i32
    %dma_start3A_314 = tpu.memref_slice %arg4[%add3A_310, %dma_start3A_313] : memref<819200x128xf32, #tpu.memory_space<hbm>> -> memref<64x128xf32, #tpu.memory_space<hbm>>
    tpu.enqueue_dma source(%arg18 : memref<64x128xf32, #tpu.memory_space<vmem>>) target(%dma_start3A_314 : memref<64x128xf32, #tpu.memory_space<hbm>>) target_semaphore(%arg42 : memref<!tpu.dma_semaphore, #tpu.memory_space<semaphore_mem>>)
    %scan3A = arith.constant 0 : i32
    %scan3A_315 = arith.constant 1 : i32
    %scan3A_316 = arith.constant 32 : i32
    %scan3A_317 = arith.addi %scan3A_315, %scan3A_316 : i32
    %scan3A_318 = arith.constant 1 : i32
    scf.for %scan3A_568 = %scan3A_315 to %scan3A_317 step %scan3A_318  : i32 {
      %dma_wait3A_569 = arith.constant 0 : i32
      %dma_wait3A_570 = arith.constant 0 : i32
      %dma_wait3A_571 = tpu.memref_slice %arg4[%dma_wait3A_569, %dma_wait3A_570] : memref<819200x128xf32, #tpu.memory_space<hbm>> -> memref<64x128xf32, #tpu.memory_space<hbm>>
      %dma_wait3A_572 = arith.constant 0 : i32
      %dma_wait3A_573 = arith.constant 0 : i32
      %dma_wait3A_574 = tpu.memref_slice %arg4[%dma_wait3A_572, %dma_wait3A_573] : memref<819200x128xf32, #tpu.memory_space<hbm>> -> memref<64x128xf32, #tpu.memory_space<hbm>>
      tpu.wait_dma2 semaphore(%arg31 : memref<!tpu.dma_semaphore, #tpu.memory_space<semaphore_mem>>) src(%arg7 : memref<64x128xf32, #tpu.memory_space<vmem>>) dst(%dma_wait3A_574 : memref<64x128xf32, #tpu.memory_space<hbm>>)
      %mul3A_575 = arith.constant 12 : i32
      %mul3A_576 = arith.muli %scan3A_568, %mul3A_575 : i32
      %add3A_577 = arith.constant 0 : i32
      %add3A_578 = arith.addi %mul3A_576, %add3A_577 : i32
      %mul3A_579 = arith.constant 1 : i32
      %mul3A_580 = arith.muli %add3A_578, %mul3A_579 : i32
      %add3A_581 = arith.constant 0 : i32
      %add3A_582 = arith.addi %mul3A_580, %add3A_581 : i32
      %jit3A = arith.constant 2 : i32
      %div3A = arith.divsi %add3A_582, %jit3A : i32
      %sign3A = arith.constant 0 : i32
      %sign3A_583 = arith.cmpi sgt, %add3A_582, %sign3A : i32
      %sign3A_584 = arith.extui %sign3A_583 : i1 to i32
      %sign3A_585 = arith.constant 0 : i32
      %sign3A_586 = arith.cmpi slt, %add3A_582, %sign3A_585 : i32
      %sign3A_587 = arith.extui %sign3A_586 : i1 to i32
      %sign3A_588 = arith.subi %sign3A_584, %sign3A_587 : i32
      %sign3A_589 = arith.constant 0 : i32
      %sign3A_590 = arith.cmpi sgt, %jit3A, %sign3A_589 : i32
      %sign3A_591 = arith.extui %sign3A_590 : i1 to i32
      %sign3A_592 = arith.constant 0 : i32
      %sign3A_593 = arith.cmpi slt, %jit3A, %sign3A_592 : i32
      %sign3A_594 = arith.extui %sign3A_593 : i1 to i32
      %sign3A_595 = arith.subi %sign3A_591, %sign3A_594 : i32
      %ne3A = arith.cmpi ne, %sign3A_588, %sign3A_595 : i32
      %rem3A = arith.remsi %add3A_582, %jit3A : i32
      %ne3A_596 = arith.constant 0 : i32
      %ne3A_597 = arith.cmpi ne, %rem3A, %ne3A_596 : i32
      %and3A = arith.andi %ne3A, %ne3A_597 : i1
      %sub3A = arith.constant 1 : i32
      %sub3A_598 = arith.subi %div3A, %sub3A : i32
      %select_n3A = arith.select %and3A, %sub3A_598, %div3A : i32
      %jit3A_599 = arith.constant 2 : i32
      %eq3A_600 = arith.constant 0 : i32
      %eq3A_601 = arith.cmpi eq, %jit3A_599, %eq3A_600 : i32
      %jit3A_602 = arith.constant 1 : i32
      %select_n3A_603 = arith.select %eq3A_601, %jit3A_602, %jit3A_599 : i32
      %rem3A_604 = arith.remsi %add3A_582, %select_n3A_603 : i32
      %ne3A_605 = arith.constant 0 : i32
      %ne3A_606 = arith.cmpi ne, %rem3A_604, %ne3A_605 : i32
      %lt3A = arith.constant 0 : i32
      %lt3A_607 = arith.cmpi slt, %rem3A_604, %lt3A : i32
      %lt3A_608 = arith.constant 0 : i32
      %lt3A_609 = arith.cmpi slt, %select_n3A_603, %lt3A_608 : i32
      %ne3A_610 = arith.xori %lt3A_607, %lt3A_609 : i1
      %and3A_611 = arith.andi %ne3A_610, %ne3A_606 : i1
      %add3A_612 = arith.addi %rem3A_604, %select_n3A_603 : i32
      %select_n3A_613 = arith.select %and3A_611, %add3A_612, %rem3A_604 : i32
      %mul3A_614 = arith.constant 64 : i32
      %mul3A_615 = arith.muli %select_n3A_613, %mul3A_614 : i32
      %dma_start3A_616 = arith.constant 0 : i32
      %dma_start3A_617 = arith.constant 0 : i32
      %dma_start3A_618 = tpu.memref_slice %arg7[%dma_start3A_616, %dma_start3A_617] : memref<64x128xf32, #tpu.memory_space<vmem>> -> memref<64x128xf32, #tpu.memory_space<vmem>>
      %dma_start3A_619 = tpu.memref_slice %arg6[%select_n3A, %mul3A_615] : memref<200x128xi32, #tpu.memory_space<vmem>> -> memref<1x64xi32, #tpu.memory_space<vmem>>
      %dma_start3A_620 = tpu.memref_squeeze %dma_start3A_619 : memref<1x64xi32, #tpu.memory_space<vmem>> -> memref<64xi32, #tpu.memory_space<vmem>>
      %dma_start3A_621 = arith.constant 0 : i32
      %dma_start3A_622 = arith.constant 0 : i32
      %dma_start3A_623 = tpu.memref_slice %arg5[%dma_start3A_621, %dma_start3A_622] : memref<259x128xf32, #tpu.memory_space<vmem_shared>> -> memref<259x128xf32, #tpu.memory_space<vmem_shared>>
      tpu.enqueue_indirect_dma source(%dma_start3A_623 : memref<259x128xf32, #tpu.memory_space<vmem_shared>>) target(%dma_start3A_618 : memref<64x128xf32, #tpu.memory_space<vmem>>) offsets(%dma_start3A_620 : memref<64xi32, #tpu.memory_space<vmem>>) semaphore(%arg19 : memref<!tpu.dma_semaphore, #tpu.memory_space<semaphore_mem>>)
      %dma_wait3A_624 = arith.constant 0 : i32
      %dma_wait3A_625 = arith.constant 0 : i32
      %dma_wait3A_626 = tpu.memref_slice %arg4[%dma_wait3A_624, %dma_wait3A_625] : memref<819200x128xf32, #tpu.memory_space<hbm>> -> memref<64x128xf32, #tpu.memory_space<hbm>>
      %dma_wait3A_627 = arith.constant 0 : i32
      %dma_wait3A_628 = arith.constant 0 : i32
      %dma_wait3A_629 = tpu.memref_slice %arg4[%dma_wait3A_627, %dma_wait3A_628] : memref<819200x128xf32, #tpu.memory_space<hbm>> -> memref<64x128xf32, #tpu.memory_space<hbm>>
      tpu.wait_dma2 semaphore(%arg32 : memref<!tpu.dma_semaphore, #tpu.memory_space<semaphore_mem>>) src(%arg8 : memref<64x128xf32, #tpu.memory_space<vmem>>) dst(%dma_wait3A_629 : memref<64x128xf32, #tpu.memory_space<hbm>>)
      %mul3A_630 = arith.constant 12 : i32
      %mul3A_631 = arith.muli %scan3A_568, %mul3A_630 : i32
      %add3A_632 = arith.constant 1 : i32
      %add3A_633 = arith.addi %mul3A_631, %add3A_632 : i32
      %mul3A_634 = arith.constant 1 : i32
      %mul3A_635 = arith.muli %add3A_633, %mul3A_634 : i32
      %add3A_636 = arith.constant 0 : i32
      %add3A_637 = arith.addi %mul3A_635, %add3A_636 : i32
      %jit3A_638 = arith.constant 2 : i32
      %div3A_639 = arith.divsi %add3A_637, %jit3A_638 : i32
      %sign3A_640 = arith.constant 0 : i32
      %sign3A_641 = arith.cmpi sgt, %add3A_637, %sign3A_640 : i32
      %sign3A_642 = arith.extui %sign3A_641 : i1 to i32
      %sign3A_643 = arith.constant 0 : i32
      %sign3A_644 = arith.cmpi slt, %add3A_637, %sign3A_643 : i32
      %sign3A_645 = arith.extui %sign3A_644 : i1 to i32
      %sign3A_646 = arith.subi %sign3A_642, %sign3A_645 : i32
      %sign3A_647 = arith.constant 0 : i32
      %sign3A_648 = arith.cmpi sgt, %jit3A_638, %sign3A_647 : i32
      %sign3A_649 = arith.extui %sign3A_648 : i1 to i32
      %sign3A_650 = arith.constant 0 : i32
      %sign3A_651 = arith.cmpi slt, %jit3A_638, %sign3A_650 : i32
      %sign3A_652 = arith.extui %sign3A_651 : i1 to i32
      %sign3A_653 = arith.subi %sign3A_649, %sign3A_652 : i32
      %ne3A_654 = arith.cmpi ne, %sign3A_646, %sign3A_653 : i32
      %rem3A_655 = arith.remsi %add3A_637, %jit3A_638 : i32
      %ne3A_656 = arith.constant 0 : i32
      %ne3A_657 = arith.cmpi ne, %rem3A_655, %ne3A_656 : i32
      %and3A_658 = arith.andi %ne3A_654, %ne3A_657 : i1
      %sub3A_659 = arith.constant 1 : i32
      %sub3A_660 = arith.subi %div3A_639, %sub3A_659 : i32
      %select_n3A_661 = arith.select %and3A_658, %sub3A_660, %div3A_639 : i32
      %jit3A_662 = arith.constant 2 : i32
      %eq3A_663 = arith.constant 0 : i32
      %eq3A_664 = arith.cmpi eq, %jit3A_662, %eq3A_663 : i32
      %jit3A_665 = arith.constant 1 : i32
      %select_n3A_666 = arith.select %eq3A_664, %jit3A_665, %jit3A_662 : i32
      %rem3A_667 = arith.remsi %add3A_637, %select_n3A_666 : i32
      %ne3A_668 = arith.constant 0 : i32
      %ne3A_669 = arith.cmpi ne, %rem3A_667, %ne3A_668 : i32
      %lt3A_670 = arith.constant 0 : i32
      %lt3A_671 = arith.cmpi slt, %rem3A_667, %lt3A_670 : i32
      %lt3A_672 = arith.constant 0 : i32
      %lt3A_673 = arith.cmpi slt, %select_n3A_666, %lt3A_672 : i32
      %ne3A_674 = arith.xori %lt3A_671, %lt3A_673 : i1
      %and3A_675 = arith.andi %ne3A_674, %ne3A_669 : i1
      %add3A_676 = arith.addi %rem3A_667, %select_n3A_666 : i32
      %select_n3A_677 = arith.select %and3A_675, %add3A_676, %rem3A_667 : i32
      %mul3A_678 = arith.constant 64 : i32
      %mul3A_679 = arith.muli %select_n3A_677, %mul3A_678 : i32
      %dma_start3A_680 = arith.constant 0 : i32
      %dma_start3A_681 = arith.constant 0 : i32
      %dma_start3A_682 = tpu.memref_slice %arg8[%dma_start3A_680, %dma_start3A_681] : memref<64x128xf32, #tpu.memory_space<vmem>> -> memref<64x128xf32, #tpu.memory_space<vmem>>
      %dma_start3A_683 = tpu.memref_slice %arg6[%select_n3A_661, %mul3A_679] : memref<200x128xi32, #tpu.memory_space<vmem>> -> memref<1x64xi32, #tpu.memory_space<vmem>>
      %dma_start3A_684 = tpu.memref_squeeze %dma_start3A_683 : memref<1x64xi32, #tpu.memory_space<vmem>> -> memref<64xi32, #tpu.memory_space<vmem>>
      %dma_start3A_685 = arith.constant 0 : i32
      %dma_start3A_686 = arith.constant 0 : i32
      %dma_start3A_687 = tpu.memref_slice %arg5[%dma_start3A_685, %dma_start3A_686] : memref<259x128xf32, #tpu.memory_space<vmem_shared>> -> memref<259x128xf32, #tpu.memory_space<vmem_shared>>
      tpu.enqueue_indirect_dma source(%dma_start3A_687 : memref<259x128xf32, #tpu.memory_space<vmem_shared>>) target(%dma_start3A_682 : memref<64x128xf32, #tpu.memory_space<vmem>>) offsets(%dma_start3A_684 : memref<64xi32, #tpu.memory_space<vmem>>) semaphore(%arg20 : memref<!tpu.dma_semaphore, #tpu.memory_space<semaphore_mem>>)
      %dma_wait3A_688 = arith.constant 0 : i32
      %dma_wait3A_689 = arith.constant 0 : i32
      %dma_wait3A_690 = tpu.memref_slice %arg4[%dma_wait3A_688, %dma_wait3A_689] : memref<819200x128xf32, #tpu.memory_space<hbm>> -> memref<64x128xf32, #tpu.memory_space<hbm>>
      %dma_wait3A_691 = arith.constant 0 : i32
      %dma_wait3A_692 = arith.constant 0 : i32
      %dma_wait3A_693 = tpu.memref_slice %arg4[%dma_wait3A_691, %dma_wait3A_692] : memref<819200x128xf32, #tpu.memory_space<hbm>> -> memref<64x128xf32, #tpu.memory_space<hbm>>
      tpu.wait_dma2 semaphore(%arg33 : memref<!tpu.dma_semaphore, #tpu.memory_space<semaphore_mem>>) src(%arg9 : memref<64x128xf32, #tpu.memory_space<vmem>>) dst(%dma_wait3A_693 : memref<64x128xf32, #tpu.memory_space<hbm>>)
      %mul3A_694 = arith.constant 12 : i32
      %mul3A_695 = arith.muli %scan3A_568, %mul3A_694 : i32
      %add3A_696 = arith.constant 2 : i32
      %add3A_697 = arith.addi %mul3A_695, %add3A_696 : i32
      %mul3A_698 = arith.constant 1 : i32
      %mul3A_699 = arith.muli %add3A_697, %mul3A_698 : i32
      %add3A_700 = arith.constant 0 : i32
      %add3A_701 = arith.addi %mul3A_699, %add3A_700 : i32
      %jit3A_702 = arith.constant 2 : i32
      %div3A_703 = arith.divsi %add3A_701, %jit3A_702 : i32
      %sign3A_704 = arith.constant 0 : i32
      %sign3A_705 = arith.cmpi sgt, %add3A_701, %sign3A_704 : i32
      %sign3A_706 = arith.extui %sign3A_705 : i1 to i32
      %sign3A_707 = arith.constant 0 : i32
      %sign3A_708 = arith.cmpi slt, %add3A_701, %sign3A_707 : i32
      %sign3A_709 = arith.extui %sign3A_708 : i1 to i32
      %sign3A_710 = arith.subi %sign3A_706, %sign3A_709 : i32
      %sign3A_711 = arith.constant 0 : i32
      %sign3A_712 = arith.cmpi sgt, %jit3A_702, %sign3A_711 : i32
      %sign3A_713 = arith.extui %sign3A_712 : i1 to i32
      %sign3A_714 = arith.constant 0 : i32
      %sign3A_715 = arith.cmpi slt, %jit3A_702, %sign3A_714 : i32
      %sign3A_716 = arith.extui %sign3A_715 : i1 to i32
      %sign3A_717 = arith.subi %sign3A_713, %sign3A_716 : i32
      %ne3A_718 = arith.cmpi ne, %sign3A_710, %sign3A_717 : i32
      %rem3A_719 = arith.remsi %add3A_701, %jit3A_702 : i32
      %ne3A_720 = arith.constant 0 : i32
      %ne3A_721 = arith.cmpi ne, %rem3A_719, %ne3A_720 : i32
      %and3A_722 = arith.andi %ne3A_718, %ne3A_721 : i1
      %sub3A_723 = arith.constant 1 : i32
      %sub3A_724 = arith.subi %div3A_703, %sub3A_723 : i32
      %select_n3A_725 = arith.select %and3A_722, %sub3A_724, %div3A_703 : i32
      %jit3A_726 = arith.constant 2 : i32
      %eq3A_727 = arith.constant 0 : i32
      %eq3A_728 = arith.cmpi eq, %jit3A_726, %eq3A_727 : i32
      %jit3A_729 = arith.constant 1 : i32
      %select_n3A_730 = arith.select %eq3A_728, %jit3A_729, %jit3A_726 : i32
      %rem3A_731 = arith.remsi %add3A_701, %select_n3A_730 : i32
      %ne3A_732 = arith.constant 0 : i32
      %ne3A_733 = arith.cmpi ne, %rem3A_731, %ne3A_732 : i32
      %lt3A_734 = arith.constant 0 : i32
      %lt3A_735 = arith.cmpi slt, %rem3A_731, %lt3A_734 : i32
      %lt3A_736 = arith.constant 0 : i32
      %lt3A_737 = arith.cmpi slt, %select_n3A_730, %lt3A_736 : i32
      %ne3A_738 = arith.xori %lt3A_735, %lt3A_737 : i1
      %and3A_739 = arith.andi %ne3A_738, %ne3A_733 : i1
      %add3A_740 = arith.addi %rem3A_731, %select_n3A_730 : i32
      %select_n3A_741 = arith.select %and3A_739, %add3A_740, %rem3A_731 : i32
      %mul3A_742 = arith.constant 64 : i32
      %mul3A_743 = arith.muli %select_n3A_741, %mul3A_742 : i32
      %dma_start3A_744 = arith.constant 0 : i32
      %dma_start3A_745 = arith.constant 0 : i32
      %dma_start3A_746 = tpu.memref_slice %arg9[%dma_start3A_744, %dma_start3A_745] : memref<64x128xf32, #tpu.memory_space<vmem>> -> memref<64x128xf32, #tpu.memory_space<vmem>>
      %dma_start3A_747 = tpu.memref_slice %arg6[%select_n3A_725, %mul3A_743] : memref<200x128xi32, #tpu.memory_space<vmem>> -> memref<1x64xi32, #tpu.memory_space<vmem>>
      %dma_start3A_748 = tpu.memref_squeeze %dma_start3A_747 : memref<1x64xi32, #tpu.memory_space<vmem>> -> memref<64xi32, #tpu.memory_space<vmem>>
      %dma_start3A_749 = arith.constant 0 : i32
      %dma_start3A_750 = arith.constant 0 : i32
      %dma_start3A_751 = tpu.memref_slice %arg5[%dma_start3A_749, %dma_start3A_750] : memref<259x128xf32, #tpu.memory_space<vmem_shared>> -> memref<259x128xf32, #tpu.memory_space<vmem_shared>>
      tpu.enqueue_indirect_dma source(%dma_start3A_751 : memref<259x128xf32, #tpu.memory_space<vmem_shared>>) target(%dma_start3A_746 : memref<64x128xf32, #tpu.memory_space<vmem>>) offsets(%dma_start3A_748 : memref<64xi32, #tpu.memory_space<vmem>>) semaphore(%arg21 : memref<!tpu.dma_semaphore, #tpu.memory_space<semaphore_mem>>)
      %dma_wait3A_752 = arith.constant 0 : i32
      %dma_wait3A_753 = arith.constant 0 : i32
      %dma_wait3A_754 = tpu.memref_slice %arg4[%dma_wait3A_752, %dma_wait3A_753] : memref<819200x128xf32, #tpu.memory_space<hbm>> -> memref<64x128xf32, #tpu.memory_space<hbm>>
      %dma_wait3A_755 = arith.constant 0 : i32
      %dma_wait3A_756 = arith.constant 0 : i32
      %dma_wait3A_757 = tpu.memref_slice %arg4[%dma_wait3A_755, %dma_wait3A_756] : memref<819200x128xf32, #tpu.memory_space<hbm>> -> memref<64x128xf32, #tpu.memory_space<hbm>>
      tpu.wait_dma2 semaphore(%arg34 : memref<!tpu.dma_semaphore, #tpu.memory_space<semaphore_mem>>) src(%arg10 : memref<64x128xf32, #tpu.memory_space<vmem>>) dst(%dma_wait3A_757 : memref<64x128xf32, #tpu.memory_space<hbm>>)
      %mul3A_758 = arith.constant 12 : i32
      %mul3A_759 = arith.muli %scan3A_568, %mul3A_758 : i32
      %add3A_760 = arith.constant 3 : i32
      %add3A_761 = arith.addi %mul3A_759, %add3A_760 : i32
      %mul3A_762 = arith.constant 1 : i32
      %mul3A_763 = arith.muli %add3A_761, %mul3A_762 : i32
      %add3A_764 = arith.constant 0 : i32
      %add3A_765 = arith.addi %mul3A_763, %add3A_764 : i32
      %jit3A_766 = arith.constant 2 : i32
      %div3A_767 = arith.divsi %add3A_765, %jit3A_766 : i32
      %sign3A_768 = arith.constant 0 : i32
      %sign3A_769 = arith.cmpi sgt, %add3A_765, %sign3A_768 : i32
      %sign3A_770 = arith.extui %sign3A_769 : i1 to i32
      %sign3A_771 = arith.constant 0 : i32
      %sign3A_772 = arith.cmpi slt, %add3A_765, %sign3A_771 : i32
      %sign3A_773 = arith.extui %sign3A_772 : i1 to i32
      %sign3A_774 = arith.subi %sign3A_770, %sign3A_773 : i32
      %sign3A_775 = arith.constant 0 : i32
      %sign3A_776 = arith.cmpi sgt, %jit3A_766, %sign3A_775 : i32
      %sign3A_777 = arith.extui %sign3A_776 : i1 to i32
      %sign3A_778 = arith.constant 0 : i32
      %sign3A_779 = arith.cmpi slt, %jit3A_766, %sign3A_778 : i32
      %sign3A_780 = arith.extui %sign3A_779 : i1 to i32
      %sign3A_781 = arith.subi %sign3A_777, %sign3A_780 : i32
      %ne3A_782 = arith.cmpi ne, %sign3A_774, %sign3A_781 : i32
      %rem3A_783 = arith.remsi %add3A_765, %jit3A_766 : i32
      %ne3A_784 = arith.constant 0 : i32
      %ne3A_785 = arith.cmpi ne, %rem3A_783, %ne3A_784 : i32
      %and3A_786 = arith.andi %ne3A_782, %ne3A_785 : i1
      %sub3A_787 = arith.constant 1 : i32
      %sub3A_788 = arith.subi %div3A_767, %sub3A_787 : i32
      %select_n3A_789 = arith.select %and3A_786, %sub3A_788, %div3A_767 : i32
      %jit3A_790 = arith.constant 2 : i32
      %eq3A_791 = arith.constant 0 : i32
      %eq3A_792 = arith.cmpi eq, %jit3A_790, %eq3A_791 : i32
      %jit3A_793 = arith.constant 1 : i32
      %select_n3A_794 = arith.select %eq3A_792, %jit3A_793, %jit3A_790 : i32
      %rem3A_795 = arith.remsi %add3A_765, %select_n3A_794 : i32
      %ne3A_796 = arith.constant 0 : i32
      %ne3A_797 = arith.cmpi ne, %rem3A_795, %ne3A_796 : i32
      %lt3A_798 = arith.constant 0 : i32
      %lt3A_799 = arith.cmpi slt, %rem3A_795, %lt3A_798 : i32
      %lt3A_800 = arith.constant 0 : i32
      %lt3A_801 = arith.cmpi slt, %select_n3A_794, %lt3A_800 : i32
      %ne3A_802 = arith.xori %lt3A_799, %lt3A_801 : i1
      %and3A_803 = arith.andi %ne3A_802, %ne3A_797 : i1
      %add3A_804 = arith.addi %rem3A_795, %select_n3A_794 : i32
      %select_n3A_805 = arith.select %and3A_803, %add3A_804, %rem3A_795 : i32
      %mul3A_806 = arith.constant 64 : i32
      %mul3A_807 = arith.muli %select_n3A_805, %mul3A_806 : i32
      %dma_start3A_808 = arith.constant 0 : i32
      %dma_start3A_809 = arith.constant 0 : i32
      %dma_start3A_810 = tpu.memref_slice %arg10[%dma_start3A_808, %dma_start3A_809] : memref<64x128xf32, #tpu.memory_space<vmem>> -> memref<64x128xf32, #tpu.memory_space<vmem>>
      %dma_start3A_811 = tpu.memref_slice %arg6[%select_n3A_789, %mul3A_807] : memref<200x128xi32, #tpu.memory_space<vmem>> -> memref<1x64xi32, #tpu.memory_space<vmem>>
      %dma_start3A_812 = tpu.memref_squeeze %dma_start3A_811 : memref<1x64xi32, #tpu.memory_space<vmem>> -> memref<64xi32, #tpu.memory_space<vmem>>
      %dma_start3A_813 = arith.constant 0 : i32
      %dma_start3A_814 = arith.constant 0 : i32
      %dma_start3A_815 = tpu.memref_slice %arg5[%dma_start3A_813, %dma_start3A_814] : memref<259x128xf32, #tpu.memory_space<vmem_shared>> -> memref<259x128xf32, #tpu.memory_space<vmem_shared>>
      tpu.enqueue_indirect_dma source(%dma_start3A_815 : memref<259x128xf32, #tpu.memory_space<vmem_shared>>) target(%dma_start3A_810 : memref<64x128xf32, #tpu.memory_space<vmem>>) offsets(%dma_start3A_812 : memref<64xi32, #tpu.memory_space<vmem>>) semaphore(%arg22 : memref<!tpu.dma_semaphore, #tpu.memory_space<semaphore_mem>>)
      %dma_wait3A_816 = arith.constant 0 : i32
      %dma_wait3A_817 = arith.constant 0 : i32
      %dma_wait3A_818 = tpu.memref_slice %arg4[%dma_wait3A_816, %dma_wait3A_817] : memref<819200x128xf32, #tpu.memory_space<hbm>> -> memref<64x128xf32, #tpu.memory_space<hbm>>
      %dma_wait3A_819 = arith.constant 0 : i32
      %dma_wait3A_820 = arith.constant 0 : i32
      %dma_wait3A_821 = tpu.memref_slice %arg4[%dma_wait3A_819, %dma_wait3A_820] : memref<819200x128xf32, #tpu.memory_space<hbm>> -> memref<64x128xf32, #tpu.memory_space<hbm>>
      tpu.wait_dma2 semaphore(%arg35 : memref<!tpu.dma_semaphore, #tpu.memory_space<semaphore_mem>>) src(%arg11 : memref<64x128xf32, #tpu.memory_space<vmem>>) dst(%dma_wait3A_821 : memref<64x128xf32, #tpu.memory_space<hbm>>)
      %mul3A_822 = arith.constant 12 : i32
      %mul3A_823 = arith.muli %scan3A_568, %mul3A_822 : i32
      %add3A_824 = arith.constant 4 : i32
      %add3A_825 = arith.addi %mul3A_823, %add3A_824 : i32
      %mul3A_826 = arith.constant 1 : i32
      %mul3A_827 = arith.muli %add3A_825, %mul3A_826 : i32
      %add3A_828 = arith.constant 0 : i32
      %add3A_829 = arith.addi %mul3A_827, %add3A_828 : i32
      %jit3A_830 = arith.constant 2 : i32
      %div3A_831 = arith.divsi %add3A_829, %jit3A_830 : i32
      %sign3A_832 = arith.constant 0 : i32
      %sign3A_833 = arith.cmpi sgt, %add3A_829, %sign3A_832 : i32
      %sign3A_834 = arith.extui %sign3A_833 : i1 to i32
      %sign3A_835 = arith.constant 0 : i32
      %sign3A_836 = arith.cmpi slt, %add3A_829, %sign3A_835 : i32
      %sign3A_837 = arith.extui %sign3A_836 : i1 to i32
      %sign3A_838 = arith.subi %sign3A_834, %sign3A_837 : i32
      %sign3A_839 = arith.constant 0 : i32
      %sign3A_840 = arith.cmpi sgt, %jit3A_830, %sign3A_839 : i32
      %sign3A_841 = arith.extui %sign3A_840 : i1 to i32
      %sign3A_842 = arith.constant 0 : i32
      %sign3A_843 = arith.cmpi slt, %jit3A_830, %sign3A_842 : i32
      %sign3A_844 = arith.extui %sign3A_843 : i1 to i32
      %sign3A_845 = arith.subi %sign3A_841, %sign3A_844 : i32
      %ne3A_846 = arith.cmpi ne, %sign3A_838, %sign3A_845 : i32
      %rem3A_847 = arith.remsi %add3A_829, %jit3A_830 : i32
      %ne3A_848 = arith.constant 0 : i32
      %ne3A_849 = arith.cmpi ne, %rem3A_847, %ne3A_848 : i32
      %and3A_850 = arith.andi %ne3A_846, %ne3A_849 : i1
      %sub3A_851 = arith.constant 1 : i32
      %sub3A_852 = arith.subi %div3A_831, %sub3A_851 : i32
      %select_n3A_853 = arith.select %and3A_850, %sub3A_852, %div3A_831 : i32
      %jit3A_854 = arith.constant 2 : i32
      %eq3A_855 = arith.constant 0 : i32
      %eq3A_856 = arith.cmpi eq, %jit3A_854, %eq3A_855 : i32
      %jit3A_857 = arith.constant 1 : i32
      %select_n3A_858 = arith.select %eq3A_856, %jit3A_857, %jit3A_854 : i32
      %rem3A_859 = arith.remsi %add3A_829, %select_n3A_858 : i32
      %ne3A_860 = arith.constant 0 : i32
      %ne3A_861 = arith.cmpi ne, %rem3A_859, %ne3A_860 : i32
      %lt3A_862 = arith.constant 0 : i32
      %lt3A_863 = arith.cmpi slt, %rem3A_859, %lt3A_862 : i32
      %lt3A_864 = arith.constant 0 : i32
      %lt3A_865 = arith.cmpi slt, %select_n3A_858, %lt3A_864 : i32
      %ne3A_866 = arith.xori %lt3A_863, %lt3A_865 : i1
      %and3A_867 = arith.andi %ne3A_866, %ne3A_861 : i1
      %add3A_868 = arith.addi %rem3A_859, %select_n3A_858 : i32
      %select_n3A_869 = arith.select %and3A_867, %add3A_868, %rem3A_859 : i32
      %mul3A_870 = arith.constant 64 : i32
      %mul3A_871 = arith.muli %select_n3A_869, %mul3A_870 : i32
      %dma_start3A_872 = arith.constant 0 : i32
      %dma_start3A_873 = arith.constant 0 : i32
      %dma_start3A_874 = tpu.memref_slice %arg11[%dma_start3A_872, %dma_start3A_873] : memref<64x128xf32, #tpu.memory_space<vmem>> -> memref<64x128xf32, #tpu.memory_space<vmem>>
      %dma_start3A_875 = tpu.memref_slice %arg6[%select_n3A_853, %mul3A_871] : memref<200x128xi32, #tpu.memory_space<vmem>> -> memref<1x64xi32, #tpu.memory_space<vmem>>
      %dma_start3A_876 = tpu.memref_squeeze %dma_start3A_875 : memref<1x64xi32, #tpu.memory_space<vmem>> -> memref<64xi32, #tpu.memory_space<vmem>>
      %dma_start3A_877 = arith.constant 0 : i32
      %dma_start3A_878 = arith.constant 0 : i32
      %dma_start3A_879 = tpu.memref_slice %arg5[%dma_start3A_877, %dma_start3A_878] : memref<259x128xf32, #tpu.memory_space<vmem_shared>> -> memref<259x128xf32, #tpu.memory_space<vmem_shared>>
      tpu.enqueue_indirect_dma source(%dma_start3A_879 : memref<259x128xf32, #tpu.memory_space<vmem_shared>>) target(%dma_start3A_874 : memref<64x128xf32, #tpu.memory_space<vmem>>) offsets(%dma_start3A_876 : memref<64xi32, #tpu.memory_space<vmem>>) semaphore(%arg23 : memref<!tpu.dma_semaphore, #tpu.memory_space<semaphore_mem>>)
      %dma_wait3A_880 = arith.constant 0 : i32
      %dma_wait3A_881 = arith.constant 0 : i32
      %dma_wait3A_882 = tpu.memref_slice %arg4[%dma_wait3A_880, %dma_wait3A_881] : memref<819200x128xf32, #tpu.memory_space<hbm>> -> memref<64x128xf32, #tpu.memory_space<hbm>>
      %dma_wait3A_883 = arith.constant 0 : i32
      %dma_wait3A_884 = arith.constant 0 : i32
      %dma_wait3A_885 = tpu.memref_slice %arg4[%dma_wait3A_883, %dma_wait3A_884] : memref<819200x128xf32, #tpu.memory_space<hbm>> -> memref<64x128xf32, #tpu.memory_space<hbm>>
      tpu.wait_dma2 semaphore(%arg36 : memref<!tpu.dma_semaphore, #tpu.memory_space<semaphore_mem>>) src(%arg12 : memref<64x128xf32, #tpu.memory_space<vmem>>) dst(%dma_wait3A_885 : memref<64x128xf32, #tpu.memory_space<hbm>>)
      %mul3A_886 = arith.constant 12 : i32
      %mul3A_887 = arith.muli %scan3A_568, %mul3A_886 : i32
      %add3A_888 = arith.constant 5 : i32
      %add3A_889 = arith.addi %mul3A_887, %add3A_888 : i32
      %mul3A_890 = arith.constant 1 : i32
      %mul3A_891 = arith.muli %add3A_889, %mul3A_890 : i32
      %add3A_892 = arith.constant 0 : i32
      %add3A_893 = arith.addi %mul3A_891, %add3A_892 : i32
      %jit3A_894 = arith.constant 2 : i32
      %div3A_895 = arith.divsi %add3A_893, %jit3A_894 : i32
      %sign3A_896 = arith.constant 0 : i32
      %sign3A_897 = arith.cmpi sgt, %add3A_893, %sign3A_896 : i32
      %sign3A_898 = arith.extui %sign3A_897 : i1 to i32
      %sign3A_899 = arith.constant 0 : i32
      %sign3A_900 = arith.cmpi slt, %add3A_893, %sign3A_899 : i32
      %sign3A_901 = arith.extui %sign3A_900 : i1 to i32
      %sign3A_902 = arith.subi %sign3A_898, %sign3A_901 : i32
      %sign3A_903 = arith.constant 0 : i32
      %sign3A_904 = arith.cmpi sgt, %jit3A_894, %sign3A_903 : i32
      %sign3A_905 = arith.extui %sign3A_904 : i1 to i32
      %sign3A_906 = arith.constant 0 : i32
      %sign3A_907 = arith.cmpi slt, %jit3A_894, %sign3A_906 : i32
      %sign3A_908 = arith.extui %sign3A_907 : i1 to i32
      %sign3A_909 = arith.subi %sign3A_905, %sign3A_908 : i32
      %ne3A_910 = arith.cmpi ne, %sign3A_902, %sign3A_909 : i32
      %rem3A_911 = arith.remsi %add3A_893, %jit3A_894 : i32
      %ne3A_912 = arith.constant 0 : i32
      %ne3A_913 = arith.cmpi ne, %rem3A_911, %ne3A_912 : i32
      %and3A_914 = arith.andi %ne3A_910, %ne3A_913 : i1
      %sub3A_915 = arith.constant 1 : i32
      %sub3A_916 = arith.subi %div3A_895, %sub3A_915 : i32
      %select_n3A_917 = arith.select %and3A_914, %sub3A_916, %div3A_895 : i32
      %jit3A_918 = arith.constant 2 : i32
      %eq3A_919 = arith.constant 0 : i32
      %eq3A_920 = arith.cmpi eq, %jit3A_918, %eq3A_919 : i32
      %jit3A_921 = arith.constant 1 : i32
      %select_n3A_922 = arith.select %eq3A_920, %jit3A_921, %jit3A_918 : i32
      %rem3A_923 = arith.remsi %add3A_893, %select_n3A_922 : i32
      %ne3A_924 = arith.constant 0 : i32
      %ne3A_925 = arith.cmpi ne, %rem3A_923, %ne3A_924 : i32
      %lt3A_926 = arith.constant 0 : i32
      %lt3A_927 = arith.cmpi slt, %rem3A_923, %lt3A_926 : i32
      %lt3A_928 = arith.constant 0 : i32
      %lt3A_929 = arith.cmpi slt, %select_n3A_922, %lt3A_928 : i32
      %ne3A_930 = arith.xori %lt3A_927, %lt3A_929 : i1
      %and3A_931 = arith.andi %ne3A_930, %ne3A_925 : i1
      %add3A_932 = arith.addi %rem3A_923, %select_n3A_922 : i32
      %select_n3A_933 = arith.select %and3A_931, %add3A_932, %rem3A_923 : i32
      %mul3A_934 = arith.constant 64 : i32
      %mul3A_935 = arith.muli %select_n3A_933, %mul3A_934 : i32
      %dma_start3A_936 = arith.constant 0 : i32
      %dma_start3A_937 = arith.constant 0 : i32
      %dma_start3A_938 = tpu.memref_slice %arg12[%dma_start3A_936, %dma_start3A_937] : memref<64x128xf32, #tpu.memory_space<vmem>> -> memref<64x128xf32, #tpu.memory_space<vmem>>
      %dma_start3A_939 = tpu.memref_slice %arg6[%select_n3A_917, %mul3A_935] : memref<200x128xi32, #tpu.memory_space<vmem>> -> memref<1x64xi32, #tpu.memory_space<vmem>>
      %dma_start3A_940 = tpu.memref_squeeze %dma_start3A_939 : memref<1x64xi32, #tpu.memory_space<vmem>> -> memref<64xi32, #tpu.memory_space<vmem>>
      %dma_start3A_941 = arith.constant 0 : i32
      %dma_start3A_942 = arith.constant 0 : i32
      %dma_start3A_943 = tpu.memref_slice %arg5[%dma_start3A_941, %dma_start3A_942] : memref<259x128xf32, #tpu.memory_space<vmem_shared>> -> memref<259x128xf32, #tpu.memory_space<vmem_shared>>
      tpu.enqueue_indirect_dma source(%dma_start3A_943 : memref<259x128xf32, #tpu.memory_space<vmem_shared>>) target(%dma_start3A_938 : memref<64x128xf32, #tpu.memory_space<vmem>>) offsets(%dma_start3A_940 : memref<64xi32, #tpu.memory_space<vmem>>) semaphore(%arg24 : memref<!tpu.dma_semaphore, #tpu.memory_space<semaphore_mem>>)
      %dma_wait3A_944 = arith.constant 0 : i32
      %dma_wait3A_945 = arith.constant 0 : i32
      %dma_wait3A_946 = tpu.memref_slice %arg4[%dma_wait3A_944, %dma_wait3A_945] : memref<819200x128xf32, #tpu.memory_space<hbm>> -> memref<64x128xf32, #tpu.memory_space<hbm>>
      %dma_wait3A_947 = arith.constant 0 : i32
      %dma_wait3A_948 = arith.constant 0 : i32
      %dma_wait3A_949 = tpu.memref_slice %arg4[%dma_wait3A_947, %dma_wait3A_948] : memref<819200x128xf32, #tpu.memory_space<hbm>> -> memref<64x128xf32, #tpu.memory_space<hbm>>
      tpu.wait_dma2 semaphore(%arg37 : memref<!tpu.dma_semaphore, #tpu.memory_space<semaphore_mem>>) src(%arg13 : memref<64x128xf32, #tpu.memory_space<vmem>>) dst(%dma_wait3A_949 : memref<64x128xf32, #tpu.memory_space<hbm>>)
      %mul3A_950 = arith.constant 12 : i32
      %mul3A_951 = arith.muli %scan3A_568, %mul3A_950 : i32
      %add3A_952 = arith.constant 6 : i32
      %add3A_953 = arith.addi %mul3A_951, %add3A_952 : i32
      %mul3A_954 = arith.constant 1 : i32
      %mul3A_955 = arith.muli %add3A_953, %mul3A_954 : i32
      %add3A_956 = arith.constant 0 : i32
      %add3A_957 = arith.addi %mul3A_955, %add3A_956 : i32
      %jit3A_958 = arith.constant 2 : i32
      %div3A_959 = arith.divsi %add3A_957, %jit3A_958 : i32
      %sign3A_960 = arith.constant 0 : i32
      %sign3A_961 = arith.cmpi sgt, %add3A_957, %sign3A_960 : i32
      %sign3A_962 = arith.extui %sign3A_961 : i1 to i32
      %sign3A_963 = arith.constant 0 : i32
      %sign3A_964 = arith.cmpi slt, %add3A_957, %sign3A_963 : i32
      %sign3A_965 = arith.extui %sign3A_964 : i1 to i32
      %sign3A_966 = arith.subi %sign3A_962, %sign3A_965 : i32
      %sign3A_967 = arith.constant 0 : i32
      %sign3A_968 = arith.cmpi sgt, %jit3A_958, %sign3A_967 : i32
      %sign3A_969 = arith.extui %sign3A_968 : i1 to i32
      %sign3A_970 = arith.constant 0 : i32
      %sign3A_971 = arith.cmpi slt, %jit3A_958, %sign3A_970 : i32
      %sign3A_972 = arith.extui %sign3A_971 : i1 to i32
      %sign3A_973 = arith.subi %sign3A_969, %sign3A_972 : i32
      %ne3A_974 = arith.cmpi ne, %sign3A_966, %sign3A_973 : i32
      %rem3A_975 = arith.remsi %add3A_957, %jit3A_958 : i32
      %ne3A_976 = arith.constant 0 : i32
      %ne3A_977 = arith.cmpi ne, %rem3A_975, %ne3A_976 : i32
      %and3A_978 = arith.andi %ne3A_974, %ne3A_977 : i1
      %sub3A_979 = arith.constant 1 : i32
      %sub3A_980 = arith.subi %div3A_959, %sub3A_979 : i32
      %select_n3A_981 = arith.select %and3A_978, %sub3A_980, %div3A_959 : i32
      %jit3A_982 = arith.constant 2 : i32
      %eq3A_983 = arith.constant 0 : i32
      %eq3A_984 = arith.cmpi eq, %jit3A_982, %eq3A_983 : i32
      %jit3A_985 = arith.constant 1 : i32
      %select_n3A_986 = arith.select %eq3A_984, %jit3A_985, %jit3A_982 : i32
      %rem3A_987 = arith.remsi %add3A_957, %select_n3A_986 : i32
      %ne3A_988 = arith.constant 0 : i32
      %ne3A_989 = arith.cmpi ne, %rem3A_987, %ne3A_988 : i32
      %lt3A_990 = arith.constant 0 : i32
      %lt3A_991 = arith.cmpi slt, %rem3A_987, %lt3A_990 : i32
      %lt3A_992 = arith.constant 0 : i32
      %lt3A_993 = arith.cmpi slt, %select_n3A_986, %lt3A_992 : i32
      %ne3A_994 = arith.xori %lt3A_991, %lt3A_993 : i1
      %and3A_995 = arith.andi %ne3A_994, %ne3A_989 : i1
      %add3A_996 = arith.addi %rem3A_987, %select_n3A_986 : i32
      %select_n3A_997 = arith.select %and3A_995, %add3A_996, %rem3A_987 : i32
      %mul3A_998 = arith.constant 64 : i32
      %mul3A_999 = arith.muli %select_n3A_997, %mul3A_998 : i32
      %dma_start3A_1000 = arith.constant 0 : i32
      %dma_start3A_1001 = arith.constant 0 : i32
      %dma_start3A_1002 = tpu.memref_slice %arg13[%dma_start3A_1000, %dma_start3A_1001] : memref<64x128xf32, #tpu.memory_space<vmem>> -> memref<64x128xf32, #tpu.memory_space<vmem>>
      %dma_start3A_1003 = tpu.memref_slice %arg6[%select_n3A_981, %mul3A_999] : memref<200x128xi32, #tpu.memory_space<vmem>> -> memref<1x64xi32, #tpu.memory_space<vmem>>
      %dma_start3A_1004 = tpu.memref_squeeze %dma_start3A_1003 : memref<1x64xi32, #tpu.memory_space<vmem>> -> memref<64xi32, #tpu.memory_space<vmem>>
      %dma_start3A_1005 = arith.constant 0 : i32
      %dma_start3A_1006 = arith.constant 0 : i32
      %dma_start3A_1007 = tpu.memref_slice %arg5[%dma_start3A_1005, %dma_start3A_1006] : memref<259x128xf32, #tpu.memory_space<vmem_shared>> -> memref<259x128xf32, #tpu.memory_space<vmem_shared>>
      tpu.enqueue_indirect_dma source(%dma_start3A_1007 : memref<259x128xf32, #tpu.memory_space<vmem_shared>>) target(%dma_start3A_1002 : memref<64x128xf32, #tpu.memory_space<vmem>>) offsets(%dma_start3A_1004 : memref<64xi32, #tpu.memory_space<vmem>>) semaphore(%arg25 : memref<!tpu.dma_semaphore, #tpu.memory_space<semaphore_mem>>)
      %dma_wait3A_1008 = arith.constant 0 : i32
      %dma_wait3A_1009 = arith.constant 0 : i32
      %dma_wait3A_1010 = tpu.memref_slice %arg4[%dma_wait3A_1008, %dma_wait3A_1009] : memref<819200x128xf32, #tpu.memory_space<hbm>> -> memref<64x128xf32, #tpu.memory_space<hbm>>
      %dma_wait3A_1011 = arith.constant 0 : i32
      %dma_wait3A_1012 = arith.constant 0 : i32
      %dma_wait3A_1013 = tpu.memref_slice %arg4[%dma_wait3A_1011, %dma_wait3A_1012] : memref<819200x128xf32, #tpu.memory_space<hbm>> -> memref<64x128xf32, #tpu.memory_space<hbm>>
      tpu.wait_dma2 semaphore(%arg38 : memref<!tpu.dma_semaphore, #tpu.memory_space<semaphore_mem>>) src(%arg14 : memref<64x128xf32, #tpu.memory_space<vmem>>) dst(%dma_wait3A_1013 : memref<64x128xf32, #tpu.memory_space<hbm>>)
      %mul3A_1014 = arith.constant 12 : i32
      %mul3A_1015 = arith.muli %scan3A_568, %mul3A_1014 : i32
      %add3A_1016 = arith.constant 7 : i32
      %add3A_1017 = arith.addi %mul3A_1015, %add3A_1016 : i32
      %mul3A_1018 = arith.constant 1 : i32
      %mul3A_1019 = arith.muli %add3A_1017, %mul3A_1018 : i32
      %add3A_1020 = arith.constant 0 : i32
      %add3A_1021 = arith.addi %mul3A_1019, %add3A_1020 : i32
      %jit3A_1022 = arith.constant 2 : i32
      %div3A_1023 = arith.divsi %add3A_1021, %jit3A_1022 : i32
      %sign3A_1024 = arith.constant 0 : i32
      %sign3A_1025 = arith.cmpi sgt, %add3A_1021, %sign3A_1024 : i32
      %sign3A_1026 = arith.extui %sign3A_1025 : i1 to i32
      %sign3A_1027 = arith.constant 0 : i32
      %sign3A_1028 = arith.cmpi slt, %add3A_1021, %sign3A_1027 : i32
      %sign3A_1029 = arith.extui %sign3A_1028 : i1 to i32
      %sign3A_1030 = arith.subi %sign3A_1026, %sign3A_1029 : i32
      %sign3A_1031 = arith.constant 0 : i32
      %sign3A_1032 = arith.cmpi sgt, %jit3A_1022, %sign3A_1031 : i32
      %sign3A_1033 = arith.extui %sign3A_1032 : i1 to i32
      %sign3A_1034 = arith.constant 0 : i32
      %sign3A_1035 = arith.cmpi slt, %jit3A_1022, %sign3A_1034 : i32
      %sign3A_1036 = arith.extui %sign3A_1035 : i1 to i32
      %sign3A_1037 = arith.subi %sign3A_1033, %sign3A_1036 : i32
      %ne3A_1038 = arith.cmpi ne, %sign3A_1030, %sign3A_1037 : i32
      %rem3A_1039 = arith.remsi %add3A_1021, %jit3A_1022 : i32
      %ne3A_1040 = arith.constant 0 : i32
      %ne3A_1041 = arith.cmpi ne, %rem3A_1039, %ne3A_1040 : i32
      %and3A_1042 = arith.andi %ne3A_1038, %ne3A_1041 : i1
      %sub3A_1043 = arith.constant 1 : i32
      %sub3A_1044 = arith.subi %div3A_1023, %sub3A_1043 : i32
      %select_n3A_1045 = arith.select %and3A_1042, %sub3A_1044, %div3A_1023 : i32
      %jit3A_1046 = arith.constant 2 : i32
      %eq3A_1047 = arith.constant 0 : i32
      %eq3A_1048 = arith.cmpi eq, %jit3A_1046, %eq3A_1047 : i32
      %jit3A_1049 = arith.constant 1 : i32
      %select_n3A_1050 = arith.select %eq3A_1048, %jit3A_1049, %jit3A_1046 : i32
      %rem3A_1051 = arith.remsi %add3A_1021, %select_n3A_1050 : i32
      %ne3A_1052 = arith.constant 0 : i32
      %ne3A_1053 = arith.cmpi ne, %rem3A_1051, %ne3A_1052 : i32
      %lt3A_1054 = arith.constant 0 : i32
      %lt3A_1055 = arith.cmpi slt, %rem3A_1051, %lt3A_1054 : i32
      %lt3A_1056 = arith.constant 0 : i32
      %lt3A_1057 = arith.cmpi slt, %select_n3A_1050, %lt3A_1056 : i32
      %ne3A_1058 = arith.xori %lt3A_1055, %lt3A_1057 : i1
      %and3A_1059 = arith.andi %ne3A_1058, %ne3A_1053 : i1
      %add3A_1060 = arith.addi %rem3A_1051, %select_n3A_1050 : i32
      %select_n3A_1061 = arith.select %and3A_1059, %add3A_1060, %rem3A_1051 : i32
      %mul3A_1062 = arith.constant 64 : i32
      %mul3A_1063 = arith.muli %select_n3A_1061, %mul3A_1062 : i32
      %dma_start3A_1064 = arith.constant 0 : i32
      %dma_start3A_1065 = arith.constant 0 : i32
      %dma_start3A_1066 = tpu.memref_slice %arg14[%dma_start3A_1064, %dma_start3A_1065] : memref<64x128xf32, #tpu.memory_space<vmem>> -> memref<64x128xf32, #tpu.memory_space<vmem>>
      %dma_start3A_1067 = tpu.memref_slice %arg6[%select_n3A_1045, %mul3A_1063] : memref<200x128xi32, #tpu.memory_space<vmem>> -> memref<1x64xi32, #tpu.memory_space<vmem>>
      %dma_start3A_1068 = tpu.memref_squeeze %dma_start3A_1067 : memref<1x64xi32, #tpu.memory_space<vmem>> -> memref<64xi32, #tpu.memory_space<vmem>>
      %dma_start3A_1069 = arith.constant 0 : i32
      %dma_start3A_1070 = arith.constant 0 : i32
      %dma_start3A_1071 = tpu.memref_slice %arg5[%dma_start3A_1069, %dma_start3A_1070] : memref<259x128xf32, #tpu.memory_space<vmem_shared>> -> memref<259x128xf32, #tpu.memory_space<vmem_shared>>
      tpu.enqueue_indirect_dma source(%dma_start3A_1071 : memref<259x128xf32, #tpu.memory_space<vmem_shared>>) target(%dma_start3A_1066 : memref<64x128xf32, #tpu.memory_space<vmem>>) offsets(%dma_start3A_1068 : memref<64xi32, #tpu.memory_space<vmem>>) semaphore(%arg26 : memref<!tpu.dma_semaphore, #tpu.memory_space<semaphore_mem>>)
      %dma_wait3A_1072 = arith.constant 0 : i32
      %dma_wait3A_1073 = arith.constant 0 : i32
      %dma_wait3A_1074 = tpu.memref_slice %arg4[%dma_wait3A_1072, %dma_wait3A_1073] : memref<819200x128xf32, #tpu.memory_space<hbm>> -> memref<64x128xf32, #tpu.memory_space<hbm>>
      %dma_wait3A_1075 = arith.constant 0 : i32
      %dma_wait3A_1076 = arith.constant 0 : i32
      %dma_wait3A_1077 = tpu.memref_slice %arg4[%dma_wait3A_1075, %dma_wait3A_1076] : memref<819200x128xf32, #tpu.memory_space<hbm>> -> memref<64x128xf32, #tpu.memory_space<hbm>>
      tpu.wait_dma2 semaphore(%arg39 : memref<!tpu.dma_semaphore, #tpu.memory_space<semaphore_mem>>) src(%arg15 : memref<64x128xf32, #tpu.memory_space<vmem>>) dst(%dma_wait3A_1077 : memref<64x128xf32, #tpu.memory_space<hbm>>)
      %mul3A_1078 = arith.constant 12 : i32
      %mul3A_1079 = arith.muli %scan3A_568, %mul3A_1078 : i32
      %add3A_1080 = arith.constant 8 : i32
      %add3A_1081 = arith.addi %mul3A_1079, %add3A_1080 : i32
      %mul3A_1082 = arith.constant 1 : i32
      %mul3A_1083 = arith.muli %add3A_1081, %mul3A_1082 : i32
      %add3A_1084 = arith.constant 0 : i32
      %add3A_1085 = arith.addi %mul3A_1083, %add3A_1084 : i32
      %jit3A_1086 = arith.constant 2 : i32
      %div3A_1087 = arith.divsi %add3A_1085, %jit3A_1086 : i32
      %sign3A_1088 = arith.constant 0 : i32
      %sign3A_1089 = arith.cmpi sgt, %add3A_1085, %sign3A_1088 : i32
      %sign3A_1090 = arith.extui %sign3A_1089 : i1 to i32
      %sign3A_1091 = arith.constant 0 : i32
      %sign3A_1092 = arith.cmpi slt, %add3A_1085, %sign3A_1091 : i32
      %sign3A_1093 = arith.extui %sign3A_1092 : i1 to i32
      %sign3A_1094 = arith.subi %sign3A_1090, %sign3A_1093 : i32
      %sign3A_1095 = arith.constant 0 : i32
      %sign3A_1096 = arith.cmpi sgt, %jit3A_1086, %sign3A_1095 : i32
      %sign3A_1097 = arith.extui %sign3A_1096 : i1 to i32
      %sign3A_1098 = arith.constant 0 : i32
      %sign3A_1099 = arith.cmpi slt, %jit3A_1086, %sign3A_1098 : i32
      %sign3A_1100 = arith.extui %sign3A_1099 : i1 to i32
      %sign3A_1101 = arith.subi %sign3A_1097, %sign3A_1100 : i32
      %ne3A_1102 = arith.cmpi ne, %sign3A_1094, %sign3A_1101 : i32
      %rem3A_1103 = arith.remsi %add3A_1085, %jit3A_1086 : i32
      %ne3A_1104 = arith.constant 0 : i32
      %ne3A_1105 = arith.cmpi ne, %rem3A_1103, %ne3A_1104 : i32
      %and3A_1106 = arith.andi %ne3A_1102, %ne3A_1105 : i1
      %sub3A_1107 = arith.constant 1 : i32
      %sub3A_1108 = arith.subi %div3A_1087, %sub3A_1107 : i32
      %select_n3A_1109 = arith.select %and3A_1106, %sub3A_1108, %div3A_1087 : i32
      %jit3A_1110 = arith.constant 2 : i32
      %eq3A_1111 = arith.constant 0 : i32
      %eq3A_1112 = arith.cmpi eq, %jit3A_1110, %eq3A_1111 : i32
      %jit3A_1113 = arith.constant 1 : i32
      %select_n3A_1114 = arith.select %eq3A_1112, %jit3A_1113, %jit3A_1110 : i32
      %rem3A_1115 = arith.remsi %add3A_1085, %select_n3A_1114 : i32
      %ne3A_1116 = arith.constant 0 : i32
      %ne3A_1117 = arith.cmpi ne, %rem3A_1115, %ne3A_1116 : i32
      %lt3A_1118 = arith.constant 0 : i32
      %lt3A_1119 = arith.cmpi slt, %rem3A_1115, %lt3A_1118 : i32
      %lt3A_1120 = arith.constant 0 : i32
      %lt3A_1121 = arith.cmpi slt, %select_n3A_1114, %lt3A_1120 : i32
      %ne3A_1122 = arith.xori %lt3A_1119, %lt3A_1121 : i1
      %and3A_1123 = arith.andi %ne3A_1122, %ne3A_1117 : i1
      %add3A_1124 = arith.addi %rem3A_1115, %select_n3A_1114 : i32
      %select_n3A_1125 = arith.select %and3A_1123, %add3A_1124, %rem3A_1115 : i32
      %mul3A_1126 = arith.constant 64 : i32
      %mul3A_1127 = arith.muli %select_n3A_1125, %mul3A_1126 : i32
      %dma_start3A_1128 = arith.constant 0 : i32
      %dma_start3A_1129 = arith.constant 0 : i32
      %dma_start3A_1130 = tpu.memref_slice %arg15[%dma_start3A_1128, %dma_start3A_1129] : memref<64x128xf32, #tpu.memory_space<vmem>> -> memref<64x128xf32, #tpu.memory_space<vmem>>
      %dma_start3A_1131 = tpu.memref_slice %arg6[%select_n3A_1109, %mul3A_1127] : memref<200x128xi32, #tpu.memory_space<vmem>> -> memref<1x64xi32, #tpu.memory_space<vmem>>
      %dma_start3A_1132 = tpu.memref_squeeze %dma_start3A_1131 : memref<1x64xi32, #tpu.memory_space<vmem>> -> memref<64xi32, #tpu.memory_space<vmem>>
      %dma_start3A_1133 = arith.constant 0 : i32
      %dma_start3A_1134 = arith.constant 0 : i32
      %dma_start3A_1135 = tpu.memref_slice %arg5[%dma_start3A_1133, %dma_start3A_1134] : memref<259x128xf32, #tpu.memory_space<vmem_shared>> -> memref<259x128xf32, #tpu.memory_space<vmem_shared>>
      tpu.enqueue_indirect_dma source(%dma_start3A_1135 : memref<259x128xf32, #tpu.memory_space<vmem_shared>>) target(%dma_start3A_1130 : memref<64x128xf32, #tpu.memory_space<vmem>>) offsets(%dma_start3A_1132 : memref<64xi32, #tpu.memory_space<vmem>>) semaphore(%arg27 : memref<!tpu.dma_semaphore, #tpu.memory_space<semaphore_mem>>)
      %dma_wait3A_1136 = arith.constant 0 : i32
      %dma_wait3A_1137 = arith.constant 0 : i32
      %dma_wait3A_1138 = tpu.memref_slice %arg4[%dma_wait3A_1136, %dma_wait3A_1137] : memref<819200x128xf32, #tpu.memory_space<hbm>> -> memref<64x128xf32, #tpu.memory_space<hbm>>
      %dma_wait3A_1139 = arith.constant 0 : i32
      %dma_wait3A_1140 = arith.constant 0 : i32
      %dma_wait3A_1141 = tpu.memref_slice %arg4[%dma_wait3A_1139, %dma_wait3A_1140] : memref<819200x128xf32, #tpu.memory_space<hbm>> -> memref<64x128xf32, #tpu.memory_space<hbm>>
      tpu.wait_dma2 semaphore(%arg40 : memref<!tpu.dma_semaphore, #tpu.memory_space<semaphore_mem>>) src(%arg16 : memref<64x128xf32, #tpu.memory_space<vmem>>) dst(%dma_wait3A_1141 : memref<64x128xf32, #tpu.memory_space<hbm>>)
      %mul3A_1142 = arith.constant 12 : i32
      %mul3A_1143 = arith.muli %scan3A_568, %mul3A_1142 : i32
      %add3A_1144 = arith.constant 9 : i32
      %add3A_1145 = arith.addi %mul3A_1143, %add3A_1144 : i32
      %mul3A_1146 = arith.constant 1 : i32
      %mul3A_1147 = arith.muli %add3A_1145, %mul3A_1146 : i32
      %add3A_1148 = arith.constant 0 : i32
      %add3A_1149 = arith.addi %mul3A_1147, %add3A_1148 : i32
      %jit3A_1150 = arith.constant 2 : i32
      %div3A_1151 = arith.divsi %add3A_1149, %jit3A_1150 : i32
      %sign3A_1152 = arith.constant 0 : i32
      %sign3A_1153 = arith.cmpi sgt, %add3A_1149, %sign3A_1152 : i32
      %sign3A_1154 = arith.extui %sign3A_1153 : i1 to i32
      %sign3A_1155 = arith.constant 0 : i32
      %sign3A_1156 = arith.cmpi slt, %add3A_1149, %sign3A_1155 : i32
      %sign3A_1157 = arith.extui %sign3A_1156 : i1 to i32
      %sign3A_1158 = arith.subi %sign3A_1154, %sign3A_1157 : i32
      %sign3A_1159 = arith.constant 0 : i32
      %sign3A_1160 = arith.cmpi sgt, %jit3A_1150, %sign3A_1159 : i32
      %sign3A_1161 = arith.extui %sign3A_1160 : i1 to i32
      %sign3A_1162 = arith.constant 0 : i32
      %sign3A_1163 = arith.cmpi slt, %jit3A_1150, %sign3A_1162 : i32
      %sign3A_1164 = arith.extui %sign3A_1163 : i1 to i32
      %sign3A_1165 = arith.subi %sign3A_1161, %sign3A_1164 : i32
      %ne3A_1166 = arith.cmpi ne, %sign3A_1158, %sign3A_1165 : i32
      %rem3A_1167 = arith.remsi %add3A_1149, %jit3A_1150 : i32
      %ne3A_1168 = arith.constant 0 : i32
      %ne3A_1169 = arith.cmpi ne, %rem3A_1167, %ne3A_1168 : i32
      %and3A_1170 = arith.andi %ne3A_1166, %ne3A_1169 : i1
      %sub3A_1171 = arith.constant 1 : i32
      %sub3A_1172 = arith.subi %div3A_1151, %sub3A_1171 : i32
      %select_n3A_1173 = arith.select %and3A_1170, %sub3A_1172, %div3A_1151 : i32
      %jit3A_1174 = arith.constant 2 : i32
      %eq3A_1175 = arith.constant 0 : i32
      %eq3A_1176 = arith.cmpi eq, %jit3A_1174, %eq3A_1175 : i32
      %jit3A_1177 = arith.constant 1 : i32
      %select_n3A_1178 = arith.select %eq3A_1176, %jit3A_1177, %jit3A_1174 : i32
      %rem3A_1179 = arith.remsi %add3A_1149, %select_n3A_1178 : i32
      %ne3A_1180 = arith.constant 0 : i32
      %ne3A_1181 = arith.cmpi ne, %rem3A_1179, %ne3A_1180 : i32
      %lt3A_1182 = arith.constant 0 : i32
      %lt3A_1183 = arith.cmpi slt, %rem3A_1179, %lt3A_1182 : i32
      %lt3A_1184 = arith.constant 0 : i32
      %lt3A_1185 = arith.cmpi slt, %select_n3A_1178, %lt3A_1184 : i32
      %ne3A_1186 = arith.xori %lt3A_1183, %lt3A_1185 : i1
      %and3A_1187 = arith.andi %ne3A_1186, %ne3A_1181 : i1
      %add3A_1188 = arith.addi %rem3A_1179, %select_n3A_1178 : i32
      %select_n3A_1189 = arith.select %and3A_1187, %add3A_1188, %rem3A_1179 : i32
      %mul3A_1190 = arith.constant 64 : i32
      %mul3A_1191 = arith.muli %select_n3A_1189, %mul3A_1190 : i32
      %dma_start3A_1192 = arith.constant 0 : i32
      %dma_start3A_1193 = arith.constant 0 : i32
      %dma_start3A_1194 = tpu.memref_slice %arg16[%dma_start3A_1192, %dma_start3A_1193] : memref<64x128xf32, #tpu.memory_space<vmem>> -> memref<64x128xf32, #tpu.memory_space<vmem>>
      %dma_start3A_1195 = tpu.memref_slice %arg6[%select_n3A_1173, %mul3A_1191] : memref<200x128xi32, #tpu.memory_space<vmem>> -> memref<1x64xi32, #tpu.memory_space<vmem>>
      %dma_start3A_1196 = tpu.memref_squeeze %dma_start3A_1195 : memref<1x64xi32, #tpu.memory_space<vmem>> -> memref<64xi32, #tpu.memory_space<vmem>>
      %dma_start3A_1197 = arith.constant 0 : i32
      %dma_start3A_1198 = arith.constant 0 : i32
      %dma_start3A_1199 = tpu.memref_slice %arg5[%dma_start3A_1197, %dma_start3A_1198] : memref<259x128xf32, #tpu.memory_space<vmem_shared>> -> memref<259x128xf32, #tpu.memory_space<vmem_shared>>
      tpu.enqueue_indirect_dma source(%dma_start3A_1199 : memref<259x128xf32, #tpu.memory_space<vmem_shared>>) target(%dma_start3A_1194 : memref<64x128xf32, #tpu.memory_space<vmem>>) offsets(%dma_start3A_1196 : memref<64xi32, #tpu.memory_space<vmem>>) semaphore(%arg28 : memref<!tpu.dma_semaphore, #tpu.memory_space<semaphore_mem>>)
      %dma_wait3A_1200 = arith.constant 0 : i32
      %dma_wait3A_1201 = arith.constant 0 : i32
      %dma_wait3A_1202 = tpu.memref_slice %arg4[%dma_wait3A_1200, %dma_wait3A_1201] : memref<819200x128xf32, #tpu.memory_space<hbm>> -> memref<64x128xf32, #tpu.memory_space<hbm>>
      %dma_wait3A_1203 = arith.constant 0 : i32
      %dma_wait3A_1204 = arith.constant 0 : i32
      %dma_wait3A_1205 = tpu.memref_slice %arg4[%dma_wait3A_1203, %dma_wait3A_1204] : memref<819200x128xf32, #tpu.memory_space<hbm>> -> memref<64x128xf32, #tpu.memory_space<hbm>>
      tpu.wait_dma2 semaphore(%arg41 : memref<!tpu.dma_semaphore, #tpu.memory_space<semaphore_mem>>) src(%arg17 : memref<64x128xf32, #tpu.memory_space<vmem>>) dst(%dma_wait3A_1205 : memref<64x128xf32, #tpu.memory_space<hbm>>)
      %mul3A_1206 = arith.constant 12 : i32
      %mul3A_1207 = arith.muli %scan3A_568, %mul3A_1206 : i32
      %add3A_1208 = arith.constant 10 : i32
      %add3A_1209 = arith.addi %mul3A_1207, %add3A_1208 : i32
      %mul3A_1210 = arith.constant 1 : i32
      %mul3A_1211 = arith.muli %add3A_1209, %mul3A_1210 : i32
      %add3A_1212 = arith.constant 0 : i32
      %add3A_1213 = arith.addi %mul3A_1211, %add3A_1212 : i32
      %jit3A_1214 = arith.constant 2 : i32
      %div3A_1215 = arith.divsi %add3A_1213, %jit3A_1214 : i32
      %sign3A_1216 = arith.constant 0 : i32
      %sign3A_1217 = arith.cmpi sgt, %add3A_1213, %sign3A_1216 : i32
      %sign3A_1218 = arith.extui %sign3A_1217 : i1 to i32
      %sign3A_1219 = arith.constant 0 : i32
      %sign3A_1220 = arith.cmpi slt, %add3A_1213, %sign3A_1219 : i32
      %sign3A_1221 = arith.extui %sign3A_1220 : i1 to i32
      %sign3A_1222 = arith.subi %sign3A_1218, %sign3A_1221 : i32
      %sign3A_1223 = arith.constant 0 : i32
      %sign3A_1224 = arith.cmpi sgt, %jit3A_1214, %sign3A_1223 : i32
      %sign3A_1225 = arith.extui %sign3A_1224 : i1 to i32
      %sign3A_1226 = arith.constant 0 : i32
      %sign3A_1227 = arith.cmpi slt, %jit3A_1214, %sign3A_1226 : i32
      %sign3A_1228 = arith.extui %sign3A_1227 : i1 to i32
      %sign3A_1229 = arith.subi %sign3A_1225, %sign3A_1228 : i32
      %ne3A_1230 = arith.cmpi ne, %sign3A_1222, %sign3A_1229 : i32
      %rem3A_1231 = arith.remsi %add3A_1213, %jit3A_1214 : i32
      %ne3A_1232 = arith.constant 0 : i32
      %ne3A_1233 = arith.cmpi ne, %rem3A_1231, %ne3A_1232 : i32
      %and3A_1234 = arith.andi %ne3A_1230, %ne3A_1233 : i1
      %sub3A_1235 = arith.constant 1 : i32
      %sub3A_1236 = arith.subi %div3A_1215, %sub3A_1235 : i32
      %select_n3A_1237 = arith.select %and3A_1234, %sub3A_1236, %div3A_1215 : i32
      %jit3A_1238 = arith.constant 2 : i32
      %eq3A_1239 = arith.constant 0 : i32
      %eq3A_1240 = arith.cmpi eq, %jit3A_1238, %eq3A_1239 : i32
      %jit3A_1241 = arith.constant 1 : i32
      %select_n3A_1242 = arith.select %eq3A_1240, %jit3A_1241, %jit3A_1238 : i32
      %rem3A_1243 = arith.remsi %add3A_1213, %select_n3A_1242 : i32
      %ne3A_1244 = arith.constant 0 : i32
      %ne3A_1245 = arith.cmpi ne, %rem3A_1243, %ne3A_1244 : i32
      %lt3A_1246 = arith.constant 0 : i32
      %lt3A_1247 = arith.cmpi slt, %rem3A_1243, %lt3A_1246 : i32
      %lt3A_1248 = arith.constant 0 : i32
      %lt3A_1249 = arith.cmpi slt, %select_n3A_1242, %lt3A_1248 : i32
      %ne3A_1250 = arith.xori %lt3A_1247, %lt3A_1249 : i1
      %and3A_1251 = arith.andi %ne3A_1250, %ne3A_1245 : i1
      %add3A_1252 = arith.addi %rem3A_1243, %select_n3A_1242 : i32
      %select_n3A_1253 = arith.select %and3A_1251, %add3A_1252, %rem3A_1243 : i32
      %mul3A_1254 = arith.constant 64 : i32
      %mul3A_1255 = arith.muli %select_n3A_1253, %mul3A_1254 : i32
      %dma_start3A_1256 = arith.constant 0 : i32
      %dma_start3A_1257 = arith.constant 0 : i32
      %dma_start3A_1258 = tpu.memref_slice %arg17[%dma_start3A_1256, %dma_start3A_1257] : memref<64x128xf32, #tpu.memory_space<vmem>> -> memref<64x128xf32, #tpu.memory_space<vmem>>
      %dma_start3A_1259 = tpu.memref_slice %arg6[%select_n3A_1237, %mul3A_1255] : memref<200x128xi32, #tpu.memory_space<vmem>> -> memref<1x64xi32, #tpu.memory_space<vmem>>
      %dma_start3A_1260 = tpu.memref_squeeze %dma_start3A_1259 : memref<1x64xi32, #tpu.memory_space<vmem>> -> memref<64xi32, #tpu.memory_space<vmem>>
      %dma_start3A_1261 = arith.constant 0 : i32
      %dma_start3A_1262 = arith.constant 0 : i32
      %dma_start3A_1263 = tpu.memref_slice %arg5[%dma_start3A_1261, %dma_start3A_1262] : memref<259x128xf32, #tpu.memory_space<vmem_shared>> -> memref<259x128xf32, #tpu.memory_space<vmem_shared>>
      tpu.enqueue_indirect_dma source(%dma_start3A_1263 : memref<259x128xf32, #tpu.memory_space<vmem_shared>>) target(%dma_start3A_1258 : memref<64x128xf32, #tpu.memory_space<vmem>>) offsets(%dma_start3A_1260 : memref<64xi32, #tpu.memory_space<vmem>>) semaphore(%arg29 : memref<!tpu.dma_semaphore, #tpu.memory_space<semaphore_mem>>)
      %dma_wait3A_1264 = arith.constant 0 : i32
      %dma_wait3A_1265 = arith.constant 0 : i32
      %dma_wait3A_1266 = tpu.memref_slice %arg4[%dma_wait3A_1264, %dma_wait3A_1265] : memref<819200x128xf32, #tpu.memory_space<hbm>> -> memref<64x128xf32, #tpu.memory_space<hbm>>
      %dma_wait3A_1267 = arith.constant 0 : i32
      %dma_wait3A_1268 = arith.constant 0 : i32
      %dma_wait3A_1269 = tpu.memref_slice %arg4[%dma_wait3A_1267, %dma_wait3A_1268] : memref<819200x128xf32, #tpu.memory_space<hbm>> -> memref<64x128xf32, #tpu.memory_space<hbm>>
      tpu.wait_dma2 semaphore(%arg42 : memref<!tpu.dma_semaphore, #tpu.memory_space<semaphore_mem>>) src(%arg18 : memref<64x128xf32, #tpu.memory_space<vmem>>) dst(%dma_wait3A_1269 : memref<64x128xf32, #tpu.memory_space<hbm>>)
      %mul3A_1270 = arith.constant 12 : i32
      %mul3A_1271 = arith.muli %scan3A_568, %mul3A_1270 : i32
      %add3A_1272 = arith.constant 11 : i32
      %add3A_1273 = arith.addi %mul3A_1271, %add3A_1272 : i32
      %mul3A_1274 = arith.constant 1 : i32
      %mul3A_1275 = arith.muli %add3A_1273, %mul3A_1274 : i32
      %add3A_1276 = arith.constant 0 : i32
      %add3A_1277 = arith.addi %mul3A_1275, %add3A_1276 : i32
      %jit3A_1278 = arith.constant 2 : i32
      %div3A_1279 = arith.divsi %add3A_1277, %jit3A_1278 : i32
      %sign3A_1280 = arith.constant 0 : i32
      %sign3A_1281 = arith.cmpi sgt, %add3A_1277, %sign3A_1280 : i32
      %sign3A_1282 = arith.extui %sign3A_1281 : i1 to i32
      %sign3A_1283 = arith.constant 0 : i32
      %sign3A_1284 = arith.cmpi slt, %add3A_1277, %sign3A_1283 : i32
      %sign3A_1285 = arith.extui %sign3A_1284 : i1 to i32
      %sign3A_1286 = arith.subi %sign3A_1282, %sign3A_1285 : i32
      %sign3A_1287 = arith.constant 0 : i32
      %sign3A_1288 = arith.cmpi sgt, %jit3A_1278, %sign3A_1287 : i32
      %sign3A_1289 = arith.extui %sign3A_1288 : i1 to i32
      %sign3A_1290 = arith.constant 0 : i32
      %sign3A_1291 = arith.cmpi slt, %jit3A_1278, %sign3A_1290 : i32
      %sign3A_1292 = arith.extui %sign3A_1291 : i1 to i32
      %sign3A_1293 = arith.subi %sign3A_1289, %sign3A_1292 : i32
      %ne3A_1294 = arith.cmpi ne, %sign3A_1286, %sign3A_1293 : i32
      %rem3A_1295 = arith.remsi %add3A_1277, %jit3A_1278 : i32
      %ne3A_1296 = arith.constant 0 : i32
      %ne3A_1297 = arith.cmpi ne, %rem3A_1295, %ne3A_1296 : i32
      %and3A_1298 = arith.andi %ne3A_1294, %ne3A_1297 : i1
      %sub3A_1299 = arith.constant 1 : i32
      %sub3A_1300 = arith.subi %div3A_1279, %sub3A_1299 : i32
      %select_n3A_1301 = arith.select %and3A_1298, %sub3A_1300, %div3A_1279 : i32
      %jit3A_1302 = arith.constant 2 : i32
      %eq3A_1303 = arith.constant 0 : i32
      %eq3A_1304 = arith.cmpi eq, %jit3A_1302, %eq3A_1303 : i32
      %jit3A_1305 = arith.constant 1 : i32
      %select_n3A_1306 = arith.select %eq3A_1304, %jit3A_1305, %jit3A_1302 : i32
      %rem3A_1307 = arith.remsi %add3A_1277, %select_n3A_1306 : i32
      %ne3A_1308 = arith.constant 0 : i32
      %ne3A_1309 = arith.cmpi ne, %rem3A_1307, %ne3A_1308 : i32
      %lt3A_1310 = arith.constant 0 : i32
      %lt3A_1311 = arith.cmpi slt, %rem3A_1307, %lt3A_1310 : i32
      %lt3A_1312 = arith.constant 0 : i32
      %lt3A_1313 = arith.cmpi slt, %select_n3A_1306, %lt3A_1312 : i32
      %ne3A_1314 = arith.xori %lt3A_1311, %lt3A_1313 : i1
      %and3A_1315 = arith.andi %ne3A_1314, %ne3A_1309 : i1
      %add3A_1316 = arith.addi %rem3A_1307, %select_n3A_1306 : i32
      %select_n3A_1317 = arith.select %and3A_1315, %add3A_1316, %rem3A_1307 : i32
      %mul3A_1318 = arith.constant 64 : i32
      %mul3A_1319 = arith.muli %select_n3A_1317, %mul3A_1318 : i32
      %dma_start3A_1320 = arith.constant 0 : i32
      %dma_start3A_1321 = arith.constant 0 : i32
      %dma_start3A_1322 = tpu.memref_slice %arg18[%dma_start3A_1320, %dma_start3A_1321] : memref<64x128xf32, #tpu.memory_space<vmem>> -> memref<64x128xf32, #tpu.memory_space<vmem>>
      %dma_start3A_1323 = tpu.memref_slice %arg6[%select_n3A_1301, %mul3A_1319] : memref<200x128xi32, #tpu.memory_space<vmem>> -> memref<1x64xi32, #tpu.memory_space<vmem>>
      %dma_start3A_1324 = tpu.memref_squeeze %dma_start3A_1323 : memref<1x64xi32, #tpu.memory_space<vmem>> -> memref<64xi32, #tpu.memory_space<vmem>>
      %dma_start3A_1325 = arith.constant 0 : i32
      %dma_start3A_1326 = arith.constant 0 : i32
      %dma_start3A_1327 = tpu.memref_slice %arg5[%dma_start3A_1325, %dma_start3A_1326] : memref<259x128xf32, #tpu.memory_space<vmem_shared>> -> memref<259x128xf32, #tpu.memory_space<vmem_shared>>
      tpu.enqueue_indirect_dma source(%dma_start3A_1327 : memref<259x128xf32, #tpu.memory_space<vmem_shared>>) target(%dma_start3A_1322 : memref<64x128xf32, #tpu.memory_space<vmem>>) offsets(%dma_start3A_1324 : memref<64xi32, #tpu.memory_space<vmem>>) semaphore(%arg30 : memref<!tpu.dma_semaphore, #tpu.memory_space<semaphore_mem>>)
      %mul3A_1328 = arith.constant 12 : i32
      %mul3A_1329 = arith.muli %scan3A_568, %mul3A_1328 : i32
      %add3A_1330 = arith.constant 0 : i32
      %add3A_1331 = arith.addi %mul3A_1329, %add3A_1330 : i32
      %mul3A_1332 = arith.constant 1 : i32
      %mul3A_1333 = arith.muli %add3A_1331, %mul3A_1332 : i32
      %dma_wait3A_1334 = arith.constant 0 : i32
      %dma_wait3A_1335 = arith.constant 0 : i32
      %dma_wait3A_1336 = tpu.memref_slice %arg7[%dma_wait3A_1334, %dma_wait3A_1335] : memref<64x128xf32, #tpu.memory_space<vmem>> -> memref<64x128xf32, #tpu.memory_space<vmem>>
      %dma_wait3A_1337 = tpu.memref_slice %arg6[%select_n3A, %mul3A_615] : memref<200x128xi32, #tpu.memory_space<vmem>> -> memref<1x64xi32, #tpu.memory_space<vmem>>
      %dma_wait3A_1338 = tpu.memref_squeeze %dma_wait3A_1337 : memref<1x64xi32, #tpu.memory_space<vmem>> -> memref<64xi32, #tpu.memory_space<vmem>>
      %dma_wait3A_1339 = arith.constant 0 : i32
      %dma_wait3A_1340 = arith.constant 0 : i32
      %dma_wait3A_1341 = tpu.memref_slice %arg5[%dma_wait3A_1339, %dma_wait3A_1340] : memref<259x128xf32, #tpu.memory_space<vmem_shared>> -> memref<259x128xf32, #tpu.memory_space<vmem_shared>>
      tpu.wait_indirect_dma semaphore(%arg19 : memref<!tpu.dma_semaphore, #tpu.memory_space<semaphore_mem>>) src(%dma_wait3A_1341 : memref<259x128xf32, #tpu.memory_space<vmem_shared>>) dst(%dma_wait3A_1336 : memref<64x128xf32, #tpu.memory_space<vmem>>)
      %mul3A_1342 = arith.constant 64 : i32
      %mul3A_1343 = arith.muli %mul3A_1333, %mul3A_1342 : i32
      %add3A_1344 = arith.addi %mul3A_2, %mul3A_1343 : i32
      %dma_start3A_1345 = arith.constant 0 : i32
      %dma_start3A_1346 = tpu.memref_slice %arg4[%add3A_1344, %dma_start3A_1345] : memref<819200x128xf32, #tpu.memory_space<hbm>> -> memref<64x128xf32, #tpu.memory_space<hbm>>
      %dma_start3A_1347 = arith.constant 0 : i32
      %dma_start3A_1348 = tpu.memref_slice %arg4[%add3A_1344, %dma_start3A_1347] : memref<819200x128xf32, #tpu.memory_space<hbm>> -> memref<64x128xf32, #tpu.memory_space<hbm>>
      tpu.enqueue_dma source(%arg7 : memref<64x128xf32, #tpu.memory_space<vmem>>) target(%dma_start3A_1348 : memref<64x128xf32, #tpu.memory_space<hbm>>) target_semaphore(%arg31 : memref<!tpu.dma_semaphore, #tpu.memory_space<semaphore_mem>>)
      %mul3A_1349 = arith.constant 12 : i32
      %mul3A_1350 = arith.muli %scan3A_568, %mul3A_1349 : i32
      %add3A_1351 = arith.constant 1 : i32
      %add3A_1352 = arith.addi %mul3A_1350, %add3A_1351 : i32
      %mul3A_1353 = arith.constant 1 : i32
      %mul3A_1354 = arith.muli %add3A_1352, %mul3A_1353 : i32
      %dma_wait3A_1355 = arith.constant 0 : i32
      %dma_wait3A_1356 = arith.constant 0 : i32
      %dma_wait3A_1357 = tpu.memref_slice %arg8[%dma_wait3A_1355, %dma_wait3A_1356] : memref<64x128xf32, #tpu.memory_space<vmem>> -> memref<64x128xf32, #tpu.memory_space<vmem>>
      %dma_wait3A_1358 = tpu.memref_slice %arg6[%select_n3A_661, %mul3A_679] : memref<200x128xi32, #tpu.memory_space<vmem>> -> memref<1x64xi32, #tpu.memory_space<vmem>>
      %dma_wait3A_1359 = tpu.memref_squeeze %dma_wait3A_1358 : memref<1x64xi32, #tpu.memory_space<vmem>> -> memref<64xi32, #tpu.memory_space<vmem>>
      %dma_wait3A_1360 = arith.constant 0 : i32
      %dma_wait3A_1361 = arith.constant 0 : i32
      %dma_wait3A_1362 = tpu.memref_slice %arg5[%dma_wait3A_1360, %dma_wait3A_1361] : memref<259x128xf32, #tpu.memory_space<vmem_shared>> -> memref<259x128xf32, #tpu.memory_space<vmem_shared>>
      tpu.wait_indirect_dma semaphore(%arg20 : memref<!tpu.dma_semaphore, #tpu.memory_space<semaphore_mem>>) src(%dma_wait3A_1362 : memref<259x128xf32, #tpu.memory_space<vmem_shared>>) dst(%dma_wait3A_1357 : memref<64x128xf32, #tpu.memory_space<vmem>>)
      %mul3A_1363 = arith.constant 64 : i32
      %mul3A_1364 = arith.muli %mul3A_1354, %mul3A_1363 : i32
      %add3A_1365 = arith.addi %mul3A_2, %mul3A_1364 : i32
      %dma_start3A_1366 = arith.constant 0 : i32
      %dma_start3A_1367 = tpu.memref_slice %arg4[%add3A_1365, %dma_start3A_1366] : memref<819200x128xf32, #tpu.memory_space<hbm>> -> memref<64x128xf32, #tpu.memory_space<hbm>>
      %dma_start3A_1368 = arith.constant 0 : i32
      %dma_start3A_1369 = tpu.memref_slice %arg4[%add3A_1365, %dma_start3A_1368] : memref<819200x128xf32, #tpu.memory_space<hbm>> -> memref<64x128xf32, #tpu.memory_space<hbm>>
      tpu.enqueue_dma source(%arg8 : memref<64x128xf32, #tpu.memory_space<vmem>>) target(%dma_start3A_1369 : memref<64x128xf32, #tpu.memory_space<hbm>>) target_semaphore(%arg32 : memref<!tpu.dma_semaphore, #tpu.memory_space<semaphore_mem>>)
      %mul3A_1370 = arith.constant 12 : i32
      %mul3A_1371 = arith.muli %scan3A_568, %mul3A_1370 : i32
      %add3A_1372 = arith.constant 2 : i32
      %add3A_1373 = arith.addi %mul3A_1371, %add3A_1372 : i32
      %mul3A_1374 = arith.constant 1 : i32
      %mul3A_1375 = arith.muli %add3A_1373, %mul3A_1374 : i32
      %dma_wait3A_1376 = arith.constant 0 : i32
      %dma_wait3A_1377 = arith.constant 0 : i32
      %dma_wait3A_1378 = tpu.memref_slice %arg9[%dma_wait3A_1376, %dma_wait3A_1377] : memref<64x128xf32, #tpu.memory_space<vmem>> -> memref<64x128xf32, #tpu.memory_space<vmem>>
      %dma_wait3A_1379 = tpu.memref_slice %arg6[%select_n3A_725, %mul3A_743] : memref<200x128xi32, #tpu.memory_space<vmem>> -> memref<1x64xi32, #tpu.memory_space<vmem>>
      %dma_wait3A_1380 = tpu.memref_squeeze %dma_wait3A_1379 : memref<1x64xi32, #tpu.memory_space<vmem>> -> memref<64xi32, #tpu.memory_space<vmem>>
      %dma_wait3A_1381 = arith.constant 0 : i32
      %dma_wait3A_1382 = arith.constant 0 : i32
      %dma_wait3A_1383 = tpu.memref_slice %arg5[%dma_wait3A_1381, %dma_wait3A_1382] : memref<259x128xf32, #tpu.memory_space<vmem_shared>> -> memref<259x128xf32, #tpu.memory_space<vmem_shared>>
      tpu.wait_indirect_dma semaphore(%arg21 : memref<!tpu.dma_semaphore, #tpu.memory_space<semaphore_mem>>) src(%dma_wait3A_1383 : memref<259x128xf32, #tpu.memory_space<vmem_shared>>) dst(%dma_wait3A_1378 : memref<64x128xf32, #tpu.memory_space<vmem>>)
      %mul3A_1384 = arith.constant 64 : i32
      %mul3A_1385 = arith.muli %mul3A_1375, %mul3A_1384 : i32
      %add3A_1386 = arith.addi %mul3A_2, %mul3A_1385 : i32
      %dma_start3A_1387 = arith.constant 0 : i32
      %dma_start3A_1388 = tpu.memref_slice %arg4[%add3A_1386, %dma_start3A_1387] : memref<819200x128xf32, #tpu.memory_space<hbm>> -> memref<64x128xf32, #tpu.memory_space<hbm>>
      %dma_start3A_1389 = arith.constant 0 : i32
      %dma_start3A_1390 = tpu.memref_slice %arg4[%add3A_1386, %dma_start3A_1389] : memref<819200x128xf32, #tpu.memory_space<hbm>> -> memref<64x128xf32, #tpu.memory_space<hbm>>
      tpu.enqueue_dma source(%arg9 : memref<64x128xf32, #tpu.memory_space<vmem>>) target(%dma_start3A_1390 : memref<64x128xf32, #tpu.memory_space<hbm>>) target_semaphore(%arg33 : memref<!tpu.dma_semaphore, #tpu.memory_space<semaphore_mem>>)
      %mul3A_1391 = arith.constant 12 : i32
      %mul3A_1392 = arith.muli %scan3A_568, %mul3A_1391 : i32
      %add3A_1393 = arith.constant 3 : i32
      %add3A_1394 = arith.addi %mul3A_1392, %add3A_1393 : i32
      %mul3A_1395 = arith.constant 1 : i32
      %mul3A_1396 = arith.muli %add3A_1394, %mul3A_1395 : i32
      %dma_wait3A_1397 = arith.constant 0 : i32
      %dma_wait3A_1398 = arith.constant 0 : i32
      %dma_wait3A_1399 = tpu.memref_slice %arg10[%dma_wait3A_1397, %dma_wait3A_1398] : memref<64x128xf32, #tpu.memory_space<vmem>> -> memref<64x128xf32, #tpu.memory_space<vmem>>
      %dma_wait3A_1400 = tpu.memref_slice %arg6[%select_n3A_789, %mul3A_807] : memref<200x128xi32, #tpu.memory_space<vmem>> -> memref<1x64xi32, #tpu.memory_space<vmem>>
      %dma_wait3A_1401 = tpu.memref_squeeze %dma_wait3A_1400 : memref<1x64xi32, #tpu.memory_space<vmem>> -> memref<64xi32, #tpu.memory_space<vmem>>
      %dma_wait3A_1402 = arith.constant 0 : i32
      %dma_wait3A_1403 = arith.constant 0 : i32
      %dma_wait3A_1404 = tpu.memref_slice %arg5[%dma_wait3A_1402, %dma_wait3A_1403] : memref<259x128xf32, #tpu.memory_space<vmem_shared>> -> memref<259x128xf32, #tpu.memory_space<vmem_shared>>
      tpu.wait_indirect_dma semaphore(%arg22 : memref<!tpu.dma_semaphore, #tpu.memory_space<semaphore_mem>>) src(%dma_wait3A_1404 : memref<259x128xf32, #tpu.memory_space<vmem_shared>>) dst(%dma_wait3A_1399 : memref<64x128xf32, #tpu.memory_space<vmem>>)
      %mul3A_1405 = arith.constant 64 : i32
      %mul3A_1406 = arith.muli %mul3A_1396, %mul3A_1405 : i32
      %add3A_1407 = arith.addi %mul3A_2, %mul3A_1406 : i32
      %dma_start3A_1408 = arith.constant 0 : i32
      %dma_start3A_1409 = tpu.memref_slice %arg4[%add3A_1407, %dma_start3A_1408] : memref<819200x128xf32, #tpu.memory_space<hbm>> -> memref<64x128xf32, #tpu.memory_space<hbm>>
      %dma_start3A_1410 = arith.constant 0 : i32
      %dma_start3A_1411 = tpu.memref_slice %arg4[%add3A_1407, %dma_start3A_1410] : memref<819200x128xf32, #tpu.memory_space<hbm>> -> memref<64x128xf32, #tpu.memory_space<hbm>>
      tpu.enqueue_dma source(%arg10 : memref<64x128xf32, #tpu.memory_space<vmem>>) target(%dma_start3A_1411 : memref<64x128xf32, #tpu.memory_space<hbm>>) target_semaphore(%arg34 : memref<!tpu.dma_semaphore, #tpu.memory_space<semaphore_mem>>)
      %mul3A_1412 = arith.constant 12 : i32
      %mul3A_1413 = arith.muli %scan3A_568, %mul3A_1412 : i32
      %add3A_1414 = arith.constant 4 : i32
      %add3A_1415 = arith.addi %mul3A_1413, %add3A_1414 : i32
      %mul3A_1416 = arith.constant 1 : i32
      %mul3A_1417 = arith.muli %add3A_1415, %mul3A_1416 : i32
      %dma_wait3A_1418 = arith.constant 0 : i32
      %dma_wait3A_1419 = arith.constant 0 : i32
      %dma_wait3A_1420 = tpu.memref_slice %arg11[%dma_wait3A_1418, %dma_wait3A_1419] : memref<64x128xf32, #tpu.memory_space<vmem>> -> memref<64x128xf32, #tpu.memory_space<vmem>>
      %dma_wait3A_1421 = tpu.memref_slice %arg6[%select_n3A_853, %mul3A_871] : memref<200x128xi32, #tpu.memory_space<vmem>> -> memref<1x64xi32, #tpu.memory_space<vmem>>
      %dma_wait3A_1422 = tpu.memref_squeeze %dma_wait3A_1421 : memref<1x64xi32, #tpu.memory_space<vmem>> -> memref<64xi32, #tpu.memory_space<vmem>>
      %dma_wait3A_1423 = arith.constant 0 : i32
      %dma_wait3A_1424 = arith.constant 0 : i32
      %dma_wait3A_1425 = tpu.memref_slice %arg5[%dma_wait3A_1423, %dma_wait3A_1424] : memref<259x128xf32, #tpu.memory_space<vmem_shared>> -> memref<259x128xf32, #tpu.memory_space<vmem_shared>>
      tpu.wait_indirect_dma semaphore(%arg23 : memref<!tpu.dma_semaphore, #tpu.memory_space<semaphore_mem>>) src(%dma_wait3A_1425 : memref<259x128xf32, #tpu.memory_space<vmem_shared>>) dst(%dma_wait3A_1420 : memref<64x128xf32, #tpu.memory_space<vmem>>)
      %mul3A_1426 = arith.constant 64 : i32
      %mul3A_1427 = arith.muli %mul3A_1417, %mul3A_1426 : i32
      %add3A_1428 = arith.addi %mul3A_2, %mul3A_1427 : i32
      %dma_start3A_1429 = arith.constant 0 : i32
      %dma_start3A_1430 = tpu.memref_slice %arg4[%add3A_1428, %dma_start3A_1429] : memref<819200x128xf32, #tpu.memory_space<hbm>> -> memref<64x128xf32, #tpu.memory_space<hbm>>
      %dma_start3A_1431 = arith.constant 0 : i32
      %dma_start3A_1432 = tpu.memref_slice %arg4[%add3A_1428, %dma_start3A_1431] : memref<819200x128xf32, #tpu.memory_space<hbm>> -> memref<64x128xf32, #tpu.memory_space<hbm>>
      tpu.enqueue_dma source(%arg11 : memref<64x128xf32, #tpu.memory_space<vmem>>) target(%dma_start3A_1432 : memref<64x128xf32, #tpu.memory_space<hbm>>) target_semaphore(%arg35 : memref<!tpu.dma_semaphore, #tpu.memory_space<semaphore_mem>>)
      %mul3A_1433 = arith.constant 12 : i32
      %mul3A_1434 = arith.muli %scan3A_568, %mul3A_1433 : i32
      %add3A_1435 = arith.constant 5 : i32
      %add3A_1436 = arith.addi %mul3A_1434, %add3A_1435 : i32
      %mul3A_1437 = arith.constant 1 : i32
      %mul3A_1438 = arith.muli %add3A_1436, %mul3A_1437 : i32
      %dma_wait3A_1439 = arith.constant 0 : i32
      %dma_wait3A_1440 = arith.constant 0 : i32
      %dma_wait3A_1441 = tpu.memref_slice %arg12[%dma_wait3A_1439, %dma_wait3A_1440] : memref<64x128xf32, #tpu.memory_space<vmem>> -> memref<64x128xf32, #tpu.memory_space<vmem>>
      %dma_wait3A_1442 = tpu.memref_slice %arg6[%select_n3A_917, %mul3A_935] : memref<200x128xi32, #tpu.memory_space<vmem>> -> memref<1x64xi32, #tpu.memory_space<vmem>>
      %dma_wait3A_1443 = tpu.memref_squeeze %dma_wait3A_1442 : memref<1x64xi32, #tpu.memory_space<vmem>> -> memref<64xi32, #tpu.memory_space<vmem>>
      %dma_wait3A_1444 = arith.constant 0 : i32
      %dma_wait3A_1445 = arith.constant 0 : i32
      %dma_wait3A_1446 = tpu.memref_slice %arg5[%dma_wait3A_1444, %dma_wait3A_1445] : memref<259x128xf32, #tpu.memory_space<vmem_shared>> -> memref<259x128xf32, #tpu.memory_space<vmem_shared>>
      tpu.wait_indirect_dma semaphore(%arg24 : memref<!tpu.dma_semaphore, #tpu.memory_space<semaphore_mem>>) src(%dma_wait3A_1446 : memref<259x128xf32, #tpu.memory_space<vmem_shared>>) dst(%dma_wait3A_1441 : memref<64x128xf32, #tpu.memory_space<vmem>>)
      %mul3A_1447 = arith.constant 64 : i32
      %mul3A_1448 = arith.muli %mul3A_1438, %mul3A_1447 : i32
      %add3A_1449 = arith.addi %mul3A_2, %mul3A_1448 : i32
      %dma_start3A_1450 = arith.constant 0 : i32
      %dma_start3A_1451 = tpu.memref_slice %arg4[%add3A_1449, %dma_start3A_1450] : memref<819200x128xf32, #tpu.memory_space<hbm>> -> memref<64x128xf32, #tpu.memory_space<hbm>>
      %dma_start3A_1452 = arith.constant 0 : i32
      %dma_start3A_1453 = tpu.memref_slice %arg4[%add3A_1449, %dma_start3A_1452] : memref<819200x128xf32, #tpu.memory_space<hbm>> -> memref<64x128xf32, #tpu.memory_space<hbm>>
      tpu.enqueue_dma source(%arg12 : memref<64x128xf32, #tpu.memory_space<vmem>>) target(%dma_start3A_1453 : memref<64x128xf32, #tpu.memory_space<hbm>>) target_semaphore(%arg36 : memref<!tpu.dma_semaphore, #tpu.memory_space<semaphore_mem>>)
      %mul3A_1454 = arith.constant 12 : i32
      %mul3A_1455 = arith.muli %scan3A_568, %mul3A_1454 : i32
      %add3A_1456 = arith.constant 6 : i32
      %add3A_1457 = arith.addi %mul3A_1455, %add3A_1456 : i32
      %mul3A_1458 = arith.constant 1 : i32
      %mul3A_1459 = arith.muli %add3A_1457, %mul3A_1458 : i32
      %dma_wait3A_1460 = arith.constant 0 : i32
      %dma_wait3A_1461 = arith.constant 0 : i32
      %dma_wait3A_1462 = tpu.memref_slice %arg13[%dma_wait3A_1460, %dma_wait3A_1461] : memref<64x128xf32, #tpu.memory_space<vmem>> -> memref<64x128xf32, #tpu.memory_space<vmem>>
      %dma_wait3A_1463 = tpu.memref_slice %arg6[%select_n3A_981, %mul3A_999] : memref<200x128xi32, #tpu.memory_space<vmem>> -> memref<1x64xi32, #tpu.memory_space<vmem>>
      %dma_wait3A_1464 = tpu.memref_squeeze %dma_wait3A_1463 : memref<1x64xi32, #tpu.memory_space<vmem>> -> memref<64xi32, #tpu.memory_space<vmem>>
      %dma_wait3A_1465 = arith.constant 0 : i32
      %dma_wait3A_1466 = arith.constant 0 : i32
      %dma_wait3A_1467 = tpu.memref_slice %arg5[%dma_wait3A_1465, %dma_wait3A_1466] : memref<259x128xf32, #tpu.memory_space<vmem_shared>> -> memref<259x128xf32, #tpu.memory_space<vmem_shared>>
      tpu.wait_indirect_dma semaphore(%arg25 : memref<!tpu.dma_semaphore, #tpu.memory_space<semaphore_mem>>) src(%dma_wait3A_1467 : memref<259x128xf32, #tpu.memory_space<vmem_shared>>) dst(%dma_wait3A_1462 : memref<64x128xf32, #tpu.memory_space<vmem>>)
      %mul3A_1468 = arith.constant 64 : i32
      %mul3A_1469 = arith.muli %mul3A_1459, %mul3A_1468 : i32
      %add3A_1470 = arith.addi %mul3A_2, %mul3A_1469 : i32
      %dma_start3A_1471 = arith.constant 0 : i32
      %dma_start3A_1472 = tpu.memref_slice %arg4[%add3A_1470, %dma_start3A_1471] : memref<819200x128xf32, #tpu.memory_space<hbm>> -> memref<64x128xf32, #tpu.memory_space<hbm>>
      %dma_start3A_1473 = arith.constant 0 : i32
      %dma_start3A_1474 = tpu.memref_slice %arg4[%add3A_1470, %dma_start3A_1473] : memref<819200x128xf32, #tpu.memory_space<hbm>> -> memref<64x128xf32, #tpu.memory_space<hbm>>
      tpu.enqueue_dma source(%arg13 : memref<64x128xf32, #tpu.memory_space<vmem>>) target(%dma_start3A_1474 : memref<64x128xf32, #tpu.memory_space<hbm>>) target_semaphore(%arg37 : memref<!tpu.dma_semaphore, #tpu.memory_space<semaphore_mem>>)
      %mul3A_1475 = arith.constant 12 : i32
      %mul3A_1476 = arith.muli %scan3A_568, %mul3A_1475 : i32
      %add3A_1477 = arith.constant 7 : i32
      %add3A_1478 = arith.addi %mul3A_1476, %add3A_1477 : i32
      %mul3A_1479 = arith.constant 1 : i32
      %mul3A_1480 = arith.muli %add3A_1478, %mul3A_1479 : i32
      %dma_wait3A_1481 = arith.constant 0 : i32
      %dma_wait3A_1482 = arith.constant 0 : i32
      %dma_wait3A_1483 = tpu.memref_slice %arg14[%dma_wait3A_1481, %dma_wait3A_1482] : memref<64x128xf32, #tpu.memory_space<vmem>> -> memref<64x128xf32, #tpu.memory_space<vmem>>
      %dma_wait3A_1484 = tpu.memref_slice %arg6[%select_n3A_1045, %mul3A_1063] : memref<200x128xi32, #tpu.memory_space<vmem>> -> memref<1x64xi32, #tpu.memory_space<vmem>>
      %dma_wait3A_1485 = tpu.memref_squeeze %dma_wait3A_1484 : memref<1x64xi32, #tpu.memory_space<vmem>> -> memref<64xi32, #tpu.memory_space<vmem>>
      %dma_wait3A_1486 = arith.constant 0 : i32
      %dma_wait3A_1487 = arith.constant 0 : i32
      %dma_wait3A_1488 = tpu.memref_slice %arg5[%dma_wait3A_1486, %dma_wait3A_1487] : memref<259x128xf32, #tpu.memory_space<vmem_shared>> -> memref<259x128xf32, #tpu.memory_space<vmem_shared>>
      tpu.wait_indirect_dma semaphore(%arg26 : memref<!tpu.dma_semaphore, #tpu.memory_space<semaphore_mem>>) src(%dma_wait3A_1488 : memref<259x128xf32, #tpu.memory_space<vmem_shared>>) dst(%dma_wait3A_1483 : memref<64x128xf32, #tpu.memory_space<vmem>>)
      %mul3A_1489 = arith.constant 64 : i32
      %mul3A_1490 = arith.muli %mul3A_1480, %mul3A_1489 : i32
      %add3A_1491 = arith.addi %mul3A_2, %mul3A_1490 : i32
      %dma_start3A_1492 = arith.constant 0 : i32
      %dma_start3A_1493 = tpu.memref_slice %arg4[%add3A_1491, %dma_start3A_1492] : memref<819200x128xf32, #tpu.memory_space<hbm>> -> memref<64x128xf32, #tpu.memory_space<hbm>>
      %dma_start3A_1494 = arith.constant 0 : i32
      %dma_start3A_1495 = tpu.memref_slice %arg4[%add3A_1491, %dma_start3A_1494] : memref<819200x128xf32, #tpu.memory_space<hbm>> -> memref<64x128xf32, #tpu.memory_space<hbm>>
      tpu.enqueue_dma source(%arg14 : memref<64x128xf32, #tpu.memory_space<vmem>>) target(%dma_start3A_1495 : memref<64x128xf32, #tpu.memory_space<hbm>>) target_semaphore(%arg38 : memref<!tpu.dma_semaphore, #tpu.memory_space<semaphore_mem>>)
      %mul3A_1496 = arith.constant 12 : i32
      %mul3A_1497 = arith.muli %scan3A_568, %mul3A_1496 : i32
      %add3A_1498 = arith.constant 8 : i32
      %add3A_1499 = arith.addi %mul3A_1497, %add3A_1498 : i32
      %mul3A_1500 = arith.constant 1 : i32
      %mul3A_1501 = arith.muli %add3A_1499, %mul3A_1500 : i32
      %dma_wait3A_1502 = arith.constant 0 : i32
      %dma_wait3A_1503 = arith.constant 0 : i32
      %dma_wait3A_1504 = tpu.memref_slice %arg15[%dma_wait3A_1502, %dma_wait3A_1503] : memref<64x128xf32, #tpu.memory_space<vmem>> -> memref<64x128xf32, #tpu.memory_space<vmem>>
      %dma_wait3A_1505 = tpu.memref_slice %arg6[%select_n3A_1109, %mul3A_1127] : memref<200x128xi32, #tpu.memory_space<vmem>> -> memref<1x64xi32, #tpu.memory_space<vmem>>
      %dma_wait3A_1506 = tpu.memref_squeeze %dma_wait3A_1505 : memref<1x64xi32, #tpu.memory_space<vmem>> -> memref<64xi32, #tpu.memory_space<vmem>>
      %dma_wait3A_1507 = arith.constant 0 : i32
      %dma_wait3A_1508 = arith.constant 0 : i32
      %dma_wait3A_1509 = tpu.memref_slice %arg5[%dma_wait3A_1507, %dma_wait3A_1508] : memref<259x128xf32, #tpu.memory_space<vmem_shared>> -> memref<259x128xf32, #tpu.memory_space<vmem_shared>>
      tpu.wait_indirect_dma semaphore(%arg27 : memref<!tpu.dma_semaphore, #tpu.memory_space<semaphore_mem>>) src(%dma_wait3A_1509 : memref<259x128xf32, #tpu.memory_space<vmem_shared>>) dst(%dma_wait3A_1504 : memref<64x128xf32, #tpu.memory_space<vmem>>)
      %mul3A_1510 = arith.constant 64 : i32
      %mul3A_1511 = arith.muli %mul3A_1501, %mul3A_1510 : i32
      %add3A_1512 = arith.addi %mul3A_2, %mul3A_1511 : i32
      %dma_start3A_1513 = arith.constant 0 : i32
      %dma_start3A_1514 = tpu.memref_slice %arg4[%add3A_1512, %dma_start3A_1513] : memref<819200x128xf32, #tpu.memory_space<hbm>> -> memref<64x128xf32, #tpu.memory_space<hbm>>
      %dma_start3A_1515 = arith.constant 0 : i32
      %dma_start3A_1516 = tpu.memref_slice %arg4[%add3A_1512, %dma_start3A_1515] : memref<819200x128xf32, #tpu.memory_space<hbm>> -> memref<64x128xf32, #tpu.memory_space<hbm>>
      tpu.enqueue_dma source(%arg15 : memref<64x128xf32, #tpu.memory_space<vmem>>) target(%dma_start3A_1516 : memref<64x128xf32, #tpu.memory_space<hbm>>) target_semaphore(%arg39 : memref<!tpu.dma_semaphore, #tpu.memory_space<semaphore_mem>>)
      %mul3A_1517 = arith.constant 12 : i32
      %mul3A_1518 = arith.muli %scan3A_568, %mul3A_1517 : i32
      %add3A_1519 = arith.constant 9 : i32
      %add3A_1520 = arith.addi %mul3A_1518, %add3A_1519 : i32
      %mul3A_1521 = arith.constant 1 : i32
      %mul3A_1522 = arith.muli %add3A_1520, %mul3A_1521 : i32
      %dma_wait3A_1523 = arith.constant 0 : i32
      %dma_wait3A_1524 = arith.constant 0 : i32
      %dma_wait3A_1525 = tpu.memref_slice %arg16[%dma_wait3A_1523, %dma_wait3A_1524] : memref<64x128xf32, #tpu.memory_space<vmem>> -> memref<64x128xf32, #tpu.memory_space<vmem>>
      %dma_wait3A_1526 = tpu.memref_slice %arg6[%select_n3A_1173, %mul3A_1191] : memref<200x128xi32, #tpu.memory_space<vmem>> -> memref<1x64xi32, #tpu.memory_space<vmem>>
      %dma_wait3A_1527 = tpu.memref_squeeze %dma_wait3A_1526 : memref<1x64xi32, #tpu.memory_space<vmem>> -> memref<64xi32, #tpu.memory_space<vmem>>
      %dma_wait3A_1528 = arith.constant 0 : i32
      %dma_wait3A_1529 = arith.constant 0 : i32
      %dma_wait3A_1530 = tpu.memref_slice %arg5[%dma_wait3A_1528, %dma_wait3A_1529] : memref<259x128xf32, #tpu.memory_space<vmem_shared>> -> memref<259x128xf32, #tpu.memory_space<vmem_shared>>
      tpu.wait_indirect_dma semaphore(%arg28 : memref<!tpu.dma_semaphore, #tpu.memory_space<semaphore_mem>>) src(%dma_wait3A_1530 : memref<259x128xf32, #tpu.memory_space<vmem_shared>>) dst(%dma_wait3A_1525 : memref<64x128xf32, #tpu.memory_space<vmem>>)
      %mul3A_1531 = arith.constant 64 : i32
      %mul3A_1532 = arith.muli %mul3A_1522, %mul3A_1531 : i32
      %add3A_1533 = arith.addi %mul3A_2, %mul3A_1532 : i32
      %dma_start3A_1534 = arith.constant 0 : i32
      %dma_start3A_1535 = tpu.memref_slice %arg4[%add3A_1533, %dma_start3A_1534] : memref<819200x128xf32, #tpu.memory_space<hbm>> -> memref<64x128xf32, #tpu.memory_space<hbm>>
      %dma_start3A_1536 = arith.constant 0 : i32
      %dma_start3A_1537 = tpu.memref_slice %arg4[%add3A_1533, %dma_start3A_1536] : memref<819200x128xf32, #tpu.memory_space<hbm>> -> memref<64x128xf32, #tpu.memory_space<hbm>>
      tpu.enqueue_dma source(%arg16 : memref<64x128xf32, #tpu.memory_space<vmem>>) target(%dma_start3A_1537 : memref<64x128xf32, #tpu.memory_space<hbm>>) target_semaphore(%arg40 : memref<!tpu.dma_semaphore, #tpu.memory_space<semaphore_mem>>)
      %mul3A_1538 = arith.constant 12 : i32
      %mul3A_1539 = arith.muli %scan3A_568, %mul3A_1538 : i32
      %add3A_1540 = arith.constant 10 : i32
      %add3A_1541 = arith.addi %mul3A_1539, %add3A_1540 : i32
      %mul3A_1542 = arith.constant 1 : i32
      %mul3A_1543 = arith.muli %add3A_1541, %mul3A_1542 : i32
      %dma_wait3A_1544 = arith.constant 0 : i32
      %dma_wait3A_1545 = arith.constant 0 : i32
      %dma_wait3A_1546 = tpu.memref_slice %arg17[%dma_wait3A_1544, %dma_wait3A_1545] : memref<64x128xf32, #tpu.memory_space<vmem>> -> memref<64x128xf32, #tpu.memory_space<vmem>>
      %dma_wait3A_1547 = tpu.memref_slice %arg6[%select_n3A_1237, %mul3A_1255] : memref<200x128xi32, #tpu.memory_space<vmem>> -> memref<1x64xi32, #tpu.memory_space<vmem>>
      %dma_wait3A_1548 = tpu.memref_squeeze %dma_wait3A_1547 : memref<1x64xi32, #tpu.memory_space<vmem>> -> memref<64xi32, #tpu.memory_space<vmem>>
      %dma_wait3A_1549 = arith.constant 0 : i32
      %dma_wait3A_1550 = arith.constant 0 : i32
      %dma_wait3A_1551 = tpu.memref_slice %arg5[%dma_wait3A_1549, %dma_wait3A_1550] : memref<259x128xf32, #tpu.memory_space<vmem_shared>> -> memref<259x128xf32, #tpu.memory_space<vmem_shared>>
      tpu.wait_indirect_dma semaphore(%arg29 : memref<!tpu.dma_semaphore, #tpu.memory_space<semaphore_mem>>) src(%dma_wait3A_1551 : memref<259x128xf32, #tpu.memory_space<vmem_shared>>) dst(%dma_wait3A_1546 : memref<64x128xf32, #tpu.memory_space<vmem>>)
      %mul3A_1552 = arith.constant 64 : i32
      %mul3A_1553 = arith.muli %mul3A_1543, %mul3A_1552 : i32
      %add3A_1554 = arith.addi %mul3A_2, %mul3A_1553 : i32
      %dma_start3A_1555 = arith.constant 0 : i32
      %dma_start3A_1556 = tpu.memref_slice %arg4[%add3A_1554, %dma_start3A_1555] : memref<819200x128xf32, #tpu.memory_space<hbm>> -> memref<64x128xf32, #tpu.memory_space<hbm>>
      %dma_start3A_1557 = arith.constant 0 : i32
      %dma_start3A_1558 = tpu.memref_slice %arg4[%add3A_1554, %dma_start3A_1557] : memref<819200x128xf32, #tpu.memory_space<hbm>> -> memref<64x128xf32, #tpu.memory_space<hbm>>
      tpu.enqueue_dma source(%arg17 : memref<64x128xf32, #tpu.memory_space<vmem>>) target(%dma_start3A_1558 : memref<64x128xf32, #tpu.memory_space<hbm>>) target_semaphore(%arg41 : memref<!tpu.dma_semaphore, #tpu.memory_space<semaphore_mem>>)
      %mul3A_1559 = arith.constant 12 : i32
      %mul3A_1560 = arith.muli %scan3A_568, %mul3A_1559 : i32
      %add3A_1561 = arith.constant 11 : i32
      %add3A_1562 = arith.addi %mul3A_1560, %add3A_1561 : i32
      %mul3A_1563 = arith.constant 1 : i32
      %mul3A_1564 = arith.muli %add3A_1562, %mul3A_1563 : i32
      %dma_wait3A_1565 = arith.constant 0 : i32
      %dma_wait3A_1566 = arith.constant 0 : i32
      %dma_wait3A_1567 = tpu.memref_slice %arg18[%dma_wait3A_1565, %dma_wait3A_1566] : memref<64x128xf32, #tpu.memory_space<vmem>> -> memref<64x128xf32, #tpu.memory_space<vmem>>
      %dma_wait3A_1568 = tpu.memref_slice %arg6[%select_n3A_1301, %mul3A_1319] : memref<200x128xi32, #tpu.memory_space<vmem>> -> memref<1x64xi32, #tpu.memory_space<vmem>>
      %dma_wait3A_1569 = tpu.memref_squeeze %dma_wait3A_1568 : memref<1x64xi32, #tpu.memory_space<vmem>> -> memref<64xi32, #tpu.memory_space<vmem>>
      %dma_wait3A_1570 = arith.constant 0 : i32
      %dma_wait3A_1571 = arith.constant 0 : i32
      %dma_wait3A_1572 = tpu.memref_slice %arg5[%dma_wait3A_1570, %dma_wait3A_1571] : memref<259x128xf32, #tpu.memory_space<vmem_shared>> -> memref<259x128xf32, #tpu.memory_space<vmem_shared>>
      tpu.wait_indirect_dma semaphore(%arg30 : memref<!tpu.dma_semaphore, #tpu.memory_space<semaphore_mem>>) src(%dma_wait3A_1572 : memref<259x128xf32, #tpu.memory_space<vmem_shared>>) dst(%dma_wait3A_1567 : memref<64x128xf32, #tpu.memory_space<vmem>>)
      %mul3A_1573 = arith.constant 64 : i32
      %mul3A_1574 = arith.muli %mul3A_1564, %mul3A_1573 : i32
      %add3A_1575 = arith.addi %mul3A_2, %mul3A_1574 : i32
      %dma_start3A_1576 = arith.constant 0 : i32
      %dma_start3A_1577 = tpu.memref_slice %arg4[%add3A_1575, %dma_start3A_1576] : memref<819200x128xf32, #tpu.memory_space<hbm>> -> memref<64x128xf32, #tpu.memory_space<hbm>>
      %dma_start3A_1578 = arith.constant 0 : i32
      %dma_start3A_1579 = tpu.memref_slice %arg4[%add3A_1575, %dma_start3A_1578] : memref<819200x128xf32, #tpu.memory_space<hbm>> -> memref<64x128xf32, #tpu.memory_space<hbm>>
      tpu.enqueue_dma source(%arg18 : memref<64x128xf32, #tpu.memory_space<vmem>>) target(%dma_start3A_1579 : memref<64x128xf32, #tpu.memory_space<hbm>>) target_semaphore(%arg42 : memref<!tpu.dma_semaphore, #tpu.memory_space<semaphore_mem>>)
    }
    %scan3A_319 = arith.constant 32 : i32
    %dma_wait3A_320 = arith.constant 0 : i32
    %dma_wait3A_321 = arith.constant 0 : i32
    %dma_wait3A_322 = tpu.memref_slice %arg4[%dma_wait3A_320, %dma_wait3A_321] : memref<819200x128xf32, #tpu.memory_space<hbm>> -> memref<64x128xf32, #tpu.memory_space<hbm>>
    %dma_wait3A_323 = arith.constant 0 : i32
    %dma_wait3A_324 = arith.constant 0 : i32
    %dma_wait3A_325 = tpu.memref_slice %arg4[%dma_wait3A_323, %dma_wait3A_324] : memref<819200x128xf32, #tpu.memory_space<hbm>> -> memref<64x128xf32, #tpu.memory_space<hbm>>
    tpu.wait_dma2 semaphore(%arg31 : memref<!tpu.dma_semaphore, #tpu.memory_space<semaphore_mem>>) src(%arg7 : memref<64x128xf32, #tpu.memory_space<vmem>>) dst(%dma_wait3A_325 : memref<64x128xf32, #tpu.memory_space<hbm>>)
    %dma_start3A_326 = arith.constant 198 : i32
    %dma_start3A_327 = arith.constant 0 : i32
    %dma_start3A_328 = arith.constant 0 : i32
    %dma_start3A_329 = tpu.memref_slice %arg7[%dma_start3A_327, %dma_start3A_328] : memref<64x128xf32, #tpu.memory_space<vmem>> -> memref<64x128xf32, #tpu.memory_space<vmem>>
    %dma_start3A_330 = arith.constant 0 : i32
    %dma_start3A_331 = tpu.memref_slice %arg6[%dma_start3A_326, %dma_start3A_330] : memref<200x128xi32, #tpu.memory_space<vmem>> -> memref<1x64xi32, #tpu.memory_space<vmem>>
    %dma_start3A_332 = tpu.memref_squeeze %dma_start3A_331 : memref<1x64xi32, #tpu.memory_space<vmem>> -> memref<64xi32, #tpu.memory_space<vmem>>
    %dma_start3A_333 = arith.constant 0 : i32
    %dma_start3A_334 = arith.constant 0 : i32
    %dma_start3A_335 = tpu.memref_slice %arg5[%dma_start3A_333, %dma_start3A_334] : memref<259x128xf32, #tpu.memory_space<vmem_shared>> -> memref<259x128xf32, #tpu.memory_space<vmem_shared>>
    tpu.enqueue_indirect_dma source(%dma_start3A_335 : memref<259x128xf32, #tpu.memory_space<vmem_shared>>) target(%dma_start3A_329 : memref<64x128xf32, #tpu.memory_space<vmem>>) offsets(%dma_start3A_332 : memref<64xi32, #tpu.memory_space<vmem>>) semaphore(%arg19 : memref<!tpu.dma_semaphore, #tpu.memory_space<semaphore_mem>>)
    %dma_wait3A_336 = arith.constant 0 : i32
    %dma_wait3A_337 = arith.constant 0 : i32
    %dma_wait3A_338 = tpu.memref_slice %arg4[%dma_wait3A_336, %dma_wait3A_337] : memref<819200x128xf32, #tpu.memory_space<hbm>> -> memref<64x128xf32, #tpu.memory_space<hbm>>
    %dma_wait3A_339 = arith.constant 0 : i32
    %dma_wait3A_340 = arith.constant 0 : i32
    %dma_wait3A_341 = tpu.memref_slice %arg4[%dma_wait3A_339, %dma_wait3A_340] : memref<819200x128xf32, #tpu.memory_space<hbm>> -> memref<64x128xf32, #tpu.memory_space<hbm>>
    tpu.wait_dma2 semaphore(%arg32 : memref<!tpu.dma_semaphore, #tpu.memory_space<semaphore_mem>>) src(%arg8 : memref<64x128xf32, #tpu.memory_space<vmem>>) dst(%dma_wait3A_341 : memref<64x128xf32, #tpu.memory_space<hbm>>)
    %dma_start3A_342 = arith.constant 198 : i32
    %dma_start3A_343 = arith.constant 0 : i32
    %dma_start3A_344 = arith.constant 0 : i32
    %dma_start3A_345 = tpu.memref_slice %arg8[%dma_start3A_343, %dma_start3A_344] : memref<64x128xf32, #tpu.memory_space<vmem>> -> memref<64x128xf32, #tpu.memory_space<vmem>>
    %dma_start3A_346 = arith.constant 64 : i32
    %dma_start3A_347 = tpu.memref_slice %arg6[%dma_start3A_342, %dma_start3A_346] : memref<200x128xi32, #tpu.memory_space<vmem>> -> memref<1x64xi32, #tpu.memory_space<vmem>>
    %dma_start3A_348 = tpu.memref_squeeze %dma_start3A_347 : memref<1x64xi32, #tpu.memory_space<vmem>> -> memref<64xi32, #tpu.memory_space<vmem>>
    %dma_start3A_349 = arith.constant 0 : i32
    %dma_start3A_350 = arith.constant 0 : i32
    %dma_start3A_351 = tpu.memref_slice %arg5[%dma_start3A_349, %dma_start3A_350] : memref<259x128xf32, #tpu.memory_space<vmem_shared>> -> memref<259x128xf32, #tpu.memory_space<vmem_shared>>
    tpu.enqueue_indirect_dma source(%dma_start3A_351 : memref<259x128xf32, #tpu.memory_space<vmem_shared>>) target(%dma_start3A_345 : memref<64x128xf32, #tpu.memory_space<vmem>>) offsets(%dma_start3A_348 : memref<64xi32, #tpu.memory_space<vmem>>) semaphore(%arg20 : memref<!tpu.dma_semaphore, #tpu.memory_space<semaphore_mem>>)
    %dma_wait3A_352 = arith.constant 0 : i32
    %dma_wait3A_353 = arith.constant 0 : i32
    %dma_wait3A_354 = tpu.memref_slice %arg4[%dma_wait3A_352, %dma_wait3A_353] : memref<819200x128xf32, #tpu.memory_space<hbm>> -> memref<64x128xf32, #tpu.memory_space<hbm>>
    %dma_wait3A_355 = arith.constant 0 : i32
    %dma_wait3A_356 = arith.constant 0 : i32
    %dma_wait3A_357 = tpu.memref_slice %arg4[%dma_wait3A_355, %dma_wait3A_356] : memref<819200x128xf32, #tpu.memory_space<hbm>> -> memref<64x128xf32, #tpu.memory_space<hbm>>
    tpu.wait_dma2 semaphore(%arg33 : memref<!tpu.dma_semaphore, #tpu.memory_space<semaphore_mem>>) src(%arg9 : memref<64x128xf32, #tpu.memory_space<vmem>>) dst(%dma_wait3A_357 : memref<64x128xf32, #tpu.memory_space<hbm>>)
    %dma_start3A_358 = arith.constant 199 : i32
    %dma_start3A_359 = arith.constant 0 : i32
    %dma_start3A_360 = arith.constant 0 : i32
    %dma_start3A_361 = tpu.memref_slice %arg9[%dma_start3A_359, %dma_start3A_360] : memref<64x128xf32, #tpu.memory_space<vmem>> -> memref<64x128xf32, #tpu.memory_space<vmem>>
    %dma_start3A_362 = arith.constant 0 : i32
    %dma_start3A_363 = tpu.memref_slice %arg6[%dma_start3A_358, %dma_start3A_362] : memref<200x128xi32, #tpu.memory_space<vmem>> -> memref<1x64xi32, #tpu.memory_space<vmem>>
    %dma_start3A_364 = tpu.memref_squeeze %dma_start3A_363 : memref<1x64xi32, #tpu.memory_space<vmem>> -> memref<64xi32, #tpu.memory_space<vmem>>
    %dma_start3A_365 = arith.constant 0 : i32
    %dma_start3A_366 = arith.constant 0 : i32
    %dma_start3A_367 = tpu.memref_slice %arg5[%dma_start3A_365, %dma_start3A_366] : memref<259x128xf32, #tpu.memory_space<vmem_shared>> -> memref<259x128xf32, #tpu.memory_space<vmem_shared>>
    tpu.enqueue_indirect_dma source(%dma_start3A_367 : memref<259x128xf32, #tpu.memory_space<vmem_shared>>) target(%dma_start3A_361 : memref<64x128xf32, #tpu.memory_space<vmem>>) offsets(%dma_start3A_364 : memref<64xi32, #tpu.memory_space<vmem>>) semaphore(%arg21 : memref<!tpu.dma_semaphore, #tpu.memory_space<semaphore_mem>>)
    %dma_wait3A_368 = arith.constant 0 : i32
    %dma_wait3A_369 = arith.constant 0 : i32
    %dma_wait3A_370 = tpu.memref_slice %arg4[%dma_wait3A_368, %dma_wait3A_369] : memref<819200x128xf32, #tpu.memory_space<hbm>> -> memref<64x128xf32, #tpu.memory_space<hbm>>
    %dma_wait3A_371 = arith.constant 0 : i32
    %dma_wait3A_372 = arith.constant 0 : i32
    %dma_wait3A_373 = tpu.memref_slice %arg4[%dma_wait3A_371, %dma_wait3A_372] : memref<819200x128xf32, #tpu.memory_space<hbm>> -> memref<64x128xf32, #tpu.memory_space<hbm>>
    tpu.wait_dma2 semaphore(%arg34 : memref<!tpu.dma_semaphore, #tpu.memory_space<semaphore_mem>>) src(%arg10 : memref<64x128xf32, #tpu.memory_space<vmem>>) dst(%dma_wait3A_373 : memref<64x128xf32, #tpu.memory_space<hbm>>)
    %dma_start3A_374 = arith.constant 199 : i32
    %dma_start3A_375 = arith.constant 0 : i32
    %dma_start3A_376 = arith.constant 0 : i32
    %dma_start3A_377 = tpu.memref_slice %arg10[%dma_start3A_375, %dma_start3A_376] : memref<64x128xf32, #tpu.memory_space<vmem>> -> memref<64x128xf32, #tpu.memory_space<vmem>>
    %dma_start3A_378 = arith.constant 64 : i32
    %dma_start3A_379 = tpu.memref_slice %arg6[%dma_start3A_374, %dma_start3A_378] : memref<200x128xi32, #tpu.memory_space<vmem>> -> memref<1x64xi32, #tpu.memory_space<vmem>>
    %dma_start3A_380 = tpu.memref_squeeze %dma_start3A_379 : memref<1x64xi32, #tpu.memory_space<vmem>> -> memref<64xi32, #tpu.memory_space<vmem>>
    %dma_start3A_381 = arith.constant 0 : i32
    %dma_start3A_382 = arith.constant 0 : i32
    %dma_start3A_383 = tpu.memref_slice %arg5[%dma_start3A_381, %dma_start3A_382] : memref<259x128xf32, #tpu.memory_space<vmem_shared>> -> memref<259x128xf32, #tpu.memory_space<vmem_shared>>
    tpu.enqueue_indirect_dma source(%dma_start3A_383 : memref<259x128xf32, #tpu.memory_space<vmem_shared>>) target(%dma_start3A_377 : memref<64x128xf32, #tpu.memory_space<vmem>>) offsets(%dma_start3A_380 : memref<64xi32, #tpu.memory_space<vmem>>) semaphore(%arg22 : memref<!tpu.dma_semaphore, #tpu.memory_space<semaphore_mem>>)
    %dma_wait3A_384 = arith.constant 198 : i32
    %dma_wait3A_385 = arith.constant 0 : i32
    %dma_wait3A_386 = arith.constant 0 : i32
    %dma_wait3A_387 = tpu.memref_slice %arg7[%dma_wait3A_385, %dma_wait3A_386] : memref<64x128xf32, #tpu.memory_space<vmem>> -> memref<64x128xf32, #tpu.memory_space<vmem>>
    %dma_wait3A_388 = arith.constant 0 : i32
    %dma_wait3A_389 = tpu.memref_slice %arg6[%dma_wait3A_384, %dma_wait3A_388] : memref<200x128xi32, #tpu.memory_space<vmem>> -> memref<1x64xi32, #tpu.memory_space<vmem>>
    %dma_wait3A_390 = tpu.memref_squeeze %dma_wait3A_389 : memref<1x64xi32, #tpu.memory_space<vmem>> -> memref<64xi32, #tpu.memory_space<vmem>>
    %dma_wait3A_391 = arith.constant 0 : i32
    %dma_wait3A_392 = arith.constant 0 : i32
    %dma_wait3A_393 = tpu.memref_slice %arg5[%dma_wait3A_391, %dma_wait3A_392] : memref<259x128xf32, #tpu.memory_space<vmem_shared>> -> memref<259x128xf32, #tpu.memory_space<vmem_shared>>
    tpu.wait_indirect_dma semaphore(%arg19 : memref<!tpu.dma_semaphore, #tpu.memory_space<semaphore_mem>>) src(%dma_wait3A_393 : memref<259x128xf32, #tpu.memory_space<vmem_shared>>) dst(%dma_wait3A_387 : memref<64x128xf32, #tpu.memory_space<vmem>>)
    %add3A_394 = arith.constant 25344 : i32
    %add3A_395 = arith.addi %mul3A_2, %add3A_394 : i32
    %dma_start3A_396 = arith.constant 0 : i32
    %dma_start3A_397 = arith.constant 0 : i32
    %dma_start3A_398 = tpu.memref_slice %arg7[%dma_start3A_396, %dma_start3A_397] : memref<64x128xf32, #tpu.memory_space<vmem>> -> memref<64x128xf32, #tpu.memory_space<vmem>>
    %dma_start3A_399 = arith.constant 0 : i32
    %dma_start3A_400 = tpu.memref_slice %arg4[%add3A_395, %dma_start3A_399] : memref<819200x128xf32, #tpu.memory_space<hbm>> -> memref<64x128xf32, #tpu.memory_space<hbm>>
    %dma_start3A_401 = arith.constant 0 : i32
    %dma_start3A_402 = tpu.memref_slice %arg4[%add3A_395, %dma_start3A_401] : memref<819200x128xf32, #tpu.memory_space<hbm>> -> memref<64x128xf32, #tpu.memory_space<hbm>>
    %dma_start3A_403 = arith.constant 0 : i32
    %dma_start3A_404 = arith.constant 0 : i32
    %dma_start3A_405 = tpu.memref_slice %arg7[%dma_start3A_403, %dma_start3A_404] : memref<64x128xf32, #tpu.memory_space<vmem>> -> memref<64x128xf32, #tpu.memory_space<vmem>>
    tpu.enqueue_dma source(%dma_start3A_405 : memref<64x128xf32, #tpu.memory_space<vmem>>) target(%dma_start3A_402 : memref<64x128xf32, #tpu.memory_space<hbm>>) target_semaphore(%arg31 : memref<!tpu.dma_semaphore, #tpu.memory_space<semaphore_mem>>)
    %dma_wait3A_406 = arith.constant 198 : i32
    %dma_wait3A_407 = arith.constant 0 : i32
    %dma_wait3A_408 = arith.constant 0 : i32
    %dma_wait3A_409 = tpu.memref_slice %arg8[%dma_wait3A_407, %dma_wait3A_408] : memref<64x128xf32, #tpu.memory_space<vmem>> -> memref<64x128xf32, #tpu.memory_space<vmem>>
    %dma_wait3A_410 = arith.constant 64 : i32
    %dma_wait3A_411 = tpu.memref_slice %arg6[%dma_wait3A_406, %dma_wait3A_410] : memref<200x128xi32, #tpu.memory_space<vmem>> -> memref<1x64xi32, #tpu.memory_space<vmem>>
    %dma_wait3A_412 = tpu.memref_squeeze %dma_wait3A_411 : memref<1x64xi32, #tpu.memory_space<vmem>> -> memref<64xi32, #tpu.memory_space<vmem>>
    %dma_wait3A_413 = arith.constant 0 : i32
    %dma_wait3A_414 = arith.constant 0 : i32
    %dma_wait3A_415 = tpu.memref_slice %arg5[%dma_wait3A_413, %dma_wait3A_414] : memref<259x128xf32, #tpu.memory_space<vmem_shared>> -> memref<259x128xf32, #tpu.memory_space<vmem_shared>>
    tpu.wait_indirect_dma semaphore(%arg20 : memref<!tpu.dma_semaphore, #tpu.memory_space<semaphore_mem>>) src(%dma_wait3A_415 : memref<259x128xf32, #tpu.memory_space<vmem_shared>>) dst(%dma_wait3A_409 : memref<64x128xf32, #tpu.memory_space<vmem>>)
    %add3A_416 = arith.constant 25408 : i32
    %add3A_417 = arith.addi %mul3A_2, %add3A_416 : i32
    %dma_start3A_418 = arith.constant 0 : i32
    %dma_start3A_419 = arith.constant 0 : i32
    %dma_start3A_420 = tpu.memref_slice %arg8[%dma_start3A_418, %dma_start3A_419] : memref<64x128xf32, #tpu.memory_space<vmem>> -> memref<64x128xf32, #tpu.memory_space<vmem>>
    %dma_start3A_421 = arith.constant 0 : i32
    %dma_start3A_422 = tpu.memref_slice %arg4[%add3A_417, %dma_start3A_421] : memref<819200x128xf32, #tpu.memory_space<hbm>> -> memref<64x128xf32, #tpu.memory_space<hbm>>
    %dma_start3A_423 = arith.constant 0 : i32
    %dma_start3A_424 = tpu.memref_slice %arg4[%add3A_417, %dma_start3A_423] : memref<819200x128xf32, #tpu.memory_space<hbm>> -> memref<64x128xf32, #tpu.memory_space<hbm>>
    %dma_start3A_425 = arith.constant 0 : i32
    %dma_start3A_426 = arith.constant 0 : i32
    %dma_start3A_427 = tpu.memref_slice %arg8[%dma_start3A_425, %dma_start3A_426] : memref<64x128xf32, #tpu.memory_space<vmem>> -> memref<64x128xf32, #tpu.memory_space<vmem>>
    tpu.enqueue_dma source(%dma_start3A_427 : memref<64x128xf32, #tpu.memory_space<vmem>>) target(%dma_start3A_424 : memref<64x128xf32, #tpu.memory_space<hbm>>) target_semaphore(%arg32 : memref<!tpu.dma_semaphore, #tpu.memory_space<semaphore_mem>>)
    %dma_wait3A_428 = arith.constant 199 : i32
    %dma_wait3A_429 = arith.constant 0 : i32
    %dma_wait3A_430 = arith.constant 0 : i32
    %dma_wait3A_431 = tpu.memref_slice %arg9[%dma_wait3A_429, %dma_wait3A_430] : memref<64x128xf32, #tpu.memory_space<vmem>> -> memref<64x128xf32, #tpu.memory_space<vmem>>
    %dma_wait3A_432 = arith.constant 0 : i32
    %dma_wait3A_433 = tpu.memref_slice %arg6[%dma_wait3A_428, %dma_wait3A_432] : memref<200x128xi32, #tpu.memory_space<vmem>> -> memref<1x64xi32, #tpu.memory_space<vmem>>
    %dma_wait3A_434 = tpu.memref_squeeze %dma_wait3A_433 : memref<1x64xi32, #tpu.memory_space<vmem>> -> memref<64xi32, #tpu.memory_space<vmem>>
    %dma_wait3A_435 = arith.constant 0 : i32
    %dma_wait3A_436 = arith.constant 0 : i32
    %dma_wait3A_437 = tpu.memref_slice %arg5[%dma_wait3A_435, %dma_wait3A_436] : memref<259x128xf32, #tpu.memory_space<vmem_shared>> -> memref<259x128xf32, #tpu.memory_space<vmem_shared>>
    tpu.wait_indirect_dma semaphore(%arg21 : memref<!tpu.dma_semaphore, #tpu.memory_space<semaphore_mem>>) src(%dma_wait3A_437 : memref<259x128xf32, #tpu.memory_space<vmem_shared>>) dst(%dma_wait3A_431 : memref<64x128xf32, #tpu.memory_space<vmem>>)
    %add3A_438 = arith.constant 25472 : i32
    %add3A_439 = arith.addi %mul3A_2, %add3A_438 : i32
    %dma_start3A_440 = arith.constant 0 : i32
    %dma_start3A_441 = arith.constant 0 : i32
    %dma_start3A_442 = tpu.memref_slice %arg9[%dma_start3A_440, %dma_start3A_441] : memref<64x128xf32, #tpu.memory_space<vmem>> -> memref<64x128xf32, #tpu.memory_space<vmem>>
    %dma_start3A_443 = arith.constant 0 : i32
    %dma_start3A_444 = tpu.memref_slice %arg4[%add3A_439, %dma_start3A_443] : memref<819200x128xf32, #tpu.memory_space<hbm>> -> memref<64x128xf32, #tpu.memory_space<hbm>>
    %dma_start3A_445 = arith.constant 0 : i32
    %dma_start3A_446 = tpu.memref_slice %arg4[%add3A_439, %dma_start3A_445] : memref<819200x128xf32, #tpu.memory_space<hbm>> -> memref<64x128xf32, #tpu.memory_space<hbm>>
    %dma_start3A_447 = arith.constant 0 : i32
    %dma_start3A_448 = arith.constant 0 : i32
    %dma_start3A_449 = tpu.memref_slice %arg9[%dma_start3A_447, %dma_start3A_448] : memref<64x128xf32, #tpu.memory_space<vmem>> -> memref<64x128xf32, #tpu.memory_space<vmem>>
    tpu.enqueue_dma source(%dma_start3A_449 : memref<64x128xf32, #tpu.memory_space<vmem>>) target(%dma_start3A_446 : memref<64x128xf32, #tpu.memory_space<hbm>>) target_semaphore(%arg33 : memref<!tpu.dma_semaphore, #tpu.memory_space<semaphore_mem>>)
    %dma_wait3A_450 = arith.constant 199 : i32
    %dma_wait3A_451 = arith.constant 0 : i32
    %dma_wait3A_452 = arith.constant 0 : i32
    %dma_wait3A_453 = tpu.memref_slice %arg10[%dma_wait3A_451, %dma_wait3A_452] : memref<64x128xf32, #tpu.memory_space<vmem>> -> memref<64x128xf32, #tpu.memory_space<vmem>>
    %dma_wait3A_454 = arith.constant 64 : i32
    %dma_wait3A_455 = tpu.memref_slice %arg6[%dma_wait3A_450, %dma_wait3A_454] : memref<200x128xi32, #tpu.memory_space<vmem>> -> memref<1x64xi32, #tpu.memory_space<vmem>>
    %dma_wait3A_456 = tpu.memref_squeeze %dma_wait3A_455 : memref<1x64xi32, #tpu.memory_space<vmem>> -> memref<64xi32, #tpu.memory_space<vmem>>
    %dma_wait3A_457 = arith.constant 0 : i32
    %dma_wait3A_458 = arith.constant 0 : i32
    %dma_wait3A_459 = tpu.memref_slice %arg5[%dma_wait3A_457, %dma_wait3A_458] : memref<259x128xf32, #tpu.memory_space<vmem_shared>> -> memref<259x128xf32, #tpu.memory_space<vmem_shared>>
    tpu.wait_indirect_dma semaphore(%arg22 : memref<!tpu.dma_semaphore, #tpu.memory_space<semaphore_mem>>) src(%dma_wait3A_459 : memref<259x128xf32, #tpu.memory_space<vmem_shared>>) dst(%dma_wait3A_453 : memref<64x128xf32, #tpu.memory_space<vmem>>)
    %add3A_460 = arith.constant 25536 : i32
    %add3A_461 = arith.addi %mul3A_2, %add3A_460 : i32
    %dma_start3A_462 = arith.constant 0 : i32
    %dma_start3A_463 = arith.constant 0 : i32
    %dma_start3A_464 = tpu.memref_slice %arg10[%dma_start3A_462, %dma_start3A_463] : memref<64x128xf32, #tpu.memory_space<vmem>> -> memref<64x128xf32, #tpu.memory_space<vmem>>
    %dma_start3A_465 = arith.constant 0 : i32
    %dma_start3A_466 = tpu.memref_slice %arg4[%add3A_461, %dma_start3A_465] : memref<819200x128xf32, #tpu.memory_space<hbm>> -> memref<64x128xf32, #tpu.memory_space<hbm>>
    %dma_start3A_467 = arith.constant 0 : i32
    %dma_start3A_468 = tpu.memref_slice %arg4[%add3A_461, %dma_start3A_467] : memref<819200x128xf32, #tpu.memory_space<hbm>> -> memref<64x128xf32, #tpu.memory_space<hbm>>
    %dma_start3A_469 = arith.constant 0 : i32
    %dma_start3A_470 = arith.constant 0 : i32
    %dma_start3A_471 = tpu.memref_slice %arg10[%dma_start3A_469, %dma_start3A_470] : memref<64x128xf32, #tpu.memory_space<vmem>> -> memref<64x128xf32, #tpu.memory_space<vmem>>
    tpu.enqueue_dma source(%dma_start3A_471 : memref<64x128xf32, #tpu.memory_space<vmem>>) target(%dma_start3A_468 : memref<64x128xf32, #tpu.memory_space<hbm>>) target_semaphore(%arg34 : memref<!tpu.dma_semaphore, #tpu.memory_space<semaphore_mem>>)
    %dma_wait3A_472 = arith.constant 0 : i32
    %dma_wait3A_473 = arith.constant 0 : i32
    %dma_wait3A_474 = tpu.memref_slice %arg7[%dma_wait3A_472, %dma_wait3A_473] : memref<64x128xf32, #tpu.memory_space<vmem>> -> memref<64x128xf32, #tpu.memory_space<vmem>>
    %dma_wait3A_475 = arith.constant 0 : i32
    %dma_wait3A_476 = arith.constant 0 : i32
    %dma_wait3A_477 = tpu.memref_slice %arg4[%dma_wait3A_475, %dma_wait3A_476] : memref<819200x128xf32, #tpu.memory_space<hbm>> -> memref<64x128xf32, #tpu.memory_space<hbm>>
    %dma_wait3A_478 = arith.constant 0 : i32
    %dma_wait3A_479 = arith.constant 0 : i32
    %dma_wait3A_480 = tpu.memref_slice %arg4[%dma_wait3A_478, %dma_wait3A_479] : memref<819200x128xf32, #tpu.memory_space<hbm>> -> memref<64x128xf32, #tpu.memory_space<hbm>>
    %dma_wait3A_481 = arith.constant 0 : i32
    %dma_wait3A_482 = arith.constant 0 : i32
    %dma_wait3A_483 = tpu.memref_slice %arg7[%dma_wait3A_481, %dma_wait3A_482] : memref<64x128xf32, #tpu.memory_space<vmem>> -> memref<64x128xf32, #tpu.memory_space<vmem>>
    tpu.wait_dma2 semaphore(%arg31 : memref<!tpu.dma_semaphore, #tpu.memory_space<semaphore_mem>>) src(%dma_wait3A_483 : memref<64x128xf32, #tpu.memory_space<vmem>>) dst(%dma_wait3A_480 : memref<64x128xf32, #tpu.memory_space<hbm>>)
    %dma_wait3A_484 = arith.constant 0 : i32
    %dma_wait3A_485 = arith.constant 0 : i32
    %dma_wait3A_486 = tpu.memref_slice %arg8[%dma_wait3A_484, %dma_wait3A_485] : memref<64x128xf32, #tpu.memory_space<vmem>> -> memref<64x128xf32, #tpu.memory_space<vmem>>
    %dma_wait3A_487 = arith.constant 0 : i32
    %dma_wait3A_488 = arith.constant 0 : i32
    %dma_wait3A_489 = tpu.memref_slice %arg4[%dma_wait3A_487, %dma_wait3A_488] : memref<819200x128xf32, #tpu.memory_space<hbm>> -> memref<64x128xf32, #tpu.memory_space<hbm>>
    %dma_wait3A_490 = arith.constant 0 : i32
    %dma_wait3A_491 = arith.constant 0 : i32
    %dma_wait3A_492 = tpu.memref_slice %arg4[%dma_wait3A_490, %dma_wait3A_491] : memref<819200x128xf32, #tpu.memory_space<hbm>> -> memref<64x128xf32, #tpu.memory_space<hbm>>
    %dma_wait3A_493 = arith.constant 0 : i32
    %dma_wait3A_494 = arith.constant 0 : i32
    %dma_wait3A_495 = tpu.memref_slice %arg8[%dma_wait3A_493, %dma_wait3A_494] : memref<64x128xf32, #tpu.memory_space<vmem>> -> memref<64x128xf32, #tpu.memory_space<vmem>>
    tpu.wait_dma2 semaphore(%arg32 : memref<!tpu.dma_semaphore, #tpu.memory_space<semaphore_mem>>) src(%dma_wait3A_495 : memref<64x128xf32, #tpu.memory_space<vmem>>) dst(%dma_wait3A_492 : memref<64x128xf32, #tpu.memory_space<hbm>>)
    %dma_wait3A_496 = arith.constant 0 : i32
    %dma_wait3A_497 = arith.constant 0 : i32
    %dma_wait3A_498 = tpu.memref_slice %arg9[%dma_wait3A_496, %dma_wait3A_497] : memref<64x128xf32, #tpu.memory_space<vmem>> -> memref<64x128xf32, #tpu.memory_space<vmem>>
    %dma_wait3A_499 = arith.constant 0 : i32
    %dma_wait3A_500 = arith.constant 0 : i32
    %dma_wait3A_501 = tpu.memref_slice %arg4[%dma_wait3A_499, %dma_wait3A_500] : memref<819200x128xf32, #tpu.memory_space<hbm>> -> memref<64x128xf32, #tpu.memory_space<hbm>>
    %dma_wait3A_502 = arith.constant 0 : i32
    %dma_wait3A_503 = arith.constant 0 : i32
    %dma_wait3A_504 = tpu.memref_slice %arg4[%dma_wait3A_502, %dma_wait3A_503] : memref<819200x128xf32, #tpu.memory_space<hbm>> -> memref<64x128xf32, #tpu.memory_space<hbm>>
    %dma_wait3A_505 = arith.constant 0 : i32
    %dma_wait3A_506 = arith.constant 0 : i32
    %dma_wait3A_507 = tpu.memref_slice %arg9[%dma_wait3A_505, %dma_wait3A_506] : memref<64x128xf32, #tpu.memory_space<vmem>> -> memref<64x128xf32, #tpu.memory_space<vmem>>
    tpu.wait_dma2 semaphore(%arg33 : memref<!tpu.dma_semaphore, #tpu.memory_space<semaphore_mem>>) src(%dma_wait3A_507 : memref<64x128xf32, #tpu.memory_space<vmem>>) dst(%dma_wait3A_504 : memref<64x128xf32, #tpu.memory_space<hbm>>)
    %dma_wait3A_508 = arith.constant 0 : i32
    %dma_wait3A_509 = arith.constant 0 : i32
    %dma_wait3A_510 = tpu.memref_slice %arg10[%dma_wait3A_508, %dma_wait3A_509] : memref<64x128xf32, #tpu.memory_space<vmem>> -> memref<64x128xf32, #tpu.memory_space<vmem>>
    %dma_wait3A_511 = arith.constant 0 : i32
    %dma_wait3A_512 = arith.constant 0 : i32
    %dma_wait3A_513 = tpu.memref_slice %arg4[%dma_wait3A_511, %dma_wait3A_512] : memref<819200x128xf32, #tpu.memory_space<hbm>> -> memref<64x128xf32, #tpu.memory_space<hbm>>
    %dma_wait3A_514 = arith.constant 0 : i32
    %dma_wait3A_515 = arith.constant 0 : i32
    %dma_wait3A_516 = tpu.memref_slice %arg4[%dma_wait3A_514, %dma_wait3A_515] : memref<819200x128xf32, #tpu.memory_space<hbm>> -> memref<64x128xf32, #tpu.memory_space<hbm>>
    %dma_wait3A_517 = arith.constant 0 : i32
    %dma_wait3A_518 = arith.constant 0 : i32
    %dma_wait3A_519 = tpu.memref_slice %arg10[%dma_wait3A_517, %dma_wait3A_518] : memref<64x128xf32, #tpu.memory_space<vmem>> -> memref<64x128xf32, #tpu.memory_space<vmem>>
    tpu.wait_dma2 semaphore(%arg34 : memref<!tpu.dma_semaphore, #tpu.memory_space<semaphore_mem>>) src(%dma_wait3A_519 : memref<64x128xf32, #tpu.memory_space<vmem>>) dst(%dma_wait3A_516 : memref<64x128xf32, #tpu.memory_space<hbm>>)
    %dma_wait3A_520 = arith.constant 0 : i32
    %dma_wait3A_521 = arith.constant 0 : i32
    %dma_wait3A_522 = tpu.memref_slice %arg4[%dma_wait3A_520, %dma_wait3A_521] : memref<819200x128xf32, #tpu.memory_space<hbm>> -> memref<64x128xf32, #tpu.memory_space<hbm>>
    %dma_wait3A_523 = arith.constant 0 : i32
    %dma_wait3A_524 = arith.constant 0 : i32
    %dma_wait3A_525 = tpu.memref_slice %arg4[%dma_wait3A_523, %dma_wait3A_524] : memref<819200x128xf32, #tpu.memory_space<hbm>> -> memref<64x128xf32, #tpu.memory_space<hbm>>
    tpu.wait_dma2 semaphore(%arg35 : memref<!tpu.dma_semaphore, #tpu.memory_space<semaphore_mem>>) src(%arg11 : memref<64x128xf32, #tpu.memory_space<vmem>>) dst(%dma_wait3A_525 : memref<64x128xf32, #tpu.memory_space<hbm>>)
    %dma_wait3A_526 = arith.constant 0 : i32
    %dma_wait3A_527 = arith.constant 0 : i32
    %dma_wait3A_528 = tpu.memref_slice %arg4[%dma_wait3A_526, %dma_wait3A_527] : memref<819200x128xf32, #tpu.memory_space<hbm>> -> memref<64x128xf32, #tpu.memory_space<hbm>>
    %dma_wait3A_529 = arith.constant 0 : i32
    %dma_wait3A_530 = arith.constant 0 : i32
    %dma_wait3A_531 = tpu.memref_slice %arg4[%dma_wait3A_529, %dma_wait3A_530] : memref<819200x128xf32, #tpu.memory_space<hbm>> -> memref<64x128xf32, #tpu.memory_space<hbm>>
    tpu.wait_dma2 semaphore(%arg36 : memref<!tpu.dma_semaphore, #tpu.memory_space<semaphore_mem>>) src(%arg12 : memref<64x128xf32, #tpu.memory_space<vmem>>) dst(%dma_wait3A_531 : memref<64x128xf32, #tpu.memory_space<hbm>>)
    %dma_wait3A_532 = arith.constant 0 : i32
    %dma_wait3A_533 = arith.constant 0 : i32
    %dma_wait3A_534 = tpu.memref_slice %arg4[%dma_wait3A_532, %dma_wait3A_533] : memref<819200x128xf32, #tpu.memory_space<hbm>> -> memref<64x128xf32, #tpu.memory_space<hbm>>
    %dma_wait3A_535 = arith.constant 0 : i32
    %dma_wait3A_536 = arith.constant 0 : i32
    %dma_wait3A_537 = tpu.memref_slice %arg4[%dma_wait3A_535, %dma_wait3A_536] : memref<819200x128xf32, #tpu.memory_space<hbm>> -> memref<64x128xf32, #tpu.memory_space<hbm>>
    tpu.wait_dma2 semaphore(%arg37 : memref<!tpu.dma_semaphore, #tpu.memory_space<semaphore_mem>>) src(%arg13 : memref<64x128xf32, #tpu.memory_space<vmem>>) dst(%dma_wait3A_537 : memref<64x128xf32, #tpu.memory_space<hbm>>)
    %dma_wait3A_538 = arith.constant 0 : i32
    %dma_wait3A_539 = arith.constant 0 : i32
    %dma_wait3A_540 = tpu.memref_slice %arg4[%dma_wait3A_538, %dma_wait3A_539] : memref<819200x128xf32, #tpu.memory_space<hbm>> -> memref<64x128xf32, #tpu.memory_space<hbm>>
    %dma_wait3A_541 = arith.constant 0 : i32
    %dma_wait3A_542 = arith.constant 0 : i32
    %dma_wait3A_543 = tpu.memref_slice %arg4[%dma_wait3A_541, %dma_wait3A_542] : memref<819200x128xf32, #tpu.memory_space<hbm>> -> memref<64x128xf32, #tpu.memory_space<hbm>>
    tpu.wait_dma2 semaphore(%arg38 : memref<!tpu.dma_semaphore, #tpu.memory_space<semaphore_mem>>) src(%arg14 : memref<64x128xf32, #tpu.memory_space<vmem>>) dst(%dma_wait3A_543 : memref<64x128xf32, #tpu.memory_space<hbm>>)
    %dma_wait3A_544 = arith.constant 0 : i32
    %dma_wait3A_545 = arith.constant 0 : i32
    %dma_wait3A_546 = tpu.memref_slice %arg4[%dma_wait3A_544, %dma_wait3A_545] : memref<819200x128xf32, #tpu.memory_space<hbm>> -> memref<64x128xf32, #tpu.memory_space<hbm>>
    %dma_wait3A_547 = arith.constant 0 : i32
    %dma_wait3A_548 = arith.constant 0 : i32
    %dma_wait3A_549 = tpu.memref_slice %arg4[%dma_wait3A_547, %dma_wait3A_548] : memref<819200x128xf32, #tpu.memory_space<hbm>> -> memref<64x128xf32, #tpu.memory_space<hbm>>
    tpu.wait_dma2 semaphore(%arg39 : memref<!tpu.dma_semaphore, #tpu.memory_space<semaphore_mem>>) src(%arg15 : memref<64x128xf32, #tpu.memory_space<vmem>>) dst(%dma_wait3A_549 : memref<64x128xf32, #tpu.memory_space<hbm>>)
    %dma_wait3A_550 = arith.constant 0 : i32
    %dma_wait3A_551 = arith.constant 0 : i32
    %dma_wait3A_552 = tpu.memref_slice %arg4[%dma_wait3A_550, %dma_wait3A_551] : memref<819200x128xf32, #tpu.memory_space<hbm>> -> memref<64x128xf32, #tpu.memory_space<hbm>>
    %dma_wait3A_553 = arith.constant 0 : i32
    %dma_wait3A_554 = arith.constant 0 : i32
    %dma_wait3A_555 = tpu.memref_slice %arg4[%dma_wait3A_553, %dma_wait3A_554] : memref<819200x128xf32, #tpu.memory_space<hbm>> -> memref<64x128xf32, #tpu.memory_space<hbm>>
    tpu.wait_dma2 semaphore(%arg40 : memref<!tpu.dma_semaphore, #tpu.memory_space<semaphore_mem>>) src(%arg16 : memref<64x128xf32, #tpu.memory_space<vmem>>) dst(%dma_wait3A_555 : memref<64x128xf32, #tpu.memory_space<hbm>>)
    %dma_wait3A_556 = arith.constant 0 : i32
    %dma_wait3A_557 = arith.constant 0 : i32
    %dma_wait3A_558 = tpu.memref_slice %arg4[%dma_wait3A_556, %dma_wait3A_557] : memref<819200x128xf32, #tpu.memory_space<hbm>> -> memref<64x128xf32, #tpu.memory_space<hbm>>
    %dma_wait3A_559 = arith.constant 0 : i32
    %dma_wait3A_560 = arith.constant 0 : i32
    %dma_wait3A_561 = tpu.memref_slice %arg4[%dma_wait3A_559, %dma_wait3A_560] : memref<819200x128xf32, #tpu.memory_space<hbm>> -> memref<64x128xf32, #tpu.memory_space<hbm>>
    tpu.wait_dma2 semaphore(%arg41 : memref<!tpu.dma_semaphore, #tpu.memory_space<semaphore_mem>>) src(%arg17 : memref<64x128xf32, #tpu.memory_space<vmem>>) dst(%dma_wait3A_561 : memref<64x128xf32, #tpu.memory_space<hbm>>)
    %dma_wait3A_562 = arith.constant 0 : i32
    %dma_wait3A_563 = arith.constant 0 : i32
    %dma_wait3A_564 = tpu.memref_slice %arg4[%dma_wait3A_562, %dma_wait3A_563] : memref<819200x128xf32, #tpu.memory_space<hbm>> -> memref<64x128xf32, #tpu.memory_space<hbm>>
    %dma_wait3A_565 = arith.constant 0 : i32
    %dma_wait3A_566 = arith.constant 0 : i32
    %dma_wait3A_567 = tpu.memref_slice %arg4[%dma_wait3A_565, %dma_wait3A_566] : memref<819200x128xf32, #tpu.memory_space<hbm>> -> memref<64x128xf32, #tpu.memory_space<hbm>>
    tpu.wait_dma2 semaphore(%arg42 : memref<!tpu.dma_semaphore, #tpu.memory_space<semaphore_mem>>) src(%arg18 : memref<64x128xf32, #tpu.memory_space<vmem>>) dst(%dma_wait3A_567 : memref<64x128xf32, #tpu.memory_space<hbm>>)
    return
  }
}

</mosaic_0001>

<sc_bundles>
// kernel: kernel.3.cloned.1.call-start
scs
__scs_entry_jumppad:
0x0: {  	(pc) =	sbr.rel $0x88, $3  }
0x1: {  	(tag) =	ssettag $0x0;
	lr =	simm.s32 $0x1  }
0x2: {  	[smem:$0x3F9F] =	sst lr;
	_ =	strace $0xD0000000  }
0x3: {  	_ = 	snop  }
0x4: {  	_ = 	snop  }
0x5: {  	_ = 	snop  }
0x6: {  	_ = 	snop  }
0x7: {  	_ = 	snop  }
__scs_overlays_trampoline_lowered:
0x8: {  	[smem:$0x3FAE] =	sst s0  }
0x9: {  	[smem:$0x3FAF] =	sst s1  }
0xa: {  	[smem:$0x3FB0] =	sst s2  }
0xb: {  	[smem:$0x3FB1] =	sst s3  }
0xc: {  	[smem:$0x3FB2] =	sst s4  }
0xd: {  	[smem:$0x3FB3] =	sst s5  }
0xe: {  	[smem:$0x3FB4] =	sst s6  }
0xf: {  	[smem:$0x3FB5] =	sst s7  }
0x10: {  	[smem:$0x3FB6] =	sst s8  }
0x11: {  	[smem:$0x3FB7] =	sst s9;
	s0 =	simm.s32 @!p0 $0x0  }
0x12: {  	s1 =	sld [smem:$0x3F9D];
	s0 =	simm.s32 @p0 $0x1  }
0x13: {  	[smem:$0x3FB8] =	sst s0;
	s0 =	simm.s32 @!p1 $0x0  }
0x14: {  	s2 =	sld [smem:$0x3F9C];
	s0 =	simm.s32 @p1 $0x1  }
0x15: {  	[smem:$0x3FB9] =	sst s0;
	s0 =	simm.s32 @!p2 $0x0  }
0x16: {  	s3 =	sld [smem:$0x3FDB];
	s0 =	simm.s32 @p2 $0x1  }
0x17: {  	s4 =	simm.s32 $0x1BF5;
	[smem:$0x3FBB] =	sst s0  }
0x18: {  	s0 =	sld [smem:$0x3F9E];
	_ =	swait.ge [sflag:s4], $0x0  }
0x19: {  	s7 =	sld [smem:$0x3F9F]  }
0x1a: {  	s8 =	sadd.s32 $0xFFFFE003, lr  }
0x1b: {  	s9 =	sadd.s32 $0xFFFFFEF7, lr;
	s5 =	simm.s32 $0xFFFFFFFF;
	p2 =	slt.u32 s8, $0xFFFFF086  }
0x1c: {  	p1 =	slt.u32 s9, $0xF7A;
	s5 =	simm.s32 @!p2 $0x0  }
0x1d: {  	s5 =	simm.s32 @p1 $0x1;
	p0 =	seq.s32 s7, s2  }
0x1e: {  	s7 =	smul.u32 @!p0 $0xF7A, s2;
	p2 =	seq.s32 @!p0 s5, $0x0  }
0x1f: {  	s9 =	smul.u32 $0xF7A, s1;
	s8 =	simm.s32 @!p0 $0x1BF5;
	p2 =	por !p2, p0  }
0x20: {  	[sflag:s8] =	ssyncset.s32 @!p0 $0xFFFFF086;
	s6 =	sadd.s32 @!p0 s3, s7;
	s7 =	simm.s32 @!p0 $0x108  }
0x21: {  	s3 =	sadd.s32 s3, s9;
	s6 =	sadd.s32 @!p0 $0x88, s6;
	s7 =	simm.s32 @p2 $0x1082  }
0x22: {  	[simem:s7], [sflag:s8] =	dma.local @!p0 [hbm:s6], $0xF7A  }
0x23: {  	s9 =	sor.u32 $0xD0000000, s2;
	s6 =	simm.s32 $0x108;
	_ =	swait.ge @!p0 [sflag:s8], $0x0  }
0x24: {  	s3 =	sadd.s32 $0x88, s3;
	s6 =	simm.s32 @!p1 $0x1082;
	[sflag:s4] =	ssyncset.s32 $0xFFFFF086  }
0x25: {  	[simem:s6], [sflag:s4] =	dma.local [hbm:s3], $0xF7A  }
0x26: {  	[smem:$0x3F9F] =	sst s1;
	(tag) =	ssettag s2;
	_ =	strace s9  }
0x27: {  	s1 =	sld [smem:$0x3FAF]  }
0x28: {  	s2 =	sld [smem:$0x3FB0]  }
0x29: {  	s4 =	sld [smem:$0x3FB2]  }
0x2a: {  	p0 =	seq.s32 s5, $0x0;
	s5 =	sld [smem:$0x3FB3]  }
0x2b: {  	s6 =	sld [smem:$0x3FB4]  }
0x2c: {  	s7 =	sld [smem:$0x3FB5]  }
0x2d: {  	s3 =	simm.s32 $0x108;
	s8 =	sld [smem:$0x3FB6]  }
0x2e: {  	s3 =	simm.s32 @!p0 $0x1082;
	s9 =	sld [smem:$0x3FB7]  }
0x2f: {  	lr =	sadd.s32 s0, s3;
	s0 =	sld [smem:$0x3FAE]  }
0x30: {  	s3 =	sld [smem:$0x3FB1]  }
0x31: {  	[smem:$0x3FBA] =	sst s10  }
0x32: {  	s10 =	sld [smem:$0x3FB8];
	_ =	sdelay $0x3  }
0x33: {  	p0 =	seq.s32 s10, $0x1;
	s10 =	sld [smem:$0x3FBA];
	_ =	sdelay $0x3  }
0x34: {  	[smem:$0x3FBA] =	sst s10  }
0x35: {  	s10 =	sld [smem:$0x3FB9];
	_ =	sdelay $0x3  }
0x36: {  	p1 =	seq.s32 s10, $0x1;
	s10 =	sld [smem:$0x3FBA];
	_ =	sdelay $0x3  }
0x37: {  	[smem:$0x3FBA] =	sst s10  }
0x38: {  	s10 =	sld [smem:$0x3FBB]  }
0x39: {  	_ = 	snop;
	(pc) =	sbr.ind lr, $3  }
0x3a: {  	_ = 	snop  }
0x3b: {  	_ = 	snop  }
0x3c: {  	p2 =	seq.s32 s10, $0x1;
	s10 =	sld [smem:$0x3FBA]  }
0x3d: {  	_ =	shalt  }
0x3e: {  	_ =	shalt  }
0x3f: {  	_ =	shalt  }
0x40: {  	_ =	shalt  }
0x41: {  	_ =	shalt  }
0x42: {  	_ =	shalt  }
0x43: {  	_ =	shalt  }
0x44: {  	_ =	shalt  }
0x45: {  	_ =	shalt  }
0x46: {  	_ =	shalt  }
0x47: {  	_ =	shalt  }
0x48: {  	_ =	shalt  }
0x49: {  	_ =	shalt  }
0x4a: {  	_ =	shalt  }
0x4b: {  	_ =	shalt  }
0x4c: {  	_ =	shalt  }
0x4d: {  	_ =	shalt  }
0x4e: {  	_ =	shalt  }
0x4f: {  	_ =	shalt  }
0x50: {  	_ =	shalt  }
0x51: {  	_ =	shalt  }
0x52: {  	_ =	shalt  }
0x53: {  	_ =	shalt  }
0x54: {  	_ =	shalt  }
0x55: {  	_ =	shalt  }
0x56: {  	_ =	shalt  }
0x57: {  	_ =	shalt  }
0x58: {  	_ =	shalt  }
0x59: {  	_ =	shalt  }
0x5a: {  	_ =	shalt  }
0x5b: {  	_ =	shalt  }
0x5c: {  	_ =	shalt  }
0x5d: {  	_ =	shalt  }
0x5e: {  	_ =	shalt  }
0x5f: {  	_ =	shalt  }
0x60: {  	_ =	shalt  }
0x61: {  	_ =	shalt  }
0x62: {  	_ =	shalt  }
0x63: {  	_ =	shalt  }
0x64: {  	_ =	shalt  }
0x65: {  	_ =	shalt  }
0x66: {  	_ =	shalt  }
0x67: {  	_ =	shalt  }
0x68: {  	_ =	shalt  }
0x69: {  	_ =	shalt  }
0x6a: {  	_ =	shalt  }
0x6b: {  	_ =	shalt  }
0x6c: {  	_ =	shalt  }
0x6d: {  	_ =	shalt  }
0x6e: {  	_ =	shalt  }
0x6f: {  	_ =	shalt  }
0x70: {  	_ =	shalt  }
0x71: {  	_ =	shalt  }
0x72: {  	_ =	shalt  }
0x73: {  	_ =	shalt  }
0x74: {  	_ =	shalt  }
0x75: {  	_ =	shalt  }
0x76: {  	_ =	shalt  }
0x77: {  	_ =	shalt  }
0x78: {  	_ =	shalt  }
0x79: {  	_ =	shalt  }
0x7a: {  	_ =	shalt  }
0x7b: {  	_ =	shalt  }
0x7c: {  	_ =	shalt  }
0x7d: {  	_ =	shalt  }
0x7e: {  	_ =	shalt  }
0x7f: {  	_ =	shalt  }
0x80: {  	_ =	shalt  }
0x81: {  	_ =	shalt  }
0x82: {  	_ =	shalt  }
0x83: {  	_ =	shalt  }
0x84: {  	_ =	shalt  }
0x85: {  	_ =	shalt  }
0x86: {  	_ =	shalt  }
0x87: {  	_ =	shalt  }
.Lfunc_end0:
.L_simem_size_0:
called_computation_lowered:
.L_overlay_start_0:
0x88: {  	s2 =	sld [smem:$0x3FD9]  }
0x89: {  	s3 =	sld [smem:$0x3FFE];
	_ =	sdelay $0x1  }
0x8a: {  	s1 =	srdreg.scid  }
0x8b: {  	s0 =	sand.u32 $0x1, s1  }
0x8c: {  	s17 =	sshll.u32 s0, $0xA;
	s2 =	sadd.s32 s3, s2  }
0x8d: {  	s2 =	sadd.s32 s2, s17  }
0x8e: {  	[smem:$0x3FC6] =	sst s2  }
0x8f: {  	_ = 	snop  }
0x90: {  	s2 =	sld [smem:$0x3FC8]  }
0x91: {  	s18 =	sld [smem:$0x3FD0];
	(tm) =	ssettm $0x1  }
0x92: {  	s4 =	sld [smem:$0x3FFB];
	_ =	sdelay $0x3  }
0x93: {  	_ =	strace s4  }
0x94: {  	s4 =	sld [smem:$0x3FFC];
	_ =	sdelay $0x3  }
0x95: {  	_ =	strace s4  }
0x96: {  	s4 =	sld [smem:$0x3FFD];
	_ =	sdelay $0x3  }
0x97: {  	_ =	strace s4  }
0x98: {  	_ =	strace $0x8FFFFFFF  }
0x99: {  	s19 =	sld [smem:$0x3FDB];
	_ =	sdelay $0x1  }
0x9a: {  	s5 =	simm.s32 $_scs_section_size  }
0x9b: {  	s6 =	simm.s32 $_size__tile_overlayer_lowered;
	s7 =	simm.s32 $_tile_overlayer_lowered  }
0x9c: {  	s22 =	simm.s32 $0x1BFF;
	s21 =	sshll.u32 s7, $0x1;
	s4 =	sadd.s32 s5, s19  }
0x9d: {  	s8 =	simm.s32 $0x0;
	s20 =	sshll.u32 s6, $0x1;
	s6 =	sadd.s32 s21, s4  }
0x9e: {  	[timem:s8], [sflag:s22] =	dma.local [hbm:s6], s20  }
0x9f: {  	_ =	swait.ge [sflag:s22], s20  }
0xa0: {  	s5 =	ssub.s32 $0x0, s20;
	[sflag:s22] =	ssyncset.done $0x0  }
0xa1: {  	[sflag:s22] =	ssyncadd.s32 s5;
	_ =	sdelay $0x1  }
0xa2: {  	s23 =	simm.s32 $0x1B8B  }
0xa3: {  	_ =	swait.ge [sflag:s23], $0x1  }
0xa4: {  	[sflag:s23] =	ssyncset.done $0x0  }
0xa5: {  	s25 =	simm.s32 $0x1B8E;
	s24 =	sld [smem:$0x3FFE];
	[sflag:s23] =	ssyncadd.s32 $0xFFFFFFFF  }
0xa6: {  	s26 =	simm.s32 $execute0_lowered;
	[smem:$0x3FD2] =	sst s25  }
0xa7: {  	s6 =	sshll.u32 s26, $0x1;
	_ =	strace $0x80000046;
	[dreg:$0x1] =	wrdreg $0xFFFFFFFF  }
0xa8: {  	s28 =	simm.s32 $_size_execute0_lowered;
	s4 =	sadd.s32 s4, s6;
	[dreg:$0x0] =	wrdreg $0x0  }
0xa9: {  	s6 =	sshll.u32 s28, $0x1;
	[dreg:$0x2] =	wrdreg s4  }
0xaa: {  	[dreg:$0x3] =	wrdreg s6  }
0xab: {  	[dreg:$0x4] =	wrdreg $0xC0  }
0xac: {  	_ =	task [dreg:s8], $0x5FFFF  }
0xad: {  	[dreg:$0x1] =	wrdreg $0xFFFFFFFF  }
0xae: {  	[dreg:$0x0] =	wrdreg $0x60  }
0xaf: {  	[dreg:$0x2] =	wrdreg s2  }
0xb0: {  	[dreg:$0x3] =	wrdreg s24  }
0xb1: {  	[dreg:$0x4] =	wrdreg s18  }
0xb2: {  	[dreg:$0x5] =	wrdreg $0x0  }
0xb3: {  	[dreg:$0x6] =	wrdreg $0x9  }
0xb4: {  	_ =	task.clear_ibuf [dreg:s8], $0x7FFFF;
	_ =	strace $0x90000046  }
0xb5: {  	s29 =	simm.s32 $0x9;
	_ =	strace $0x80000048  }
0xb6: {  	_ =	swait.ge [sflag:s29], $0x1  }
0xb7: {  	[sflag:s29] =	ssyncadd.s32 $0xFFFFFFFF  }
0xb8: {  	_ =	strace $0x90000048  }
0xb9: {  	_ =	sfence  }
0xba: {  	s30 =	sld [smem:$0x0];
	_ =	sdelay $0x2  }
0xbb: {  	s31 =	sshll.u32 s1, $0xD;
	s1 =	sshrl.u32 s1, $0x2  }
0xbc: {  	s3 =	sand.u32 $0x4000, s31;
	s1 =	sadd.s32 s1, s30  }
0xbd: {  	s0 =	sor.u32 s3, s0;
	s1 =	sshll.u32 s1, $0x11  }
0xbe: {  	s0 =	sor.u32 s1, s0  }
0xbf: {  	s0 =	sadd.s32 $0x8F2B, s0  }
0xc0: {  	[sflag:s0] =	ssyncadd.remote.s32 $0x1  }
0xc1: {  	_ =	sfence.sel $0xFFFF  }
0xc2: {  	[dreg:$0x0] =	wrdreg $0xFFFFFFFF;
	(pc) =	sbr.abs _section_cstart, $3  }
0xc3: {  	[dreg:$0x1] =	wrdreg $0xFFFFFFFF  }
0xc4: {  	_ =	task.clear_ibuf [dreg:s8], $0x2FFFF;
	_ =	strace $0x9FFFFFFF  }
0xc5: {  	(tm) =	ssettm $0x7FFFFFFF  }
tec
execute0_lowered:
.L_overlay_start_1:
0x0: {  	(tag) =	ssettag $0x1  }
0x1: {  	s4 =	rddreg [dreg:$0x1];
	s2 =	srdreg.scid  }
0x2: {  	s0 =	stileid.u32;
	s1 =	rddreg [dreg:$0x2];
	s30 =	simm.s32 $0x13  }
0x3: {  	s31 =	simm.s32 $0x16;
	s29 =	simm.s32 $0x17;
	s15 =	smul.u32 $0xC8000, s0  }
0x4: {  	s5 =	sand.u32 $0x1, s2;
	s3 =	sshll.u32 s0, $0x1;
	s20 =	smul.u32 $0x640000, s0  }
0x5: {  	s2 =	rddreg [dreg:$0x3];
	p0 =	sne.s32 s0, $0x0;
	s18 =	smul.u32 $0x64000, s5  }
0x6: {  	s6 =	sor.u32 s5, s3;
	s8 =	ssub.s32 $0x2, s5;
	s5 =	smul.u32 $0x320000, s5  }
0x7: {  	s0 =	simm.s32 $0x18;
	s3 =	simm.s32 $0x0;
	s9 =	smul.u32 $0x64000, s6  }
0x8: {  	s7 =	smul.u32 $0x6400, s6;
	[smem:$0x7FF] =	sst s3;
	s10 =	sshrl.u32 s8, $0x1  }
0x9: {  	s6 =	smul.u32 $0x320000, s6;
	_ =	strace $0x80000047;
	s28 =	sadd.s32 s1, s9  }
0xa: {  	s5 =	sadd.s32 s5, s20;
	s12 =	sadd.s32 $0x400, s28;
	[dreg:$0x11] =	wrdreg s28  }
0xb: {  	s7 =	sshrl.u32 s7, $0x3;
	s13 =	sadd.s32 $0x800, s28;
	[dreg:$0x13] =	wrdreg s12  }
0xc: {  	s6 =	sshrl.u32 s6, $0x3;
	s14 =	sadd.s32 $0xC00, s28;
	[dreg:$0x14] =	wrdreg s13  }
0xd: {  	s23 =	sor.u32 $0x1E000, s5;
	s16 =	sadd.s32 $0x1000, s28;
	[dreg:$0x15] =	wrdreg s14  }
0xe: {  	s25 =	sor.u32 $0x1C000, s5;
	s17 =	sadd.s32 $0x1400, s28;
	[dreg:$0x16] =	wrdreg s16  }
0xf: {  	s7 =	sadd.s32 s7, s4;
	s9 =	sadd.s32 $0x1800, s28;
	[dreg:$0x17] =	wrdreg s17  }
0x10: {  	s4 =	ssub.s32 s8, s10;
	s19 =	sadd.s32 $0x1C00, s28;
	[dreg:$0x18] =	wrdreg s9  }
0x11: {  	s11 =	sadd.s32 $0x2000, s28;
	s21 =	sadd.s32 $0x2400, s28;
	[dreg:$0x19] =	wrdreg s19  }
0x12: {  	s22 =	sadd.s32 $0x2800, s28;
	s10 =	sadd.s32 $0x2C00, s28;
	[dreg:$0x1a] =	wrdreg s11  }
0x13: {  	s6 =	sadd.s32 s1, s6;
	s24 =	sshrl.u32 s23, $0x3;
	[dreg:$0x1b] =	wrdreg s21  }
0x14: {  	s8 =	sshrl.u32 s25, $0x3;
	s25 =	sadd.s32 $0x20000, s5;
	[dreg:$0x1c] =	wrdreg s22  }
0x15: {  	s7 =	sadd.s32 $0x400, s7;
	[dreg:$0x1d] =	wrdreg s10;
	s9 =	sadd.s32 $0x2E000, s5  }
0x16: {  	s26 =	sadd.s32 s8, s1;
	s11 =	sadd.s32 $0x2A000, s5;
	s12 =	sadd.s32 $0x28000, s5  }
0x17: {  	s16 =	sadd.s32 $0x26000, s5;
	s19 =	sadd.s32 $0x22000, s5;
	s22 =	sadd.s32 $0x63000, s6  }
0x18: {  	s4 =	smax.u32 s4, $0x1;
	[dreg:$0x12] =	wrdreg s7;
	s7 =	sadd.s32 s15, s1  }
0x19: {  	s28 =	sshrl.u32 s9, $0x3;
	[dreg:$0x7] =	wrdreg s26;
	s9 =	sadd.s32 $0x2C000, s5  }
0x1a: {  	s14 =	sshrl.u32 s12, $0x3;
	s17 =	sshrl.u32 s16, $0x3;
	[dreg:$0x1e] =	wrdreg s22  }
0x1b: {  	s21 =	sshrl.u32 s19, $0x3;
	s26 =	sadd.s32 $0x63800, s6;
	[smem:$0x7FD] =	sst s4  }
0x1c: {  	s12 =	simm.s32 $0x16C18;
	s4 =	simm.s32 $0x0;
	s19 =	simm.s32 $0x6  }
0x1d: {  	s22 =	simm.s32 $0x7;
	s7 =	sadd.s32 s18, s7;
	s8 =	sadd.s32 s28, s1  }
0x1e: {  	s10 =	sshrl.u32 s9, $0x3;
	s15 =	sadd.s32 s14, s1;
	s18 =	sadd.s32 $0x24000, s5  }
0x1f: {  	s23 =	sadd.s32 s21, s1;
	[smem:$0x7FB] =	sst s26;
	s5 =	sor.u32 $0x1A000, s5  }
0x20: {  	s14 =	simm.s32 $0x14C18;
	s26 =	simm.s32 $0x15;
	[dreg:$0x8] =	wrdreg s8  }
0x21: {  	s21 =	simm.s32 $0x9;
	s7 =	sadd.s32 $0x3000, s7;
	[dreg:$0xb] =	wrdreg s15  }
0x22: {  	s8 =	sshrl.u32 s11, $0x3;
	[dreg:$0xe] =	wrdreg s23;
	s5 =	sshrl.u32 s5, $0x3  }
0x23: {  	s11 =	simm.s32 $0x12C18;
	[dreg:$0x5] =	wrdreg s7;
	s7 =	sadd.s32 s24, s1  }
0x24: {  	s15 =	simm.s32 $0x18C18;
	s13 =	sadd.s32 s8, s1;
	[dreg:$0x6] =	wrdreg s7  }
0x25: {  	s23 =	simm.s32 $0xB;
	s24 =	sadd.s32 $0x63400, s6;
	[dreg:$0xa] =	wrdreg s13  }
0x26: {  	s8 =	sshrl.u32 s18, $0x3;
	s6 =	sadd.s32 $0x63C00, s6;
	[dreg:$0x1f] =	wrdreg s24  }
0x27: {  	s7 =	sadd.s32 s10, s1;
	s20 =	sadd.s32 s8, s1;
	[smem:$0x7FC] =	sst s6  }
0x28: {  	s24 =	simm.s32 $0x40;
	[dreg:$0x9] =	wrdreg s7;
	s7 =	sadd.s32 s17, s1  }
0x29: {  	s10 =	simm.s32 $0xEC18;
	[dreg:$0xc] =	wrdreg s7;
	s7 =	sshrl.u32 s25, $0x3  }
0x2a: {  	s13 =	simm.s32 $0x10C18;
	[dreg:$0xd] =	wrdreg s20;
	s28 =	sadd.s32 s7, s1  }
0x2b: {  	s20 =	simm.s32 $0x8;
	s1 =	sadd.s32 s5, s1;
	[dreg:$0xf] =	wrdreg s28  }
0x2c: {  	s25 =	simm.s32 $0xC;
	[dreg:$0x10] =	wrdreg s1;
	s1 =	simm.s32 $0x14  }
.LBB2_1:
0x2d: {  	[smem:$0x7FA] =	sst s4  }
0x2e: {  	s5 =	sshrl.u32 @!p0 s2, $0x3;
	s6 =	simm.s32 @!p0 $0x1C19;
	s7 =	rddreg [dreg:$0x0]  }
0x2f: {  	[spmem:s5], [sflag:s6] =	dma.local @!p0 [hbm:s7], $0x1030  }
0x30: {  	s5 =	simm.s32 @!p0 $0x19  }
0x31: {  	_ =	swait.ge @!p0 [sflag:s5], $0x1030  }
0x32: {  	s28 =	simm.s32 $0x818;
	[sflag:s5] =	ssyncset.done @!p0 $0x0  }
0x33: {  	s4 =	simm.s32 $0x19;
	s18 =	rddreg [dreg:$0x12];
	[sflag:s5] =	ssyncadd.s32 @!p0 $0xFFFFEFD0  }
0x34: {  	[tilespmem:s28], [sflag:$0x19] =	stream.linear.gather [hbm4b:s18+s3], $0x6400, $0x38;
	[tilespmem:$0x1EC18] =	vst v63  }
0x35: {  	_ =	swait.ge [sflag:s4], $0x6400  }
0x36: {  	[sflag:s4] =	ssyncset.done $0x0  }
0x37: {  	[sflag:s4] =	ssyncadd.s32 $0xFFFF9C00  }
0x38: {  	s16 =	simm.s32 $0x6C18;
	[bflag:$0x0] =	sbarrier.arrive $0xFFFF  }
0x39: {  	[tilespmem:s16], [sflag:$0x1] =	stream.indirect.gather [spmem:s2], $0x80, s28, s24, $0xb8;
	[tilespmem:$0x1EC18] =	vst v63  }
0x3a: {  	s8 =	simm.s32 $0x8C18;
	s7 =	simm.s32 $0x858  }
0x3b: {  	[tilespmem:s8], [sflag:$0x2] =	stream.indirect.gather [spmem:s2], $0x80, s7, s24, $0xb8;
	[tilespmem:$0x1EC18] =	vst v63  }
0x3c: {  	s9 =	simm.s32 $0x898;
	s17 =	simm.s32 $0xAC18  }
0x3d: {  	[tilespmem:s17], [sflag:$0x3] =	stream.indirect.gather [spmem:s2], $0x80, s9, s24, $0xb8;
	[tilespmem:$0x1EC18] =	vst v63  }
0x3e: {  	s18 =	simm.s32 $0x8D8;
	s28 =	simm.s32 $0xCC18  }
0x3f: {  	[tilespmem:s28], [sflag:$0x4] =	stream.indirect.gather [spmem:s2], $0x80, s18, s24, $0xb8;
	[tilespmem:$0x1EC18] =	vst v63  }
0x40: {  	s6 =	simm.s32 $0x918  }
0x41: {  	[tilespmem:s10], [sflag:$0x5] =	stream.indirect.gather [spmem:s2], $0x80, s6, s24, $0xb8;
	[tilespmem:$0x1EC18] =	vst v63  }
0x42: {  	s7 =	simm.s32 $0x958  }
0x43: {  	[tilespmem:s13], [sflag:$0x6] =	stream.indirect.gather [spmem:s2], $0x80, s7, s24, $0xb8;
	[tilespmem:$0x1EC18] =	vst v63  }
0x44: {  	s17 =	simm.s32 $0x998  }
0x45: {  	[tilespmem:s11], [sflag:$0x7] =	stream.indirect.gather [spmem:s2], $0x80, s17, s24, $0xb8;
	[tilespmem:$0x1EC18] =	vst v63  }
0x46: {  	s18 =	simm.s32 $0x9D8  }
0x47: {  	[tilespmem:s14], [sflag:$0x8] =	stream.indirect.gather [spmem:s2], $0x80, s18, s24, $0xb8;
	[tilespmem:$0x1EC18] =	vst v63  }
0x48: {  	s28 =	simm.s32 $0xA18  }
0x49: {  	[tilespmem:s12], [sflag:$0x9] =	stream.indirect.gather [spmem:s2], $0x80, s28, s24, $0xb8;
	[tilespmem:$0x1EC18] =	vst v63  }
0x4a: {  	s6 =	simm.s32 $0xA58  }
0x4b: {  	[tilespmem:s15], [sflag:$0xA] =	stream.indirect.gather [spmem:s2], $0x80, s6, s24, $0xb8;
	[tilespmem:$0x1EC18] =	vst v63  }
0x4c: {  	s7 =	simm.s32 $0xA98;
	s17 =	simm.s32 $0x1AC18  }
0x4d: {  	[tilespmem:s17], [sflag:$0xB] =	stream.indirect.gather [spmem:s2], $0x80, s7, s24, $0xb8;
	[tilespmem:$0x1EC18] =	vst v63  }
0x4e: {  	s18 =	simm.s32 $0xAD8;
	s28 =	simm.s32 $0x1CC18;
	s17 =	simm.s32 $0x1  }
0x4f: {  	[tilespmem:s28], [sflag:$0xC] =	stream.indirect.gather [spmem:s2], $0x80, s18, s24, $0xb8;
	[tilespmem:$0x1EC18] =	vst v63  }
0x50: {  	_ =	swait.ge [sflag:s17], $0x2000  }
0x51: {  	[sflag:s17] =	ssyncset.done $0x0  }
0x52: {  	s7 =	rddreg [dreg:$0x11];
	[sflag:s17] =	ssyncadd.s32 $0xFFFFE000  }
0x53: {  	[hbm4b:s7+s3] =	stream.linear.scatter [tilespmem:s16], [sflag:$0xD], $0x2000, $0x38;
	[tilespmem:$0x1EC18] =	vst v63  }
0x54: {  	s7 =	simm.s32 $0x2  }
0x55: {  	_ =	swait.ge [sflag:s7], $0x2000  }
0x56: {  	[sflag:s7] =	ssyncset.done $0x0  }
0x57: {  	s8 =	simm.s32 $0x8C18;
	s18 =	rddreg [dreg:$0x13];
	[sflag:s7] =	ssyncadd.s32 $0xFFFFE000  }
0x58: {  	[hbm4b:s18+s3] =	stream.linear.scatter [tilespmem:s8], [sflag:$0xE], $0x2000, $0x38;
	[tilespmem:$0x1EC18] =	vst v63  }
0x59: {  	s8 =	simm.s32 $0x3  }
0x5a: {  	_ =	swait.ge [sflag:s8], $0x2000  }
0x5b: {  	[sflag:s8] =	ssyncset.done $0x0  }
0x5c: {  	s9 =	simm.s32 $0xAC18;
	s18 =	rddreg [dreg:$0x14];
	[sflag:s8] =	ssyncadd.s32 $0xFFFFE000  }
0x5d: {  	[hbm4b:s18+s3] =	stream.linear.scatter [tilespmem:s9], [sflag:$0xF], $0x2000, $0x38;
	[tilespmem:$0x1EC18] =	vst v63  }
0x5e: {  	s9 =	simm.s32 $0x4  }
0x5f: {  	_ =	swait.ge [sflag:s9], $0x2000  }
0x60: {  	[sflag:s9] =	ssyncset.done $0x0  }
0x61: {  	s4 =	simm.s32 $0xCC18;
	s18 =	rddreg [dreg:$0x15];
	[sflag:s9] =	ssyncadd.s32 $0xFFFFE000  }
0x62: {  	[hbm4b:s18+s3] =	stream.linear.scatter [tilespmem:s4], [sflag:$0x10], $0x2000, $0x38;
	[tilespmem:$0x1EC18] =	vst v63  }
0x63: {  	s18 =	simm.s32 $0x5  }
0x64: {  	_ =	swait.ge [sflag:s18], $0x2000  }
0x65: {  	[sflag:s18] =	ssyncset.done $0x0  }
0x66: {  	s4 =	rddreg [dreg:$0x16];
	[sflag:s18] =	ssyncadd.s32 $0xFFFFE000  }
0x67: {  	[hbm4b:s4+s3] =	stream.linear.scatter [tilespmem:s10], [sflag:$0x11], $0x2000, $0x38;
	[tilespmem:$0x1EC18] =	vst v63  }
0x68: {  	_ =	swait.ge [sflag:s19], $0x2000  }
0x69: {  	[sflag:s19] =	ssyncset.done $0x0  }
0x6a: {  	s4 =	rddreg [dreg:$0x17];
	[sflag:s19] =	ssyncadd.s32 $0xFFFFE000  }
0x6b: {  	[hbm4b:s4+s3] =	stream.linear.scatter [tilespmem:s13], [sflag:$0x12], $0x2000, $0x38;
	[tilespmem:$0x1EC18] =	vst v63  }
0x6c: {  	_ =	swait.ge [sflag:s22], $0x2000  }
0x6d: {  	[sflag:s22] =	ssyncset.done $0x0  }
0x6e: {  	s4 =	rddreg [dreg:$0x18];
	[sflag:s22] =	ssyncadd.s32 $0xFFFFE000  }
0x6f: {  	[hbm4b:s4+s3] =	stream.linear.scatter [tilespmem:s11], [sflag:$0x13], $0x2000, $0x38;
	[tilespmem:$0x1EC18] =	vst v63  }
0x70: {  	_ =	swait.ge [sflag:s20], $0x2000  }
0x71: {  	[sflag:s20] =	ssyncset.done $0x0  }
0x72: {  	s4 =	rddreg [dreg:$0x19];
	[sflag:s20] =	ssyncadd.s32 $0xFFFFE000  }
0x73: {  	[hbm4b:s4+s3] =	stream.linear.scatter [tilespmem:s14], [sflag:$0x14], $0x2000, $0x38;
	[tilespmem:$0x1EC18] =	vst v63  }
0x74: {  	_ =	swait.ge [sflag:s21], $0x2000  }
0x75: {  	[sflag:s21] =	ssyncset.done $0x0  }
0x76: {  	s4 =	rddreg [dreg:$0x1a];
	[sflag:s21] =	ssyncadd.s32 $0xFFFFE000  }
0x77: {  	[hbm4b:s4+s3] =	stream.linear.scatter [tilespmem:s12], [sflag:$0x15], $0x2000, $0x38;
	[tilespmem:$0x1EC18] =	vst v63  }
0x78: {  	s4 =	simm.s32 $0xA  }
0x79: {  	_ =	swait.ge [sflag:s4], $0x2000  }
0x7a: {  	[sflag:s4] =	ssyncset.done $0x0  }
0x7b: {  	s5 =	rddreg [dreg:$0x1b];
	[sflag:s4] =	ssyncadd.s32 $0xFFFFE000  }
0x7c: {  	[hbm4b:s5+s3] =	stream.linear.scatter [tilespmem:s15], [sflag:$0x16], $0x2000, $0x38;
	[tilespmem:$0x1EC18] =	vst v63  }
0x7d: {  	_ =	swait.ge [sflag:s23], $0x2000  }
0x7e: {  	[sflag:s23] =	ssyncset.done $0x0  }
0x7f: {  	s6 =	simm.s32 $0x1AC18;
	s5 =	rddreg [dreg:$0x1c];
	[sflag:s23] =	ssyncadd.s32 $0xFFFFE000  }
0x80: {  	[hbm4b:s5+s3] =	stream.linear.scatter [tilespmem:s6], [sflag:$0x17], $0x2000, $0x38;
	[tilespmem:$0x1EC18] =	vst v63  }
0x81: {  	_ =	swait.ge [sflag:s25], $0x2000  }
0x82: {  	s28 =	simm.s32 $0x1CC18;
	[sflag:s25] =	ssyncset.done $0x0  }
0x83: {  	s5 =	simm.s32 $0xD;
	s6 =	rddreg [dreg:$0x1d];
	[sflag:s25] =	ssyncadd.s32 $0xFFFFE000  }
0x84: {  	[hbm4b:s6+s3] =	stream.linear.scatter [tilespmem:s28], [sflag:$0x18], $0x2000, $0x38;
	[tilespmem:$0x1EC18] =	vst v63  }
0x85: {  	_ =	swait.ge [sflag:s5], $0x2000  }
0x86: {  	[sflag:s5] =	ssyncset.done $0x0  }
0x87: {  	s6 =	simm.s32 $0xB18;
	[sflag:s5] =	ssyncadd.s32 $0xFFFFE000  }
0x88: {  	[tilespmem:s16], [sflag:$0x1] =	stream.indirect.gather [spmem:s2], $0x80, s6, s24, $0xb8;
	[tilespmem:$0x1EC18] =	vst v63  }
0x89: {  	s6 =	simm.s32 $0xE  }
0x8a: {  	_ =	swait.ge [sflag:s6], $0x2000  }
0x8b: {  	[sflag:s6] =	ssyncset.done $0x0  }
0x8c: {  	s5 =	simm.s32 $0xB58;
	[sflag:s6] =	ssyncadd.s32 $0xFFFFE000;
	s6 =	simm.s32 $0x8C18  }
0x8d: {  	[tilespmem:s6], [sflag:$0x2] =	stream.indirect.gather [spmem:s2], $0x80, s5, s24, $0xb8;
	[tilespmem:$0x1EC18] =	vst v63  }
0x8e: {  	s6 =	simm.s32 $0xF  }
0x8f: {  	_ =	swait.ge [sflag:s6], $0x2000  }
0x90: {  	[sflag:s6] =	ssyncset.done $0x0  }
0x91: {  	s5 =	simm.s32 $0xB98;
	[sflag:s6] =	ssyncadd.s32 $0xFFFFE000;
	s6 =	simm.s32 $0xAC18  }
0x92: {  	[tilespmem:s6], [sflag:$0x3] =	stream.indirect.gather [spmem:s2], $0x80, s5, s24, $0xb8;
	[tilespmem:$0x1EC18] =	vst v63  }
0x93: {  	s6 =	simm.s32 $0x10  }
0x94: {  	_ =	swait.ge [sflag:s6], $0x2000  }
0x95: {  	[sflag:s6] =	ssyncset.done $0x0  }
0x96: {  	s5 =	simm.s32 $0xBD8;
	[sflag:s6] =	ssyncadd.s32 $0xFFFFE000;
	s6 =	simm.s32 $0xCC18  }
0x97: {  	[tilespmem:s6], [sflag:$0x4] =	stream.indirect.gather [spmem:s2], $0x80, s5, s24, $0xb8;
	[tilespmem:$0x1EC18] =	vst v63  }
0x98: {  	s6 =	simm.s32 $0x11  }
0x99: {  	_ =	swait.ge [sflag:s6], $0x2000  }
0x9a: {  	[sflag:s6] =	ssyncset.done $0x0  }
0x9b: {  	[sflag:s6] =	ssyncadd.s32 $0xFFFFE000;
	s6 =	simm.s32 $0xC18  }
0x9c: {  	[tilespmem:s10], [sflag:$0x5] =	stream.indirect.gather [spmem:s2], $0x80, s6, s24, $0xb8;
	[tilespmem:$0x1EC18] =	vst v63  }
0x9d: {  	s6 =	simm.s32 $0x12  }
0x9e: {  	_ =	swait.ge [sflag:s6], $0x2000  }
0x9f: {  	[sflag:s6] =	ssyncset.done $0x0  }
0xa0: {  	[sflag:s6] =	ssyncadd.s32 $0xFFFFE000;
	s6 =	simm.s32 $0xC58  }
0xa1: {  	[tilespmem:s13], [sflag:$0x6] =	stream.indirect.gather [spmem:s2], $0x80, s6, s24, $0xb8;
	[tilespmem:$0x1EC18] =	vst v63  }
0xa2: {  	_ =	swait.ge [sflag:s30], $0x2000  }
0xa3: {  	[sflag:s30] =	ssyncset.done $0x0  }
0xa4: {  	s6 =	simm.s32 $0xC98;
	[sflag:s30] =	ssyncadd.s32 $0xFFFFE000  }
0xa5: {  	[tilespmem:s11], [sflag:$0x7] =	stream.indirect.gather [spmem:s2], $0x80, s6, s24, $0xb8;
	[tilespmem:$0x1EC18] =	vst v63  }
0xa6: {  	_ =	swait.ge [sflag:s1], $0x2000  }
0xa7: {  	[sflag:s1] =	ssyncset.done $0x0  }
0xa8: {  	s6 =	simm.s32 $0xCD8;
	[sflag:s1] =	ssyncadd.s32 $0xFFFFE000  }
0xa9: {  	[tilespmem:s14], [sflag:$0x8] =	stream.indirect.gather [spmem:s2], $0x80, s6, s24, $0xb8;
	[tilespmem:$0x1EC18] =	vst v63  }
0xaa: {  	_ =	swait.ge [sflag:s26], $0x2000  }
0xab: {  	[sflag:s26] =	ssyncset.done $0x0  }
0xac: {  	s6 =	simm.s32 $0xD18;
	[sflag:s26] =	ssyncadd.s32 $0xFFFFE000  }
0xad: {  	[tilespmem:s12], [sflag:$0x9] =	stream.indirect.gather [spmem:s2], $0x80, s6, s24, $0xb8;
	[tilespmem:$0x1EC18] =	vst v63  }
0xae: {  	_ =	swait.ge [sflag:s31], $0x2000  }
0xaf: {  	[sflag:s31] =	ssyncset.done $0x0  }
0xb0: {  	s6 =	simm.s32 $0xD58;
	[sflag:s31] =	ssyncadd.s32 $0xFFFFE000  }
0xb1: {  	[tilespmem:s15], [sflag:$0xA] =	stream.indirect.gather [spmem:s2], $0x80, s6, s24, $0xb8;
	[tilespmem:$0x1EC18] =	vst v63  }
0xb2: {  	_ =	swait.ge [sflag:s29], $0x2000  }
0xb3: {  	[sflag:s29] =	ssyncset.done $0x0  }
0xb4: {  	s5 =	simm.s32 $0xD98;
	s6 =	simm.s32 $0x1AC18;
	[sflag:s29] =	ssyncadd.s32 $0xFFFFE000  }
0xb5: {  	[tilespmem:s6], [sflag:$0xB] =	stream.indirect.gather [spmem:s2], $0x80, s5, s24, $0xb8;
	[tilespmem:$0x1EC18] =	vst v63  }
0xb6: {  	_ =	swait.ge [sflag:s0], $0x2000  }
0xb7: {  	[sflag:s0] =	ssyncset.done $0x0  }
0xb8: {  	s28 =	simm.s32 $0x1CC18;
	s5 =	simm.s32 $0xDD8;
	[sflag:s0] =	ssyncadd.s32 $0xFFFFE000  }
0xb9: {  	[tilespmem:s28], [sflag:$0xC] =	stream.indirect.gather [spmem:s2], $0x80, s5, s24, $0xb8;
	[tilespmem:$0x1EC18] =	vst v63  }
0xba: {  	_ =	swait.ge [sflag:s17], $0x2000  }
0xbb: {  	s28 =	rddreg [dreg:$0x5];
	[sflag:s17] =	ssyncset.done $0x0  }
0xbc: {  	[sflag:s17] =	ssyncadd.s32 $0xFFFFE000;
	s5 =	sadd.s32 $0x0, s28  }
0xbd: {  	[hbm4b:s5+s3] =	stream.linear.scatter [tilespmem:s16], [sflag:$0xD], $0x2000, $0x38;
	[tilespmem:$0x1EC18] =	vst v63  }
0xbe: {  	_ =	swait.ge [sflag:s7], $0x2000  }
0xbf: {  	s17 =	rddreg [dreg:$0x10];
	[sflag:s7] =	ssyncset.done $0x0  }
0xc0: {  	s28 =	simm.s32 $0x8C18;
	[sflag:s7] =	ssyncadd.s32 $0xFFFFE000;
	s5 =	sadd.s32 $0x0, s17  }
0xc1: {  	[hbm4b:s5+s3] =	stream.linear.scatter [tilespmem:s28], [sflag:$0xE], $0x2000, $0x38;
	[tilespmem:$0x1EC18] =	vst v63  }
0xc2: {  	_ =	swait.ge [sflag:s8], $0x2000  }
0xc3: {  	s7 =	rddreg [dreg:$0x7];
	[sflag:s8] =	ssyncset.done $0x0  }
0xc4: {  	s16 =	simm.s32 $0xAC18;
	[sflag:s8] =	ssyncadd.s32 $0xFFFFE000;
	s5 =	sadd.s32 $0x0, s7  }
0xc5: {  	[hbm4b:s5+s3] =	stream.linear.scatter [tilespmem:s16], [sflag:$0xF], $0x2000, $0x38;
	[tilespmem:$0x1EC18] =	vst v63  }
0xc6: {  	_ =	swait.ge [sflag:s9], $0x2000  }
0xc7: {  	s17 =	rddreg [dreg:$0x6];
	[sflag:s9] =	ssyncset.done $0x0  }
0xc8: {  	s28 =	simm.s32 $0xCC18;
	[sflag:s9] =	ssyncadd.s32 $0xFFFFE000;
	s5 =	sadd.s32 $0x0, s17  }
0xc9: {  	[hbm4b:s5+s3] =	stream.linear.scatter [tilespmem:s28], [sflag:$0x10], $0x2000, $0x38;
	[tilespmem:$0x1EC18] =	vst v63  }
0xca: {  	_ =	swait.ge [sflag:s18], $0x2000  }
0xcb: {  	s8 =	rddreg [dreg:$0xf];
	[sflag:s18] =	ssyncset.done $0x0  }
0xcc: {  	[sflag:s18] =	ssyncadd.s32 $0xFFFFE000;
	s5 =	sadd.s32 $0x0, s8  }
0xcd: {  	[hbm4b:s5+s3] =	stream.linear.scatter [tilespmem:s10], [sflag:$0x11], $0x2000, $0x38;
	[tilespmem:$0x1EC18] =	vst v63  }
0xce: {  	_ =	swait.ge [sflag:s19], $0x2000  }
0xcf: {  	s9 =	rddreg [dreg:$0xe];
	[sflag:s19] =	ssyncset.done $0x0  }
0xd0: {  	[sflag:s19] =	ssyncadd.s32 $0xFFFFE000;
	s5 =	sadd.s32 $0x0, s9  }
0xd1: {  	[hbm4b:s5+s3] =	stream.linear.scatter [tilespmem:s13], [sflag:$0x12], $0x2000, $0x38;
	[tilespmem:$0x1EC18] =	vst v63  }
0xd2: {  	_ =	swait.ge [sflag:s22], $0x2000  }
0xd3: {  	s10 =	rddreg [dreg:$0xd];
	[sflag:s22] =	ssyncset.done $0x0  }
0xd4: {  	[sflag:s22] =	ssyncadd.s32 $0xFFFFE000;
	s5 =	sadd.s32 $0x0, s10  }
0xd5: {  	[hbm4b:s5+s3] =	stream.linear.scatter [tilespmem:s11], [sflag:$0x13], $0x2000, $0x38;
	[tilespmem:$0x1EC18] =	vst v63  }
0xd6: {  	_ =	swait.ge [sflag:s20], $0x2000  }
0xd7: {  	s13 =	rddreg [dreg:$0xc];
	[sflag:s20] =	ssyncset.done $0x0  }
0xd8: {  	[sflag:s20] =	ssyncadd.s32 $0xFFFFE000;
	s5 =	sadd.s32 $0x0, s13  }
0xd9: {  	[hbm4b:s5+s3] =	stream.linear.scatter [tilespmem:s14], [sflag:$0x14], $0x2000, $0x38;
	[tilespmem:$0x1EC18] =	vst v63  }
0xda: {  	_ =	swait.ge [sflag:s21], $0x2000  }
0xdb: {  	s14 =	rddreg [dreg:$0xb];
	[sflag:s21] =	ssyncset.done $0x0  }
0xdc: {  	[sflag:s21] =	ssyncadd.s32 $0xFFFFE000;
	s5 =	sadd.s32 $0x0, s14  }
0xdd: {  	[hbm4b:s5+s3] =	stream.linear.scatter [tilespmem:s12], [sflag:$0x15], $0x2000, $0x38;
	[tilespmem:$0x1EC18] =	vst v63  }
0xde: {  	_ =	swait.ge [sflag:s4], $0x2000  }
0xdf: {  	s16 =	rddreg [dreg:$0xa];
	[sflag:s4] =	ssyncset.done $0x0  }
0xe0: {  	[sflag:s4] =	ssyncadd.s32 $0xFFFFE000;
	s5 =	sadd.s32 $0x0, s16  }
0xe1: {  	[hbm4b:s5+s3] =	stream.linear.scatter [tilespmem:s15], [sflag:$0x16], $0x2000, $0x38;
	[tilespmem:$0x1EC18] =	vst v63  }
0xe2: {  	_ =	swait.ge [sflag:s23], $0x2000  }
0xe3: {  	s17 =	rddreg [dreg:$0x9];
	[sflag:s23] =	ssyncset.done $0x0  }
0xe4: {  	[sflag:s23] =	ssyncadd.s32 $0xFFFFE000;
	s5 =	sadd.s32 $0x0, s17  }
0xe5: {  	[hbm4b:s5+s3] =	stream.linear.scatter [tilespmem:s6], [sflag:$0x17], $0x2000, $0x38;
	[tilespmem:$0x1EC18] =	vst v63  }
0xe6: {  	_ =	swait.ge [sflag:s25], $0x2000  }
0xe7: {  	s5 =	simm.s32 $0x3000;
	s28 =	rddreg [dreg:$0x8];
	[sflag:s25] =	ssyncset.done $0x0  }
0xe8: {  	s6 =	simm.s32 $0xE18;
	[sflag:s25] =	ssyncadd.s32 $0xFFFFE000;
	s7 =	sadd.s32 $0x0, s28  }
.LBB2_2:
0xe9: {  	s17 =	simm.s32 $0x1CC18;
	s8 =	simm.s32 $0xD  }
0xea: {  	[hbm4b:s7+s3] =	stream.linear.scatter [tilespmem:s17], [sflag:$0x18], $0x2000, $0x38;
	[tilespmem:$0x1EC18] =	vst v63  }
0xeb: {  	_ =	swait.ge [sflag:s8], $0x2000  }
0xec: {  	[sflag:s8] =	ssyncset.done $0x0  }
0xed: {  	s9 =	simm.s32 $0x6C18;
	s11 =	simm.s32 $0xE;
	[sflag:s8] =	ssyncadd.s32 $0xFFFFE000  }
0xee: {  	[tilespmem:s9], [sflag:$0x1] =	stream.indirect.gather [spmem:s2], $0x80, s6, s24, $0xb8;
	[tilespmem:$0x1EC18] =	vst v63  }
0xef: {  	_ =	swait.ge [sflag:s11], $0x2000  }
0xf0: {  	s12 =	sadd.s32 $0x40, s6;
	[sflag:s11] =	ssyncset.done $0x0  }
0xf1: {  	s10 =	simm.s32 $0x8C18;
	s14 =	simm.s32 $0xF;
	[sflag:s11] =	ssyncadd.s32 $0xFFFFE000  }
0xf2: {  	[tilespmem:s10], [sflag:$0x2] =	stream.indirect.gather [spmem:s2], $0x80, s12, s24, $0xb8;
	[tilespmem:$0x1EC18] =	vst v63  }
0xf3: {  	_ =	swait.ge [sflag:s14], $0x2000  }
0xf4: {  	s15 =	sadd.s32 $0x80, s6;
	[sflag:s14] =	ssyncset.done $0x0  }
0xf5: {  	s16 =	simm.s32 $0x10;
	s11 =	simm.s32 $0xAC18;
	[sflag:s14] =	ssyncadd.s32 $0xFFFFE000  }
0xf6: {  	[tilespmem:s11], [sflag:$0x3] =	stream.indirect.gather [spmem:s2], $0x80, s15, s24, $0xb8;
	[tilespmem:$0x1EC18] =	vst v63  }
0xf7: {  	_ =	swait.ge [sflag:s16], $0x2000  }
0xf8: {  	s28 =	sadd.s32 $0xC0, s6;
	[sflag:s16] =	ssyncset.done $0x0  }
0xf9: {  	s12 =	simm.s32 $0xCC18;
	[sflag:s16] =	ssyncadd.s32 $0xFFFFE000;
	s16 =	simm.s32 $0x11  }
0xfa: {  	[tilespmem:s12], [sflag:$0x4] =	stream.indirect.gather [spmem:s2], $0x80, s28, s24, $0xb8;
	[tilespmem:$0x1EC18] =	vst v63  }
0xfb: {  	_ =	swait.ge [sflag:s16], $0x2000  }
0xfc: {  	s13 =	simm.s32 $0xEC18;
	[sflag:s16] =	ssyncset.done $0x0  }
0xfd: {  	s28 =	sadd.s32 $0x100, s6;
	[sflag:s16] =	ssyncadd.s32 $0xFFFFE000;
	s16 =	simm.s32 $0x12  }
0xfe: {  	[tilespmem:s13], [sflag:$0x5] =	stream.indirect.gather [spmem:s2], $0x80, s28, s24, $0xb8;
	[tilespmem:$0x1EC18] =	vst v63  }
0xff: {  	_ =	swait.ge [sflag:s16], $0x2000  }
0x100: {  	[sflag:s16] =	ssyncset.done $0x0  }
0x101: {  	s13 =	simm.s32 $0x10C18;
	s28 =	sadd.s32 $0x140, s6;
	[sflag:s16] =	ssyncadd.s32 $0xFFFFE000  }
0x102: {  	[tilespmem:s13], [sflag:$0x6] =	stream.indirect.gather [spmem:s2], $0x80, s28, s24, $0xb8;
	[tilespmem:$0x1EC18] =	vst v63  }
0x103: {  	_ =	swait.ge [sflag:s30], $0x2000  }
0x104: {  	[sflag:s30] =	ssyncset.done $0x0  }
0x105: {  	s14 =	simm.s32 $0x12C18;
	s16 =	sadd.s32 $0x180, s6;
	[sflag:s30] =	ssyncadd.s32 $0xFFFFE000  }
0x106: {  	[tilespmem:s14], [sflag:$0x7] =	stream.indirect.gather [spmem:s2], $0x80, s16, s24, $0xb8;
	[tilespmem:$0x1EC18] =	vst v63  }
0x107: {  	_ =	swait.ge [sflag:s1], $0x2000  }
0x108: {  	[sflag:s1] =	ssyncset.done $0x0  }
0x109: {  	s28 =	sadd.s32 $0x1C0, s6;
	s14 =	simm.s32 $0x14C18;
	[sflag:s1] =	ssyncadd.s32 $0xFFFFE000  }
0x10a: {  	[tilespmem:s14], [sflag:$0x8] =	stream.indirect.gather [spmem:s2], $0x80, s28, s24, $0xb8;
	[tilespmem:$0x1EC18] =	vst v63  }
0x10b: {  	_ =	swait.ge [sflag:s26], $0x2000  }
0x10c: {  	[sflag:s26] =	ssyncset.done $0x0  }
0x10d: {  	s15 =	simm.s32 $0x16C18;
	s16 =	sadd.s32 $0x200, s6;
	[sflag:s26] =	ssyncadd.s32 $0xFFFFE000  }
0x10e: {  	[tilespmem:s15], [sflag:$0x9] =	stream.indirect.gather [spmem:s2], $0x80, s16, s24, $0xb8;
	[tilespmem:$0x1EC18] =	vst v63  }
0x10f: {  	_ =	swait.ge [sflag:s31], $0x2000  }
0x110: {  	[sflag:s31] =	ssyncset.done $0x0  }
0x111: {  	s28 =	sadd.s32 $0x240, s6;
	s15 =	simm.s32 $0x18C18;
	[sflag:s31] =	ssyncadd.s32 $0xFFFFE000  }
0x112: {  	[tilespmem:s15], [sflag:$0xA] =	stream.indirect.gather [spmem:s2], $0x80, s28, s24, $0xb8;
	[tilespmem:$0x1EC18] =	vst v63  }
0x113: {  	_ =	swait.ge [sflag:s29], $0x2000  }
0x114: {  	[sflag:s29] =	ssyncset.done $0x0  }
0x115: {  	s16 =	sadd.s32 $0x280, s6;
	s28 =	simm.s32 $0x1AC18;
	[sflag:s29] =	ssyncadd.s32 $0xFFFFE000  }
0x116: {  	[tilespmem:s28], [sflag:$0xB] =	stream.indirect.gather [spmem:s2], $0x80, s16, s24, $0xb8;
	[tilespmem:$0x1EC18] =	vst v63  }
0x117: {  	_ =	swait.ge [sflag:s0], $0x2000  }
0x118: {  	[sflag:s0] =	ssyncset.done $0x0  }
0x119: {  	s8 =	sadd.s32 $0x2C0, s6;
	[sflag:s0] =	ssyncadd.s32 $0xFFFFE000  }
0x11a: {  	[tilespmem:s17], [sflag:$0xC] =	stream.indirect.gather [spmem:s2], $0x80, s8, s24, $0xb8;
	[tilespmem:$0x1EC18] =	vst v63  }
0x11b: {  	s17 =	simm.s32 $0x1  }
0x11c: {  	_ =	swait.ge [sflag:s17], $0x2000  }
0x11d: {  	s7 =	smov.u32 s5;
	s8 =	rddreg [dreg:$0x5];
	[sflag:s17] =	ssyncset.done $0x0  }
0x11e: {  	[sflag:s17] =	ssyncadd.s32 $0xFFFFE000;
	s8 =	sadd.s32 s7, s8  }
0x11f: {  	[hbm4b:s8+s3] =	stream.linear.scatter [tilespmem:s9], [sflag:$0xD], $0x2000, $0x38;
	[tilespmem:$0x1EC18] =	vst v63  }
0x120: {  	s8 =	simm.s32 $0x2  }
0x121: {  	_ =	swait.ge [sflag:s8], $0x2000  }
0x122: {  	s17 =	rddreg [dreg:$0x10];
	[sflag:s8] =	ssyncset.done $0x0  }
0x123: {  	[sflag:s8] =	ssyncadd.s32 $0xFFFFE000;
	s8 =	sadd.s32 s7, s17  }
0x124: {  	[hbm4b:s8+s3] =	stream.linear.scatter [tilespmem:s10], [sflag:$0xE], $0x2000, $0x38;
	[tilespmem:$0x1EC18] =	vst v63  }
0x125: {  	s8 =	simm.s32 $0x3  }
0x126: {  	_ =	swait.ge [sflag:s8], $0x2000  }
0x127: {  	s17 =	rddreg [dreg:$0x7];
	[sflag:s8] =	ssyncset.done $0x0  }
0x128: {  	[sflag:s8] =	ssyncadd.s32 $0xFFFFE000;
	s8 =	sadd.s32 s7, s17  }
0x129: {  	[hbm4b:s8+s3] =	stream.linear.scatter [tilespmem:s11], [sflag:$0xF], $0x2000, $0x38;
	[tilespmem:$0x1EC18] =	vst v63  }
0x12a: {  	s8 =	simm.s32 $0x4  }
0x12b: {  	_ =	swait.ge [sflag:s8], $0x2000  }
0x12c: {  	s17 =	rddreg [dreg:$0x6];
	[sflag:s8] =	ssyncset.done $0x0  }
0x12d: {  	[sflag:s8] =	ssyncadd.s32 $0xFFFFE000;
	s8 =	sadd.s32 s7, s17  }
0x12e: {  	[hbm4b:s8+s3] =	stream.linear.scatter [tilespmem:s12], [sflag:$0x10], $0x2000, $0x38;
	[tilespmem:$0x1EC18] =	vst v63  }
0x12f: {  	_ =	swait.ge [sflag:s18], $0x2000  }
0x130: {  	s17 =	rddreg [dreg:$0xf];
	[sflag:s18] =	ssyncset.done $0x0  }
0x131: {  	s10 =	simm.s32 $0xEC18;
	[sflag:s18] =	ssyncadd.s32 $0xFFFFE000;
	s8 =	sadd.s32 s7, s17  }
0x132: {  	[hbm4b:s8+s3] =	stream.linear.scatter [tilespmem:s10], [sflag:$0x11], $0x2000, $0x38;
	[tilespmem:$0x1EC18] =	vst v63  }
0x133: {  	_ =	swait.ge [sflag:s19], $0x2000  }
0x134: {  	s9 =	rddreg [dreg:$0xe];
	[sflag:s19] =	ssyncset.done $0x0  }
0x135: {  	[sflag:s19] =	ssyncadd.s32 $0xFFFFE000;
	s8 =	sadd.s32 s7, s9  }
0x136: {  	[hbm4b:s8+s3] =	stream.linear.scatter [tilespmem:s13], [sflag:$0x12], $0x2000, $0x38;
	[tilespmem:$0x1EC18] =	vst v63  }
0x137: {  	_ =	swait.ge [sflag:s22], $0x2000  }
0x138: {  	s17 =	rddreg [dreg:$0xd];
	[sflag:s22] =	ssyncset.done $0x0  }
0x139: {  	s11 =	simm.s32 $0x12C18;
	[sflag:s22] =	ssyncadd.s32 $0xFFFFE000;
	s8 =	sadd.s32 s7, s17  }
0x13a: {  	[hbm4b:s8+s3] =	stream.linear.scatter [tilespmem:s11], [sflag:$0x13], $0x2000, $0x38;
	[tilespmem:$0x1EC18] =	vst v63  }
0x13b: {  	_ =	swait.ge [sflag:s20], $0x2000  }
0x13c: {  	s9 =	rddreg [dreg:$0xc];
	[sflag:s20] =	ssyncset.done $0x0  }
0x13d: {  	[sflag:s20] =	ssyncadd.s32 $0xFFFFE000;
	s8 =	sadd.s32 s7, s9  }
0x13e: {  	[hbm4b:s8+s3] =	stream.linear.scatter [tilespmem:s14], [sflag:$0x14], $0x2000, $0x38;
	[tilespmem:$0x1EC18] =	vst v63  }
0x13f: {  	_ =	swait.ge [sflag:s21], $0x2000  }
0x140: {  	s17 =	rddreg [dreg:$0xb];
	[sflag:s21] =	ssyncset.done $0x0  }
0x141: {  	s12 =	simm.s32 $0x16C18;
	[sflag:s21] =	ssyncadd.s32 $0xFFFFE000;
	s8 =	sadd.s32 s7, s17  }
0x142: {  	[hbm4b:s8+s3] =	stream.linear.scatter [tilespmem:s12], [sflag:$0x15], $0x2000, $0x38;
	[tilespmem:$0x1EC18] =	vst v63  }
0x143: {  	_ =	swait.ge [sflag:s4], $0x2000  }
0x144: {  	s9 =	rddreg [dreg:$0xa];
	[sflag:s4] =	ssyncset.done $0x0  }
0x145: {  	[sflag:s4] =	ssyncadd.s32 $0xFFFFE000;
	s8 =	sadd.s32 s7, s9  }
0x146: {  	[hbm4b:s8+s3] =	stream.linear.scatter [tilespmem:s15], [sflag:$0x16], $0x2000, $0x38;
	[tilespmem:$0x1EC18] =	vst v63  }
0x147: {  	_ =	swait.ge [sflag:s23], $0x2000  }
0x148: {  	p1 =	sne.s32 s5, $0x5D000;
	s17 =	rddreg [dreg:$0x9];
	[sflag:s23] =	ssyncset.done $0x0  }
.Ltmp0:
0x149: {  	[sflag:s23] =	ssyncadd.s32 $0xFFFFE000;
	s8 =	sadd.s32 s7, s17;
	(pc) =	sbr.rel @p1 .LBB2_2-.Ltmp0, $4  }
0x14a: {  	[hbm4b:s8+s3] =	stream.linear.scatter [tilespmem:s28], [sflag:$0x17], $0x2000, $0x38;
	[tilespmem:$0x1EC18] =	vst v63  }
0x14b: {  	s5 =	sadd.s32 $0x3000, s5;
	_ =	swait.ge [sflag:s25], $0x2000  }
0x14c: {  	s6 =	sadd.s32 $0x300, s6;
	[sflag:s25] =	ssyncset.done $0x0;
	s28 =	rddreg [dreg:$0x8]  }
0x14d: {  	s16 =	simm.s32 $0x1CC18;
	[sflag:s25] =	ssyncadd.s32 $0xFFFFE000;
	s7 =	sadd.s32 s7, s28  }
0x14e: {  	[hbm4b:s7+s3] =	stream.linear.scatter [tilespmem:s16], [sflag:$0x18], $0x2000, $0x38;
	[tilespmem:$0x1EC18] =	vst v63  }
0x14f: {  	s4 =	simm.s32 $0xD  }
0x150: {  	_ =	swait.ge [sflag:s4], $0x2000  }
0x151: {  	s6 =	simm.s32 $0x6C18;
	[sflag:s4] =	ssyncset.done $0x0  }
0x152: {  	s5 =	simm.s32 $0x6B18;
	s16 =	simm.s32 $0xE;
	[sflag:s4] =	ssyncadd.s32 $0xFFFFE000  }
0x153: {  	[tilespmem:s6], [sflag:$0x1] =	stream.indirect.gather [spmem:s2], $0x80, s5, s24, $0xb8;
	[tilespmem:$0x1EC18] =	vst v63  }
0x154: {  	_ =	swait.ge [sflag:s16], $0x2000  }
0x155: {  	[sflag:s16] =	ssyncset.done $0x0  }
0x156: {  	s7 =	simm.s32 $0x8C18;
	s17 =	simm.s32 $0x6B58;
	[sflag:s16] =	ssyncadd.s32 $0xFFFFE000  }
0x157: {  	[tilespmem:s7], [sflag:$0x2] =	stream.indirect.gather [spmem:s2], $0x80, s17, s24, $0xb8;
	[tilespmem:$0x1EC18] =	vst v63  }
0x158: {  	s17 =	simm.s32 $0xF  }
0x159: {  	_ =	swait.ge [sflag:s17], $0x2000  }
0x15a: {  	[sflag:s17] =	ssyncset.done $0x0  }
0x15b: {  	s8 =	simm.s32 $0xAC18;
	s18 =	simm.s32 $0x6B98;
	[sflag:s17] =	ssyncadd.s32 $0xFFFFE000  }
0x15c: {  	[tilespmem:s8], [sflag:$0x3] =	stream.indirect.gather [spmem:s2], $0x80, s18, s24, $0xb8;
	[tilespmem:$0x1EC18] =	vst v63  }
0x15d: {  	s18 =	simm.s32 $0x10  }
0x15e: {  	_ =	swait.ge [sflag:s18], $0x2000  }
0x15f: {  	[sflag:s18] =	ssyncset.done $0x0  }
0x160: {  	s9 =	simm.s32 $0xCC18;
	s28 =	simm.s32 $0x6BD8;
	[sflag:s18] =	ssyncadd.s32 $0xFFFFE000  }
0x161: {  	[tilespmem:s9], [sflag:$0x4] =	stream.indirect.gather [spmem:s2], $0x80, s28, s24, $0xb8;
	[tilespmem:$0x1EC18] =	vst v63  }
0x162: {  	s28 =	simm.s32 $0x1  }
0x163: {  	_ =	swait.ge [sflag:s28], $0x2000  }
0x164: {  	[sflag:s28] =	ssyncset.done $0x0  }
0x165: {  	[sflag:s28] =	ssyncadd.s32 $0xFFFFE000;
	s28 =	rddreg [dreg:$0x1e]  }
0x166: {  	[hbm4b:s28+s3] =	stream.linear.scatter [tilespmem:s6], [sflag:$0xD], $0x2000, $0x38;
	[tilespmem:$0x1EC18] =	vst v63  }
0x167: {  	s28 =	simm.s32 $0x2  }
0x168: {  	_ =	swait.ge [sflag:s28], $0x2000  }
0x169: {  	[sflag:s28] =	ssyncset.done $0x0  }
0x16a: {  	s6 =	rddreg [dreg:$0x1f];
	[sflag:s28] =	ssyncadd.s32 $0xFFFFE000;
	s28 =	simm.s32 $0x3  }
0x16b: {  	[hbm4b:s6+s3] =	stream.linear.scatter [tilespmem:s7], [sflag:$0xE], $0x2000, $0x38;
	[tilespmem:$0x1EC18] =	vst v63  }
0x16c: {  	_ =	swait.ge [sflag:s28], $0x2000  }
0x16d: {  	s6 =	sld [smem:$0x7FB]  }
0x16e: {  	[sflag:s28] =	ssyncset.done $0x0  }
0x16f: {  	s7 =	simm.s32 $0x4;
	[sflag:s28] =	ssyncadd.s32 $0xFFFFE000  }
0x170: {  	[hbm4b:s6+s3] =	stream.linear.scatter [tilespmem:s8], [sflag:$0xF], $0x2000, $0x38;
	[tilespmem:$0x1EC18] =	vst v63  }
0x171: {  	_ =	swait.ge [sflag:s7], $0x2000  }
0x172: {  	s8 =	sld [smem:$0x7FC]  }
0x173: {  	[sflag:s7] =	ssyncset.done $0x0  }
0x174: {  	[sflag:s7] =	ssyncadd.s32 $0xFFFFE000  }
0x175: {  	[hbm4b:s8+s3] =	stream.linear.scatter [tilespmem:s9], [sflag:$0x10], $0x2000, $0x38;
	[tilespmem:$0x1EC18] =	vst v63  }
0x176: {  	_ =	swait.ge [sflag:s4], $0x2000  }
0x177: {  	[sflag:s4] =	ssyncset.done $0x0  }
0x178: {  	[sflag:s4] =	ssyncadd.s32 $0xFFFFE000  }
0x179: {  	_ =	swait.ge [sflag:s16], $0x2000  }
0x17a: {  	[sflag:s16] =	ssyncset.done $0x0  }
0x17b: {  	[sflag:s16] =	ssyncadd.s32 $0xFFFFE000  }
0x17c: {  	_ =	swait.ge [sflag:s17], $0x2000  }
0x17d: {  	[sflag:s17] =	ssyncset.done $0x0  }
0x17e: {  	[sflag:s17] =	ssyncadd.s32 $0xFFFFE000  }
0x17f: {  	_ =	swait.ge [sflag:s18], $0x2000  }
0x180: {  	[sflag:s18] =	ssyncset.done $0x0  }
0x181: {  	s16 =	simm.s32 $0x11;
	[sflag:s18] =	ssyncadd.s32 $0xFFFFE000  }
0x182: {  	_ =	swait.ge [sflag:s16], $0x2000  }
0x183: {  	[sflag:s16] =	ssyncset.done $0x0  }
0x184: {  	s17 =	simm.s32 $0x12;
	[sflag:s16] =	ssyncadd.s32 $0xFFFFE000  }
0x185: {  	_ =	swait.ge [sflag:s17], $0x2000  }
0x186: {  	[sflag:s17] =	ssyncset.done $0x0  }
0x187: {  	[sflag:s17] =	ssyncadd.s32 $0xFFFFE000  }
0x188: {  	_ =	swait.ge [sflag:s30], $0x2000  }
0x189: {  	[sflag:s30] =	ssyncset.done $0x0  }
0x18a: {  	[sflag:s30] =	ssyncadd.s32 $0xFFFFE000  }
0x18b: {  	_ =	swait.ge [sflag:s1], $0x2000  }
0x18c: {  	[sflag:s1] =	ssyncset.done $0x0  }
0x18d: {  	[sflag:s1] =	ssyncadd.s32 $0xFFFFE000  }
0x18e: {  	_ =	swait.ge [sflag:s26], $0x2000  }
0x18f: {  	[sflag:s26] =	ssyncset.done $0x0  }
0x190: {  	[sflag:s26] =	ssyncadd.s32 $0xFFFFE000  }
0x191: {  	_ =	swait.ge [sflag:s31], $0x2000  }
0x192: {  	[sflag:s31] =	ssyncset.done $0x0  }
0x193: {  	[sflag:s31] =	ssyncadd.s32 $0xFFFFE000  }
0x194: {  	_ =	swait.ge [sflag:s29], $0x2000  }
0x195: {  	[sflag:s29] =	ssyncset.done $0x0  }
0x196: {  	[sflag:s29] =	ssyncadd.s32 $0xFFFFE000  }
0x197: {  	_ =	swait.ge [sflag:s0], $0x2000  }
0x198: {  	s18 =	sld [smem:$0x7FA]  }
0x199: {  	s28 =	sld [smem:$0x7FD];
	_ =	sdelay $0x1  }
0x19a: {  	s4 =	sadd.s32 $0x1, s18  }
0x19b: {  	p1 =	sne.s32 s4, s28  }
.Ltmp1:
0x19c: {  	_ = 	snop;
	(pc) =	sbr.rel @p1 .LBB2_1-.Ltmp1, $3  }
0x19d: {  	_ =	sdelay $0x1  }
0x19e: {  	[sflag:s0] =	ssyncset.done $0x0  }
0x19f: {  	[sflag:s0] =	ssyncadd.s32 $0xFFFFE000  }
0x1a0: {  	_ =	sfence.sel $0x180000  }
0x1a1: {  	[bflag:$0x0] =	sbarrier.arrive $0xFFFF  }
0x1a2: {  	_ =	strace $0x90000047  }
0x1a3: {  	[bflag:$0x2] =	sbarrier.arrive $0xFFFF  }
0x1a4: {  	s0 =	rddreg [dreg:$0x4]  }
0x1a5: {  	s0 =	sadd.s32 @!p0 $0x100000, s0  }
0x1a6: {  	[sflag:s0] =	ssyncadd.tile.s32 @!p0 $0x1;
	_ =	shalt  }
.Lfunc_end2:
_tile_overlayer_lowered:
.L_overlay_start_2:
0x1a7: {  	(tag) =	ssettag $0x2  }
0x1a8: {  	s0 =	rddreg [dreg:$0x0];
	s2 =	stileid.u32  }
0x1a9: {  	s1 =	rddreg [dreg:$0x1];
	p0 =	sne.s32 s2, $0x0  }
0x1aa: {  	s3 =	rddreg [dreg:$0x2];
	[bflag:$0x3] =	sbarrier.arrive $0xFFFF;
	s2 =	simm.s32 @!p0 $0x1C19  }
0x1ab: {  	[timem:s3], [sflag:s2] =	dma.local @!p0 [hbm:s0], s1  }
0x1ac: {  	s0 =	simm.s32 @!p0 $0x19  }
0x1ad: {  	_ =	swait.ge @!p0 [sflag:s0], s1  }
0x1ae: {  	s1 =	ssub.s32 @!p0 $0x0, s1;
	[sflag:s0] =	ssyncset.done @!p0 $0x0  }
0x1af: {  	[sflag:s0] =	ssyncadd.s32 @!p0 s1  }
0x1b0: {  	[bflag:$0x3] =	sbarrier.arrive $0xFFFF  }
0x1b1: {  	_ =	shalt  }

</sc_bundles>
